<compile_context>
chip_gen: v7x
topology: tpu7x:2x2x1
jax: 0.10.2.dev20260603
libtpu: 0.0.44.dev20260713+nightly
codegen_flags: <defaults>
</compile_context>

<pallas_src>
import functools

import jax
import jax.numpy as jnp
from jax import lax
from jax.experimental import pallas as pl
from jax.experimental.pallas import tpu as pltpu
from jax.experimental.pallas import tpu_sc as plsc

F = 26
FP = 32
D = 64


def _gather_alpha_t(alpha_t, idx):
    B = idx.shape[0]
    n_lanes = alpha_t.shape[1]
    NC, NS = 2, 16
    NW = NC * NS
    b_per_w = B // NW
    CHUNK = 16
    W = 128
    NCH = b_per_w // CHUNK
    mesh = plsc.VectorSubcoreMesh(core_axis_name="c", subcore_axis_name="s")

    @functools.partial(
        pl.kernel,
        mesh=mesh,
        compiler_params=pltpu.CompilerParams(needs_layout_passes=False),
        out_type=jax.ShapeDtypeStruct((FP, B), jnp.float32),
        scratch_types=[
            pltpu.VMEM((b_per_w,), jnp.int32),
            pltpu.VMEM((CHUNK * F, W), jnp.float32),
            pltpu.VMEM((CHUNK * F, W), jnp.float32),
            pltpu.VMEM((FP, b_per_w), jnp.float32),
            pltpu.SemaphoreType.DMA,
            pltpu.SemaphoreType.DMA,
        ],
    )
    def gather_k(table_hbm, idx_hbm, out_hbm, idx_v, buf0, buf1, out_v, s0, s1):
        wid = lax.axis_index("s") * NC + lax.axis_index("c")
        base = wid * b_per_w
        pltpu.sync_copy(idx_hbm.at[pl.ds(base, b_per_w)], idx_v)

        def fire(c, buf, sem):
            wins = jnp.minimum(
                (idx_v[pl.ds(c * CHUNK, CHUNK)] >> 7) << 7, n_lanes - W
            )
            for j in range(CHUNK):
                col = pl.multiple_of(wins[j], W)
                pltpu.make_async_copy(
                    table_hbm.at[:, pl.ds(col, W)],
                    buf.at[pl.ds(j * F, F)],
                    sem,
                ).start()

        def drain(buf, sem):
            for j in range(CHUNK):
                pltpu.make_async_copy(
                    table_hbm.at[:, pl.ds(0, W)],
                    buf.at[pl.ds(j * F, F)],
                    sem,
                ).wait()

        def extract(c, buf):
            iv = idx_v[pl.ds(c * CHUNK, CHUNK)]
            lane = iv - jnp.minimum((iv >> 7) << 7, n_lanes - W)
            r = lax.iota(jnp.int32, 16) * F
            for f in range(F):
                v = plsc.load_gather(buf, [r + f, lane])
                plsc.store_scatter(
                    out_v,
                    [jnp.full((16,), f, jnp.int32),
                     c * CHUNK + lax.iota(jnp.int32, 16)],
                    v,
                )

        def pair_body(p, _):
            c = p * 2
            fire(c + 1, buf1, s1)
            drain(buf0, s0)
            extract(c, buf0)

            @pl.when(p < NCH // 2 - 1)
            def _():
                fire(c + 2, buf0, s0)

            drain(buf1, s1)
            extract(c + 1, buf1)
            return 0

        fire(0, buf0, s0)
        lax.fori_loop(0, NCH // 2, pair_body, 0)
        pltpu.sync_copy(out_v, out_hbm.at[:, pl.ds(base, b_per_w)])

    return gather_k(alpha_t, idx)


def _merge_t(alpha_t8, stack_t, lane_off, block_l=1024):
    Bk = alpha_t8.shape[1]
    ko = lane_off // block_l

    def body(alpha_ref, stack_ref, out_ref):
        a = alpha_ref[...]
        row = lax.broadcasted_iota(jnp.int32, a.shape, 0)
        e = jnp.where(row < F, jnp.exp(a), 0.0)
        s = jnp.sum(e, axis=0, keepdims=True)
        w = e * (1.0 / s)
        acc = w[0:1, :] * stack_ref[0]
        for f in range(1, F):
            acc = acc + w[f : f + 1, :] * stack_ref[f]
        out_ref[...] = acc

    return pl.pallas_call(
        body,
        grid=(Bk // block_l,),
        in_specs=[
            pl.BlockSpec((FP, block_l), lambda i: (0, i)),
            pl.BlockSpec((F, D, block_l), lambda i: (0, 0, i + ko)),
        ],
        out_specs=pl.BlockSpec((D, block_l), lambda i: (0, i)),
        out_shape=jax.ShapeDtypeStruct((D, Bk), jnp.float32),
    )(alpha_t8, stack_t)


def kernel(item_input, stack_embeds, alpha_attention):
    idx = item_input.reshape(-1)
    B = idx.shape[0]
    alpha_t = alpha_attention.T
    stack_t = jnp.transpose(stack_embeds, (1, 2, 0))
    K = 1
    Bk = B // K
    outs = []
    for k in range(K):
        alpha_k = _gather_alpha_t(alpha_t, lax.slice(idx, (k * Bk,), ((k + 1) * Bk,)))
        outs.append(_merge_t(alpha_k, stack_t, k * Bk))
    out_t = jnp.concatenate(outs, axis=1)
    return out_t.T

# --- scband reference (transcript-rebuilt; emitter-appended) ---
"""Pipeline reference for scband-attention-eges-59760174956946 (READ-ONLY COPY).

The authoritative reference and input builder live on the scoring server;
editing this copy changes nothing except your own understanding.
"""

import jax, jax.numpy as jnp
import numpy as np

ITEM_NUMS = 1000000
FEAT_NUMS = 26
EMBED_DIM = 64
BATCH = 16384


def setup_inputs(seed: int = 0) -> dict:
    key = jax.random.key(seed)
    k1, k2, k3 = jax.random.split(key, 3)
    item_input = jax.random.randint(k1, (BATCH, 1), 0, ITEM_NUMS, dtype=jnp.int32)
    stack_embeds = jax.random.normal(k2, (BATCH, FEAT_NUMS, EMBED_DIM), dtype=jnp.float32)
    # alpha_attention initialized RandomUniform(-1, 1) as in the keras layer
    alpha_attention = jax.random.uniform(k3, (ITEM_NUMS, FEAT_NUMS), dtype=jnp.float32, minval=-1.0, maxval=1.0)
    return {"item_input": item_input, "stack_embeds": stack_embeds, "alpha_attention": alpha_attention}


def reference(item_input, stack_embeds, alpha_attention):
    # embedding lookup of per-item attention weights: [B, 1, F]
    alpha_embeds = jnp.take(alpha_attention, item_input, axis=0)
    alpha_embeds = jnp.exp(alpha_embeds)
    # sum over feature axis -> [B, 1]
    alpha_sum = jnp.sum(alpha_embeds, axis=-1)
    # weighted merge of the stacked per-field embeddings: [B, 1, F] @ [B, F, D] -> [B, 1, D]
    merge_embeds = jnp.matmul(alpha_embeds, stack_embeds)
    # squeeze and normalize by attention mass: [B, D] / [B, 1]
    merge_embeds = jnp.squeeze(merge_embeds, axis=1) / alpha_sum
    return merge_embeds

if __name__ == "__main__":
    import jax
    _d = setup_inputs()
    print(jax.jit(kernel)(*tuple(_d.values())))

</pallas_src>

<mosaic_0001>
#map = affine_map<(d0, d1) -> (0, 0)>
#map1 = affine_map<(d0, d1) -> (0)>
module attributes {stable_mosaic.version = 14 : i64} {
  func.func @gather_k(%arg0: i32, %arg1: i32, %arg2: memref<26x1000000xf32, #tpu.memory_space<hbm>>, %arg3: memref<16384xi32, #tpu.memory_space<hbm>>, %arg4: memref<32x16384xf32, #tpu.memory_space<hbm>>, %arg5: memref<512xi32, #tpu.memory_space<vmem>>, %arg6: memref<416x128xf32, #tpu.memory_space<vmem>>, %arg7: memref<416x128xf32, #tpu.memory_space<vmem>>, %arg8: memref<32x512xf32, #tpu.memory_space<vmem>>, %arg9: memref<!tpu.dma_semaphore, #tpu.memory_space<semaphore_mem>>, %arg10: memref<!tpu.dma_semaphore, #tpu.memory_space<semaphore_mem>>) attributes {dimension_semantics = [#tpu.dimension_semantics<core_parallel>, #tpu.dimension_semantics<subcore_parallel>], iteration_bounds = array<i64: 2, 16>, scalar_prefetch = 0 : i64, scratch_operands = 6 : i64, tpu.core_type = #tpu.core_type<sc_vector_subcore>, window_params = [{transform_indices = #map}, {transform_indices = #map1}, {transform_indices = #map}]} {
    %mul3A = arith.constant 2 : i32
    %mul3A_0 = arith.muli %arg1, %mul3A : i32
    %add3A = arith.addi %mul3A_0, %arg0 : i32
    %mul3A_1 = arith.constant 512 : i32
    %mul3A_2 = arith.muli %add3A, %mul3A_1 : i32
    "tpu.region"() ({
      %run_scoped3A = tpu.sem_alloc : memref<!tpu.dma_semaphore, #tpu.memory_space<semaphore_mem>>
      %dma_start3A_220 = tpu.memref_slice %arg3[%mul3A_2] : memref<16384xi32, #tpu.memory_space<hbm>> -> memref<512xi32, #tpu.memory_space<hbm>>
      %dma_start3A_221 = tpu.memref_slice %arg3[%mul3A_2] : memref<16384xi32, #tpu.memory_space<hbm>> -> memref<512xi32, #tpu.memory_space<hbm>>
      tpu.enqueue_dma source(%dma_start3A_221 : memref<512xi32, #tpu.memory_space<hbm>>) target(%arg5 : memref<512xi32, #tpu.memory_space<vmem>>) target_semaphore(%run_scoped3A : memref<!tpu.dma_semaphore, #tpu.memory_space<semaphore_mem>>)
      %dma_wait3A = tpu.memref_slice %arg3[%mul3A_2] : memref<16384xi32, #tpu.memory_space<hbm>> -> memref<512xi32, #tpu.memory_space<hbm>>
      %dma_wait3A_222 = tpu.memref_slice %arg3[%mul3A_2] : memref<16384xi32, #tpu.memory_space<hbm>> -> memref<512xi32, #tpu.memory_space<hbm>>
      tpu.wait_dma2 semaphore(%run_scoped3A : memref<!tpu.dma_semaphore, #tpu.memory_space<semaphore_mem>>) src(%dma_wait3A_222 : memref<512xi32, #tpu.memory_space<hbm>>) dst(%arg5 : memref<512xi32, #tpu.memory_space<vmem>>)
      tpu.yield
    }) : () -> ()
    %get3A = arith.constant 0 : index
    %get3A_3 = tpu.vector_load %arg5[%get3A] {strides = array<i32>} : memref<512xi32, #tpu.memory_space<vmem>>, vector<16xi32>,
    %shift_right_arithmetic3A = arith.constant 7 : i32
    %shift_right_arithmetic3A_4 = vector.broadcast %shift_right_arithmetic3A : i32 to vector<16xi32>
    %shift_right_arithmetic3A_5 = arith.shrsi %get3A_3, %shift_right_arithmetic3A_4 : vector<16xi32>
    %shift_left3A = arith.constant 7 : i32
    %shift_left3A_6 = vector.broadcast %shift_left3A : i32 to vector<16xi32>
    %shift_left3A_7 = arith.shli %shift_right_arithmetic3A_5, %shift_left3A_6 : vector<16xi32>
    %min3A = arith.constant 999872 : i32
    %min3A_8 = vector.broadcast %min3A : i32 to vector<16xi32>
    %min3A_9 = arith.minsi %shift_left3A_7, %min3A_8 : vector<16xi32>
    %slice3A = vector.extract_strided_slice %min3A_9 {offsets = [0], sizes = [1], strides = [1]} : vector<16xi32> to vector<1xi32>
    %squeeze3A = vector.extract %slice3A[0] : i32 from vector<1xi32>
    %multiple_of3A = tpu.assume_multiple %squeeze3A, 128 : i32
    %dma_start3A = arith.constant 0 : i32
    %dma_start3A_10 = arith.constant 0 : i32
    %dma_start3A_11 = tpu.memref_slice %arg6[%dma_start3A, %dma_start3A_10] : memref<416x128xf32, #tpu.memory_space<vmem>> -> memref<26x128xf32, #tpu.memory_space<vmem>>
    %dma_start3A_12 = arith.constant 0 : i32
    %dma_start3A_13 = tpu.memref_slice %arg2[%dma_start3A_12, %multiple_of3A] : memref<26x1000000xf32, #tpu.memory_space<hbm>> -> memref<26x128xf32, #tpu.memory_space<hbm>>
    %dma_start3A_14 = arith.constant 0 : i32
    %dma_start3A_15 = arith.constant 0 : i32
    %dma_start3A_16 = tpu.memref_slice %arg6[%dma_start3A_14, %dma_start3A_15] : memref<416x128xf32, #tpu.memory_space<vmem>> -> memref<26x128xf32, #tpu.memory_space<vmem>>
    %dma_start3A_17 = arith.constant 0 : i32
    %dma_start3A_18 = tpu.memref_slice %arg2[%dma_start3A_17, %multiple_of3A] : memref<26x1000000xf32, #tpu.memory_space<hbm>> -> memref<26x128xf32, #tpu.memory_space<hbm>>
    tpu.enqueue_dma source(%dma_start3A_18 : memref<26x128xf32, #tpu.memory_space<hbm>>) target(%dma_start3A_16 : memref<26x128xf32, #tpu.memory_space<vmem>>) target_semaphore(%arg9 : memref<!tpu.dma_semaphore, #tpu.memory_space<semaphore_mem>>)
    %slice3A_19 = vector.extract_strided_slice %min3A_9 {offsets = [1], sizes = [1], strides = [1]} : vector<16xi32> to vector<1xi32>
    %squeeze3A_20 = vector.extract %slice3A_19[0] : i32 from vector<1xi32>
    %multiple_of3A_21 = tpu.assume_multiple %squeeze3A_20, 128 : i32
    %dma_start3A_22 = arith.constant 26 : i32
    %dma_start3A_23 = arith.constant 0 : i32
    %dma_start3A_24 = tpu.memref_slice %arg6[%dma_start3A_22, %dma_start3A_23] : memref<416x128xf32, #tpu.memory_space<vmem>> -> memref<26x128xf32, #tpu.memory_space<vmem>>
    %dma_start3A_25 = arith.constant 0 : i32
    %dma_start3A_26 = tpu.memref_slice %arg2[%dma_start3A_25, %multiple_of3A_21] : memref<26x1000000xf32, #tpu.memory_space<hbm>> -> memref<26x128xf32, #tpu.memory_space<hbm>>
    %dma_start3A_27 = arith.constant 26 : i32
    %dma_start3A_28 = arith.constant 0 : i32
    %dma_start3A_29 = tpu.memref_slice %arg6[%dma_start3A_27, %dma_start3A_28] : memref<416x128xf32, #tpu.memory_space<vmem>> -> memref<26x128xf32, #tpu.memory_space<vmem>>
    %dma_start3A_30 = arith.constant 0 : i32
    %dma_start3A_31 = tpu.memref_slice %arg2[%dma_start3A_30, %multiple_of3A_21] : memref<26x1000000xf32, #tpu.memory_space<hbm>> -> memref<26x128xf32, #tpu.memory_space<hbm>>
    tpu.enqueue_dma source(%dma_start3A_31 : memref<26x128xf32, #tpu.memory_space<hbm>>) target(%dma_start3A_29 : memref<26x128xf32, #tpu.memory_space<vmem>>) target_semaphore(%arg9 : memref<!tpu.dma_semaphore, #tpu.memory_space<semaphore_mem>>)
    %slice3A_32 = vector.extract_strided_slice %min3A_9 {offsets = [2], sizes = [1], strides = [1]} : vector<16xi32> to vector<1xi32>
    %squeeze3A_33 = vector.extract %slice3A_32[0] : i32 from vector<1xi32>
    %multiple_of3A_34 = tpu.assume_multiple %squeeze3A_33, 128 : i32
    %dma_start3A_35 = arith.constant 52 : i32
    %dma_start3A_36 = arith.constant 0 : i32
    %dma_start3A_37 = tpu.memref_slice %arg6[%dma_start3A_35, %dma_start3A_36] : memref<416x128xf32, #tpu.memory_space<vmem>> -> memref<26x128xf32, #tpu.memory_space<vmem>>
    %dma_start3A_38 = arith.constant 0 : i32
    %dma_start3A_39 = tpu.memref_slice %arg2[%dma_start3A_38, %multiple_of3A_34] : memref<26x1000000xf32, #tpu.memory_space<hbm>> -> memref<26x128xf32, #tpu.memory_space<hbm>>
    %dma_start3A_40 = arith.constant 52 : i32
    %dma_start3A_41 = arith.constant 0 : i32
    %dma_start3A_42 = tpu.memref_slice %arg6[%dma_start3A_40, %dma_start3A_41] : memref<416x128xf32, #tpu.memory_space<vmem>> -> memref<26x128xf32, #tpu.memory_space<vmem>>
    %dma_start3A_43 = arith.constant 0 : i32
    %dma_start3A_44 = tpu.memref_slice %arg2[%dma_start3A_43, %multiple_of3A_34] : memref<26x1000000xf32, #tpu.memory_space<hbm>> -> memref<26x128xf32, #tpu.memory_space<hbm>>
    tpu.enqueue_dma source(%dma_start3A_44 : memref<26x128xf32, #tpu.memory_space<hbm>>) target(%dma_start3A_42 : memref<26x128xf32, #tpu.memory_space<vmem>>) target_semaphore(%arg9 : memref<!tpu.dma_semaphore, #tpu.memory_space<semaphore_mem>>)
    %slice3A_45 = vector.extract_strided_slice %min3A_9 {offsets = [3], sizes = [1], strides = [1]} : vector<16xi32> to vector<1xi32>
    %squeeze3A_46 = vector.extract %slice3A_45[0] : i32 from vector<1xi32>
    %multiple_of3A_47 = tpu.assume_multiple %squeeze3A_46, 128 : i32
    %dma_start3A_48 = arith.constant 78 : i32
    %dma_start3A_49 = arith.constant 0 : i32
    %dma_start3A_50 = tpu.memref_slice %arg6[%dma_start3A_48, %dma_start3A_49] : memref<416x128xf32, #tpu.memory_space<vmem>> -> memref<26x128xf32, #tpu.memory_space<vmem>>
    %dma_start3A_51 = arith.constant 0 : i32
    %dma_start3A_52 = tpu.memref_slice %arg2[%dma_start3A_51, %multiple_of3A_47] : memref<26x1000000xf32, #tpu.memory_space<hbm>> -> memref<26x128xf32, #tpu.memory_space<hbm>>
    %dma_start3A_53 = arith.constant 78 : i32
    %dma_start3A_54 = arith.constant 0 : i32
    %dma_start3A_55 = tpu.memref_slice %arg6[%dma_start3A_53, %dma_start3A_54] : memref<416x128xf32, #tpu.memory_space<vmem>> -> memref<26x128xf32, #tpu.memory_space<vmem>>
    %dma_start3A_56 = arith.constant 0 : i32
    %dma_start3A_57 = tpu.memref_slice %arg2[%dma_start3A_56, %multiple_of3A_47] : memref<26x1000000xf32, #tpu.memory_space<hbm>> -> memref<26x128xf32, #tpu.memory_space<hbm>>
    tpu.enqueue_dma source(%dma_start3A_57 : memref<26x128xf32, #tpu.memory_space<hbm>>) target(%dma_start3A_55 : memref<26x128xf32, #tpu.memory_space<vmem>>) target_semaphore(%arg9 : memref<!tpu.dma_semaphore, #tpu.memory_space<semaphore_mem>>)
    %slice3A_58 = vector.extract_strided_slice %min3A_9 {offsets = [4], sizes = [1], strides = [1]} : vector<16xi32> to vector<1xi32>
    %squeeze3A_59 = vector.extract %slice3A_58[0] : i32 from vector<1xi32>
    %multiple_of3A_60 = tpu.assume_multiple %squeeze3A_59, 128 : i32
    %dma_start3A_61 = arith.constant 104 : i32
    %dma_start3A_62 = arith.constant 0 : i32
    %dma_start3A_63 = tpu.memref_slice %arg6[%dma_start3A_61, %dma_start3A_62] : memref<416x128xf32, #tpu.memory_space<vmem>> -> memref<26x128xf32, #tpu.memory_space<vmem>>
    %dma_start3A_64 = arith.constant 0 : i32
    %dma_start3A_65 = tpu.memref_slice %arg2[%dma_start3A_64, %multiple_of3A_60] : memref<26x1000000xf32, #tpu.memory_space<hbm>> -> memref<26x128xf32, #tpu.memory_space<hbm>>
    %dma_start3A_66 = arith.constant 104 : i32
    %dma_start3A_67 = arith.constant 0 : i32
    %dma_start3A_68 = tpu.memref_slice %arg6[%dma_start3A_66, %dma_start3A_67] : memref<416x128xf32, #tpu.memory_space<vmem>> -> memref<26x128xf32, #tpu.memory_space<vmem>>
    %dma_start3A_69 = arith.constant 0 : i32
    %dma_start3A_70 = tpu.memref_slice %arg2[%dma_start3A_69, %multiple_of3A_60] : memref<26x1000000xf32, #tpu.memory_space<hbm>> -> memref<26x128xf32, #tpu.memory_space<hbm>>
    tpu.enqueue_dma source(%dma_start3A_70 : memref<26x128xf32, #tpu.memory_space<hbm>>) target(%dma_start3A_68 : memref<26x128xf32, #tpu.memory_space<vmem>>) target_semaphore(%arg9 : memref<!tpu.dma_semaphore, #tpu.memory_space<semaphore_mem>>)
    %slice3A_71 = vector.extract_strided_slice %min3A_9 {offsets = [5], sizes = [1], strides = [1]} : vector<16xi32> to vector<1xi32>
    %squeeze3A_72 = vector.extract %slice3A_71[0] : i32 from vector<1xi32>
    %multiple_of3A_73 = tpu.assume_multiple %squeeze3A_72, 128 : i32
    %dma_start3A_74 = arith.constant 130 : i32
    %dma_start3A_75 = arith.constant 0 : i32
    %dma_start3A_76 = tpu.memref_slice %arg6[%dma_start3A_74, %dma_start3A_75] : memref<416x128xf32, #tpu.memory_space<vmem>> -> memref<26x128xf32, #tpu.memory_space<vmem>>
    %dma_start3A_77 = arith.constant 0 : i32
    %dma_start3A_78 = tpu.memref_slice %arg2[%dma_start3A_77, %multiple_of3A_73] : memref<26x1000000xf32, #tpu.memory_space<hbm>> -> memref<26x128xf32, #tpu.memory_space<hbm>>
    %dma_start3A_79 = arith.constant 130 : i32
    %dma_start3A_80 = arith.constant 0 : i32
    %dma_start3A_81 = tpu.memref_slice %arg6[%dma_start3A_79, %dma_start3A_80] : memref<416x128xf32, #tpu.memory_space<vmem>> -> memref<26x128xf32, #tpu.memory_space<vmem>>
    %dma_start3A_82 = arith.constant 0 : i32
    %dma_start3A_83 = tpu.memref_slice %arg2[%dma_start3A_82, %multiple_of3A_73] : memref<26x1000000xf32, #tpu.memory_space<hbm>> -> memref<26x128xf32, #tpu.memory_space<hbm>>
    tpu.enqueue_dma source(%dma_start3A_83 : memref<26x128xf32, #tpu.memory_space<hbm>>) target(%dma_start3A_81 : memref<26x128xf32, #tpu.memory_space<vmem>>) target_semaphore(%arg9 : memref<!tpu.dma_semaphore, #tpu.memory_space<semaphore_mem>>)
    %slice3A_84 = vector.extract_strided_slice %min3A_9 {offsets = [6], sizes = [1], strides = [1]} : vector<16xi32> to vector<1xi32>
    %squeeze3A_85 = vector.extract %slice3A_84[0] : i32 from vector<1xi32>
    %multiple_of3A_86 = tpu.assume_multiple %squeeze3A_85, 128 : i32
    %dma_start3A_87 = arith.constant 156 : i32
    %dma_start3A_88 = arith.constant 0 : i32
    %dma_start3A_89 = tpu.memref_slice %arg6[%dma_start3A_87, %dma_start3A_88] : memref<416x128xf32, #tpu.memory_space<vmem>> -> memref<26x128xf32, #tpu.memory_space<vmem>>
    %dma_start3A_90 = arith.constant 0 : i32
    %dma_start3A_91 = tpu.memref_slice %arg2[%dma_start3A_90, %multiple_of3A_86] : memref<26x1000000xf32, #tpu.memory_space<hbm>> -> memref<26x128xf32, #tpu.memory_space<hbm>>
    %dma_start3A_92 = arith.constant 156 : i32
    %dma_start3A_93 = arith.constant 0 : i32
    %dma_start3A_94 = tpu.memref_slice %arg6[%dma_start3A_92, %dma_start3A_93] : memref<416x128xf32, #tpu.memory_space<vmem>> -> memref<26x128xf32, #tpu.memory_space<vmem>>
    %dma_start3A_95 = arith.constant 0 : i32
    %dma_start3A_96 = tpu.memref_slice %arg2[%dma_start3A_95, %multiple_of3A_86] : memref<26x1000000xf32, #tpu.memory_space<hbm>> -> memref<26x128xf32, #tpu.memory_space<hbm>>
    tpu.enqueue_dma source(%dma_start3A_96 : memref<26x128xf32, #tpu.memory_space<hbm>>) target(%dma_start3A_94 : memref<26x128xf32, #tpu.memory_space<vmem>>) target_semaphore(%arg9 : memref<!tpu.dma_semaphore, #tpu.memory_space<semaphore_mem>>)
    %slice3A_97 = vector.extract_strided_slice %min3A_9 {offsets = [7], sizes = [1], strides = [1]} : vector<16xi32> to vector<1xi32>
    %squeeze3A_98 = vector.extract %slice3A_97[0] : i32 from vector<1xi32>
    %multiple_of3A_99 = tpu.assume_multiple %squeeze3A_98, 128 : i32
    %dma_start3A_100 = arith.constant 182 : i32
    %dma_start3A_101 = arith.constant 0 : i32
    %dma_start3A_102 = tpu.memref_slice %arg6[%dma_start3A_100, %dma_start3A_101] : memref<416x128xf32, #tpu.memory_space<vmem>> -> memref<26x128xf32, #tpu.memory_space<vmem>>
    %dma_start3A_103 = arith.constant 0 : i32
    %dma_start3A_104 = tpu.memref_slice %arg2[%dma_start3A_103, %multiple_of3A_99] : memref<26x1000000xf32, #tpu.memory_space<hbm>> -> memref<26x128xf32, #tpu.memory_space<hbm>>
    %dma_start3A_105 = arith.constant 182 : i32
    %dma_start3A_106 = arith.constant 0 : i32
    %dma_start3A_107 = tpu.memref_slice %arg6[%dma_start3A_105, %dma_start3A_106] : memref<416x128xf32, #tpu.memory_space<vmem>> -> memref<26x128xf32, #tpu.memory_space<vmem>>
    %dma_start3A_108 = arith.constant 0 : i32
    %dma_start3A_109 = tpu.memref_slice %arg2[%dma_start3A_108, %multiple_of3A_99] : memref<26x1000000xf32, #tpu.memory_space<hbm>> -> memref<26x128xf32, #tpu.memory_space<hbm>>
    tpu.enqueue_dma source(%dma_start3A_109 : memref<26x128xf32, #tpu.memory_space<hbm>>) target(%dma_start3A_107 : memref<26x128xf32, #tpu.memory_space<vmem>>) target_semaphore(%arg9 : memref<!tpu.dma_semaphore, #tpu.memory_space<semaphore_mem>>)
    %slice3A_110 = vector.extract_strided_slice %min3A_9 {offsets = [8], sizes = [1], strides = [1]} : vector<16xi32> to vector<1xi32>
    %squeeze3A_111 = vector.extract %slice3A_110[0] : i32 from vector<1xi32>
    %multiple_of3A_112 = tpu.assume_multiple %squeeze3A_111, 128 : i32
    %dma_start3A_113 = arith.constant 208 : i32
    %dma_start3A_114 = arith.constant 0 : i32
    %dma_start3A_115 = tpu.memref_slice %arg6[%dma_start3A_113, %dma_start3A_114] : memref<416x128xf32, #tpu.memory_space<vmem>> -> memref<26x128xf32, #tpu.memory_space<vmem>>
    %dma_start3A_116 = arith.constant 0 : i32
    %dma_start3A_117 = tpu.memref_slice %arg2[%dma_start3A_116, %multiple_of3A_112] : memref<26x1000000xf32, #tpu.memory_space<hbm>> -> memref<26x128xf32, #tpu.memory_space<hbm>>
    %dma_start3A_118 = arith.constant 208 : i32
    %dma_start3A_119 = arith.constant 0 : i32
    %dma_start3A_120 = tpu.memref_slice %arg6[%dma_start3A_118, %dma_start3A_119] : memref<416x128xf32, #tpu.memory_space<vmem>> -> memref<26x128xf32, #tpu.memory_space<vmem>>
    %dma_start3A_121 = arith.constant 0 : i32
    %dma_start3A_122 = tpu.memref_slice %arg2[%dma_start3A_121, %multiple_of3A_112] : memref<26x1000000xf32, #tpu.memory_space<hbm>> -> memref<26x128xf32, #tpu.memory_space<hbm>>
    tpu.enqueue_dma source(%dma_start3A_122 : memref<26x128xf32, #tpu.memory_space<hbm>>) target(%dma_start3A_120 : memref<26x128xf32, #tpu.memory_space<vmem>>) target_semaphore(%arg9 : memref<!tpu.dma_semaphore, #tpu.memory_space<semaphore_mem>>)
    %slice3A_123 = vector.extract_strided_slice %min3A_9 {offsets = [9], sizes = [1], strides = [1]} : vector<16xi32> to vector<1xi32>
    %squeeze3A_124 = vector.extract %slice3A_123[0] : i32 from vector<1xi32>
    %multiple_of3A_125 = tpu.assume_multiple %squeeze3A_124, 128 : i32
    %dma_start3A_126 = arith.constant 234 : i32
    %dma_start3A_127 = arith.constant 0 : i32
    %dma_start3A_128 = tpu.memref_slice %arg6[%dma_start3A_126, %dma_start3A_127] : memref<416x128xf32, #tpu.memory_space<vmem>> -> memref<26x128xf32, #tpu.memory_space<vmem>>
    %dma_start3A_129 = arith.constant 0 : i32
    %dma_start3A_130 = tpu.memref_slice %arg2[%dma_start3A_129, %multiple_of3A_125] : memref<26x1000000xf32, #tpu.memory_space<hbm>> -> memref<26x128xf32, #tpu.memory_space<hbm>>
    %dma_start3A_131 = arith.constant 234 : i32
    %dma_start3A_132 = arith.constant 0 : i32
    %dma_start3A_133 = tpu.memref_slice %arg6[%dma_start3A_131, %dma_start3A_132] : memref<416x128xf32, #tpu.memory_space<vmem>> -> memref<26x128xf32, #tpu.memory_space<vmem>>
    %dma_start3A_134 = arith.constant 0 : i32
    %dma_start3A_135 = tpu.memref_slice %arg2[%dma_start3A_134, %multiple_of3A_125] : memref<26x1000000xf32, #tpu.memory_space<hbm>> -> memref<26x128xf32, #tpu.memory_space<hbm>>
    tpu.enqueue_dma source(%dma_start3A_135 : memref<26x128xf32, #tpu.memory_space<hbm>>) target(%dma_start3A_133 : memref<26x128xf32, #tpu.memory_space<vmem>>) target_semaphore(%arg9 : memref<!tpu.dma_semaphore, #tpu.memory_space<semaphore_mem>>)
    %slice3A_136 = vector.extract_strided_slice %min3A_9 {offsets = [10], sizes = [1], strides = [1]} : vector<16xi32> to vector<1xi32>
    %squeeze3A_137 = vector.extract %slice3A_136[0] : i32 from vector<1xi32>
    %multiple_of3A_138 = tpu.assume_multiple %squeeze3A_137, 128 : i32
    %dma_start3A_139 = arith.constant 260 : i32
    %dma_start3A_140 = arith.constant 0 : i32
    %dma_start3A_141 = tpu.memref_slice %arg6[%dma_start3A_139, %dma_start3A_140] : memref<416x128xf32, #tpu.memory_space<vmem>> -> memref<26x128xf32, #tpu.memory_space<vmem>>
    %dma_start3A_142 = arith.constant 0 : i32
    %dma_start3A_143 = tpu.memref_slice %arg2[%dma_start3A_142, %multiple_of3A_138] : memref<26x1000000xf32, #tpu.memory_space<hbm>> -> memref<26x128xf32, #tpu.memory_space<hbm>>
    %dma_start3A_144 = arith.constant 260 : i32
    %dma_start3A_145 = arith.constant 0 : i32
    %dma_start3A_146 = tpu.memref_slice %arg6[%dma_start3A_144, %dma_start3A_145] : memref<416x128xf32, #tpu.memory_space<vmem>> -> memref<26x128xf32, #tpu.memory_space<vmem>>
    %dma_start3A_147 = arith.constant 0 : i32
    %dma_start3A_148 = tpu.memref_slice %arg2[%dma_start3A_147, %multiple_of3A_138] : memref<26x1000000xf32, #tpu.memory_space<hbm>> -> memref<26x128xf32, #tpu.memory_space<hbm>>
    tpu.enqueue_dma source(%dma_start3A_148 : memref<26x128xf32, #tpu.memory_space<hbm>>) target(%dma_start3A_146 : memref<26x128xf32, #tpu.memory_space<vmem>>) target_semaphore(%arg9 : memref<!tpu.dma_semaphore, #tpu.memory_space<semaphore_mem>>)
    %slice3A_149 = vector.extract_strided_slice %min3A_9 {offsets = [11], sizes = [1], strides = [1]} : vector<16xi32> to vector<1xi32>
    %squeeze3A_150 = vector.extract %slice3A_149[0] : i32 from vector<1xi32>
    %multiple_of3A_151 = tpu.assume_multiple %squeeze3A_150, 128 : i32
    %dma_start3A_152 = arith.constant 286 : i32
    %dma_start3A_153 = arith.constant 0 : i32
    %dma_start3A_154 = tpu.memref_slice %arg6[%dma_start3A_152, %dma_start3A_153] : memref<416x128xf32, #tpu.memory_space<vmem>> -> memref<26x128xf32, #tpu.memory_space<vmem>>
    %dma_start3A_155 = arith.constant 0 : i32
    %dma_start3A_156 = tpu.memref_slice %arg2[%dma_start3A_155, %multiple_of3A_151] : memref<26x1000000xf32, #tpu.memory_space<hbm>> -> memref<26x128xf32, #tpu.memory_space<hbm>>
    %dma_start3A_157 = arith.constant 286 : i32
    %dma_start3A_158 = arith.constant 0 : i32
    %dma_start3A_159 = tpu.memref_slice %arg6[%dma_start3A_157, %dma_start3A_158] : memref<416x128xf32, #tpu.memory_space<vmem>> -> memref<26x128xf32, #tpu.memory_space<vmem>>
    %dma_start3A_160 = arith.constant 0 : i32
    %dma_start3A_161 = tpu.memref_slice %arg2[%dma_start3A_160, %multiple_of3A_151] : memref<26x1000000xf32, #tpu.memory_space<hbm>> -> memref<26x128xf32, #tpu.memory_space<hbm>>
    tpu.enqueue_dma source(%dma_start3A_161 : memref<26x128xf32, #tpu.memory_space<hbm>>) target(%dma_start3A_159 : memref<26x128xf32, #tpu.memory_space<vmem>>) target_semaphore(%arg9 : memref<!tpu.dma_semaphore, #tpu.memory_space<semaphore_mem>>)
    %slice3A_162 = vector.extract_strided_slice %min3A_9 {offsets = [12], sizes = [1], strides = [1]} : vector<16xi32> to vector<1xi32>
    %squeeze3A_163 = vector.extract %slice3A_162[0] : i32 from vector<1xi32>
    %multiple_of3A_164 = tpu.assume_multiple %squeeze3A_163, 128 : i32
    %dma_start3A_165 = arith.constant 312 : i32
    %dma_start3A_166 = arith.constant 0 : i32
    %dma_start3A_167 = tpu.memref_slice %arg6[%dma_start3A_165, %dma_start3A_166] : memref<416x128xf32, #tpu.memory_space<vmem>> -> memref<26x128xf32, #tpu.memory_space<vmem>>
    %dma_start3A_168 = arith.constant 0 : i32
    %dma_start3A_169 = tpu.memref_slice %arg2[%dma_start3A_168, %multiple_of3A_164] : memref<26x1000000xf32, #tpu.memory_space<hbm>> -> memref<26x128xf32, #tpu.memory_space<hbm>>
    %dma_start3A_170 = arith.constant 312 : i32
    %dma_start3A_171 = arith.constant 0 : i32
    %dma_start3A_172 = tpu.memref_slice %arg6[%dma_start3A_170, %dma_start3A_171] : memref<416x128xf32, #tpu.memory_space<vmem>> -> memref<26x128xf32, #tpu.memory_space<vmem>>
    %dma_start3A_173 = arith.constant 0 : i32
    %dma_start3A_174 = tpu.memref_slice %arg2[%dma_start3A_173, %multiple_of3A_164] : memref<26x1000000xf32, #tpu.memory_space<hbm>> -> memref<26x128xf32, #tpu.memory_space<hbm>>
    tpu.enqueue_dma source(%dma_start3A_174 : memref<26x128xf32, #tpu.memory_space<hbm>>) target(%dma_start3A_172 : memref<26x128xf32, #tpu.memory_space<vmem>>) target_semaphore(%arg9 : memref<!tpu.dma_semaphore, #tpu.memory_space<semaphore_mem>>)
    %slice3A_175 = vector.extract_strided_slice %min3A_9 {offsets = [13], sizes = [1], strides = [1]} : vector<16xi32> to vector<1xi32>
    %squeeze3A_176 = vector.extract %slice3A_175[0] : i32 from vector<1xi32>
    %multiple_of3A_177 = tpu.assume_multiple %squeeze3A_176, 128 : i32
    %dma_start3A_178 = arith.constant 338 : i32
    %dma_start3A_179 = arith.constant 0 : i32
    %dma_start3A_180 = tpu.memref_slice %arg6[%dma_start3A_178, %dma_start3A_179] : memref<416x128xf32, #tpu.memory_space<vmem>> -> memref<26x128xf32, #tpu.memory_space<vmem>>
    %dma_start3A_181 = arith.constant 0 : i32
    %dma_start3A_182 = tpu.memref_slice %arg2[%dma_start3A_181, %multiple_of3A_177] : memref<26x1000000xf32, #tpu.memory_space<hbm>> -> memref<26x128xf32, #tpu.memory_space<hbm>>
    %dma_start3A_183 = arith.constant 338 : i32
    %dma_start3A_184 = arith.constant 0 : i32
    %dma_start3A_185 = tpu.memref_slice %arg6[%dma_start3A_183, %dma_start3A_184] : memref<416x128xf32, #tpu.memory_space<vmem>> -> memref<26x128xf32, #tpu.memory_space<vmem>>
    %dma_start3A_186 = arith.constant 0 : i32
    %dma_start3A_187 = tpu.memref_slice %arg2[%dma_start3A_186, %multiple_of3A_177] : memref<26x1000000xf32, #tpu.memory_space<hbm>> -> memref<26x128xf32, #tpu.memory_space<hbm>>
    tpu.enqueue_dma source(%dma_start3A_187 : memref<26x128xf32, #tpu.memory_space<hbm>>) target(%dma_start3A_185 : memref<26x128xf32, #tpu.memory_space<vmem>>) target_semaphore(%arg9 : memref<!tpu.dma_semaphore, #tpu.memory_space<semaphore_mem>>)
    %slice3A_188 = vector.extract_strided_slice %min3A_9 {offsets = [14], sizes = [1], strides = [1]} : vector<16xi32> to vector<1xi32>
    %squeeze3A_189 = vector.extract %slice3A_188[0] : i32 from vector<1xi32>
    %multiple_of3A_190 = tpu.assume_multiple %squeeze3A_189, 128 : i32
    %dma_start3A_191 = arith.constant 364 : i32
    %dma_start3A_192 = arith.constant 0 : i32
    %dma_start3A_193 = tpu.memref_slice %arg6[%dma_start3A_191, %dma_start3A_192] : memref<416x128xf32, #tpu.memory_space<vmem>> -> memref<26x128xf32, #tpu.memory_space<vmem>>
    %dma_start3A_194 = arith.constant 0 : i32
    %dma_start3A_195 = tpu.memref_slice %arg2[%dma_start3A_194, %multiple_of3A_190] : memref<26x1000000xf32, #tpu.memory_space<hbm>> -> memref<26x128xf32, #tpu.memory_space<hbm>>
    %dma_start3A_196 = arith.constant 364 : i32
    %dma_start3A_197 = arith.constant 0 : i32
    %dma_start3A_198 = tpu.memref_slice %arg6[%dma_start3A_196, %dma_start3A_197] : memref<416x128xf32, #tpu.memory_space<vmem>> -> memref<26x128xf32, #tpu.memory_space<vmem>>
    %dma_start3A_199 = arith.constant 0 : i32
    %dma_start3A_200 = tpu.memref_slice %arg2[%dma_start3A_199, %multiple_of3A_190] : memref<26x1000000xf32, #tpu.memory_space<hbm>> -> memref<26x128xf32, #tpu.memory_space<hbm>>
    tpu.enqueue_dma source(%dma_start3A_200 : memref<26x128xf32, #tpu.memory_space<hbm>>) target(%dma_start3A_198 : memref<26x128xf32, #tpu.memory_space<vmem>>) target_semaphore(%arg9 : memref<!tpu.dma_semaphore, #tpu.memory_space<semaphore_mem>>)
    %slice3A_201 = vector.extract_strided_slice %min3A_9 {offsets = [15], sizes = [1], strides = [1]} : vector<16xi32> to vector<1xi32>
    %squeeze3A_202 = vector.extract %slice3A_201[0] : i32 from vector<1xi32>
    %multiple_of3A_203 = tpu.assume_multiple %squeeze3A_202, 128 : i32
    %dma_start3A_204 = arith.constant 390 : i32
    %dma_start3A_205 = arith.constant 0 : i32
    %dma_start3A_206 = tpu.memref_slice %arg6[%dma_start3A_204, %dma_start3A_205] : memref<416x128xf32, #tpu.memory_space<vmem>> -> memref<26x128xf32, #tpu.memory_space<vmem>>
    %dma_start3A_207 = arith.constant 0 : i32
    %dma_start3A_208 = tpu.memref_slice %arg2[%dma_start3A_207, %multiple_of3A_203] : memref<26x1000000xf32, #tpu.memory_space<hbm>> -> memref<26x128xf32, #tpu.memory_space<hbm>>
    %dma_start3A_209 = arith.constant 390 : i32
    %dma_start3A_210 = arith.constant 0 : i32
    %dma_start3A_211 = tpu.memref_slice %arg6[%dma_start3A_209, %dma_start3A_210] : memref<416x128xf32, #tpu.memory_space<vmem>> -> memref<26x128xf32, #tpu.memory_space<vmem>>
    %dma_start3A_212 = arith.constant 0 : i32
    %dma_start3A_213 = tpu.memref_slice %arg2[%dma_start3A_212, %multiple_of3A_203] : memref<26x1000000xf32, #tpu.memory_space<hbm>> -> memref<26x128xf32, #tpu.memory_space<hbm>>
    tpu.enqueue_dma source(%dma_start3A_213 : memref<26x128xf32, #tpu.memory_space<hbm>>) target(%dma_start3A_211 : memref<26x128xf32, #tpu.memory_space<vmem>>) target_semaphore(%arg9 : memref<!tpu.dma_semaphore, #tpu.memory_space<semaphore_mem>>)
    %scan3A = arith.constant 0 : i32
    %scan3A_214 = arith.constant 0 : i32
    %scan3A_215 = arith.constant 16 : i32
    %scan3A_216 = arith.addi %scan3A_214, %scan3A_215 : i32
    %scan3A_217 = arith.constant 1 : i32
    %scan3A_218 = scf.for %scan3A_220 = %scan3A_214 to %scan3A_216 step %scan3A_217 iter_args(%scan3A_221 = %scan3A) -> (i32)  : i32 {
      %mul3A_222 = arith.constant 2 : i32
      %mul3A_223 = arith.muli %scan3A_220, %mul3A_222 : i32
      %add3A_224 = arith.constant 1 : i32
      %add3A_225 = arith.addi %mul3A_223, %add3A_224 : i32
      %mul3A_226 = arith.constant 16 : i32
      %mul3A_227 = arith.muli %add3A_225, %mul3A_226 : i32
      %get3A_228 = arith.index_cast %mul3A_227 : i32 to index
      %get3A_229 = tpu.vector_load %arg5[%get3A_228] {strides = array<i32>} : memref<512xi32, #tpu.memory_space<vmem>>, vector<16xi32>,
      %shift_right_arithmetic3A_230 = arith.constant 7 : i32
      %shift_right_arithmetic3A_231 = vector.broadcast %shift_right_arithmetic3A_230 : i32 to vector<16xi32>
      %shift_right_arithmetic3A_232 = arith.shrsi %get3A_229, %shift_right_arithmetic3A_231 : vector<16xi32>
      %shift_left3A_233 = arith.constant 7 : i32
      %shift_left3A_234 = vector.broadcast %shift_left3A_233 : i32 to vector<16xi32>
      %shift_left3A_235 = arith.shli %shift_right_arithmetic3A_232, %shift_left3A_234 : vector<16xi32>
      %min3A_236 = arith.constant 999872 : i32
      %min3A_237 = vector.broadcast %min3A_236 : i32 to vector<16xi32>
      %min3A_238 = arith.minsi %shift_left3A_235, %min3A_237 : vector<16xi32>
      %slice3A_239 = vector.extract_strided_slice %min3A_238 {offsets = [0], sizes = [1], strides = [1]} : vector<16xi32> to vector<1xi32>
      %squeeze3A_240 = vector.extract %slice3A_239[0] : i32 from vector<1xi32>
      %multiple_of3A_241 = tpu.assume_multiple %squeeze3A_240, 128 : i32
      %dma_start3A_242 = arith.constant 0 : i32
      %dma_start3A_243 = arith.constant 0 : i32
      %dma_start3A_244 = tpu.memref_slice %arg7[%dma_start3A_242, %dma_start3A_243] : memref<416x128xf32, #tpu.memory_space<vmem>> -> memref<26x128xf32, #tpu.memory_space<vmem>>
      %dma_start3A_245 = arith.constant 0 : i32
      %dma_start3A_246 = tpu.memref_slice %arg2[%dma_start3A_245, %multiple_of3A_241] : memref<26x1000000xf32, #tpu.memory_space<hbm>> -> memref<26x128xf32, #tpu.memory_space<hbm>>
      %dma_start3A_247 = arith.constant 0 : i32
      %dma_start3A_248 = arith.constant 0 : i32
      %dma_start3A_249 = tpu.memref_slice %arg7[%dma_start3A_247, %dma_start3A_248] : memref<416x128xf32, #tpu.memory_space<vmem>> -> memref<26x128xf32, #tpu.memory_space<vmem>>
      %dma_start3A_250 = arith.constant 0 : i32
      %dma_start3A_251 = tpu.memref_slice %arg2[%dma_start3A_250, %multiple_of3A_241] : memref<26x1000000xf32, #tpu.memory_space<hbm>> -> memref<26x128xf32, #tpu.memory_space<hbm>>
      tpu.enqueue_dma source(%dma_start3A_251 : memref<26x128xf32, #tpu.memory_space<hbm>>) target(%dma_start3A_249 : memref<26x128xf32, #tpu.memory_space<vmem>>) target_semaphore(%arg10 : memref<!tpu.dma_semaphore, #tpu.memory_space<semaphore_mem>>)
      %slice3A_252 = vector.extract_strided_slice %min3A_238 {offsets = [1], sizes = [1], strides = [1]} : vector<16xi32> to vector<1xi32>
      %squeeze3A_253 = vector.extract %slice3A_252[0] : i32 from vector<1xi32>
      %multiple_of3A_254 = tpu.assume_multiple %squeeze3A_253, 128 : i32
      %dma_start3A_255 = arith.constant 26 : i32
      %dma_start3A_256 = arith.constant 0 : i32
      %dma_start3A_257 = tpu.memref_slice %arg7[%dma_start3A_255, %dma_start3A_256] : memref<416x128xf32, #tpu.memory_space<vmem>> -> memref<26x128xf32, #tpu.memory_space<vmem>>
      %dma_start3A_258 = arith.constant 0 : i32
      %dma_start3A_259 = tpu.memref_slice %arg2[%dma_start3A_258, %multiple_of3A_254] : memref<26x1000000xf32, #tpu.memory_space<hbm>> -> memref<26x128xf32, #tpu.memory_space<hbm>>
      %dma_start3A_260 = arith.constant 26 : i32
      %dma_start3A_261 = arith.constant 0 : i32
      %dma_start3A_262 = tpu.memref_slice %arg7[%dma_start3A_260, %dma_start3A_261] : memref<416x128xf32, #tpu.memory_space<vmem>> -> memref<26x128xf32, #tpu.memory_space<vmem>>
      %dma_start3A_263 = arith.constant 0 : i32
      %dma_start3A_264 = tpu.memref_slice %arg2[%dma_start3A_263, %multiple_of3A_254] : memref<26x1000000xf32, #tpu.memory_space<hbm>> -> memref<26x128xf32, #tpu.memory_space<hbm>>
      tpu.enqueue_dma source(%dma_start3A_264 : memref<26x128xf32, #tpu.memory_space<hbm>>) target(%dma_start3A_262 : memref<26x128xf32, #tpu.memory_space<vmem>>) target_semaphore(%arg10 : memref<!tpu.dma_semaphore, #tpu.memory_space<semaphore_mem>>)
      %slice3A_265 = vector.extract_strided_slice %min3A_238 {offsets = [2], sizes = [1], strides = [1]} : vector<16xi32> to vector<1xi32>
      %squeeze3A_266 = vector.extract %slice3A_265[0] : i32 from vector<1xi32>
      %multiple_of3A_267 = tpu.assume_multiple %squeeze3A_266, 128 : i32
      %dma_start3A_268 = arith.constant 52 : i32
      %dma_start3A_269 = arith.constant 0 : i32
      %dma_start3A_270 = tpu.memref_slice %arg7[%dma_start3A_268, %dma_start3A_269] : memref<416x128xf32, #tpu.memory_space<vmem>> -> memref<26x128xf32, #tpu.memory_space<vmem>>
      %dma_start3A_271 = arith.constant 0 : i32
      %dma_start3A_272 = tpu.memref_slice %arg2[%dma_start3A_271, %multiple_of3A_267] : memref<26x1000000xf32, #tpu.memory_space<hbm>> -> memref<26x128xf32, #tpu.memory_space<hbm>>
      %dma_start3A_273 = arith.constant 52 : i32
      %dma_start3A_274 = arith.constant 0 : i32
      %dma_start3A_275 = tpu.memref_slice %arg7[%dma_start3A_273, %dma_start3A_274] : memref<416x128xf32, #tpu.memory_space<vmem>> -> memref<26x128xf32, #tpu.memory_space<vmem>>
      %dma_start3A_276 = arith.constant 0 : i32
      %dma_start3A_277 = tpu.memref_slice %arg2[%dma_start3A_276, %multiple_of3A_267] : memref<26x1000000xf32, #tpu.memory_space<hbm>> -> memref<26x128xf32, #tpu.memory_space<hbm>>
      tpu.enqueue_dma source(%dma_start3A_277 : memref<26x128xf32, #tpu.memory_space<hbm>>) target(%dma_start3A_275 : memref<26x128xf32, #tpu.memory_space<vmem>>) target_semaphore(%arg10 : memref<!tpu.dma_semaphore, #tpu.memory_space<semaphore_mem>>)
      %slice3A_278 = vector.extract_strided_slice %min3A_238 {offsets = [3], sizes = [1], strides = [1]} : vector<16xi32> to vector<1xi32>
      %squeeze3A_279 = vector.extract %slice3A_278[0] : i32 from vector<1xi32>
      %multiple_of3A_280 = tpu.assume_multiple %squeeze3A_279, 128 : i32
      %dma_start3A_281 = arith.constant 78 : i32
      %dma_start3A_282 = arith.constant 0 : i32
      %dma_start3A_283 = tpu.memref_slice %arg7[%dma_start3A_281, %dma_start3A_282] : memref<416x128xf32, #tpu.memory_space<vmem>> -> memref<26x128xf32, #tpu.memory_space<vmem>>
      %dma_start3A_284 = arith.constant 0 : i32
      %dma_start3A_285 = tpu.memref_slice %arg2[%dma_start3A_284, %multiple_of3A_280] : memref<26x1000000xf32, #tpu.memory_space<hbm>> -> memref<26x128xf32, #tpu.memory_space<hbm>>
      %dma_start3A_286 = arith.constant 78 : i32
      %dma_start3A_287 = arith.constant 0 : i32
      %dma_start3A_288 = tpu.memref_slice %arg7[%dma_start3A_286, %dma_start3A_287] : memref<416x128xf32, #tpu.memory_space<vmem>> -> memref<26x128xf32, #tpu.memory_space<vmem>>
      %dma_start3A_289 = arith.constant 0 : i32
      %dma_start3A_290 = tpu.memref_slice %arg2[%dma_start3A_289, %multiple_of3A_280] : memref<26x1000000xf32, #tpu.memory_space<hbm>> -> memref<26x128xf32, #tpu.memory_space<hbm>>
      tpu.enqueue_dma source(%dma_start3A_290 : memref<26x128xf32, #tpu.memory_space<hbm>>) target(%dma_start3A_288 : memref<26x128xf32, #tpu.memory_space<vmem>>) target_semaphore(%arg10 : memref<!tpu.dma_semaphore, #tpu.memory_space<semaphore_mem>>)
      %slice3A_291 = vector.extract_strided_slice %min3A_238 {offsets = [4], sizes = [1], strides = [1]} : vector<16xi32> to vector<1xi32>
      %squeeze3A_292 = vector.extract %slice3A_291[0] : i32 from vector<1xi32>
      %multiple_of3A_293 = tpu.assume_multiple %squeeze3A_292, 128 : i32
      %dma_start3A_294 = arith.constant 104 : i32
      %dma_start3A_295 = arith.constant 0 : i32
      %dma_start3A_296 = tpu.memref_slice %arg7[%dma_start3A_294, %dma_start3A_295] : memref<416x128xf32, #tpu.memory_space<vmem>> -> memref<26x128xf32, #tpu.memory_space<vmem>>
      %dma_start3A_297 = arith.constant 0 : i32
      %dma_start3A_298 = tpu.memref_slice %arg2[%dma_start3A_297, %multiple_of3A_293] : memref<26x1000000xf32, #tpu.memory_space<hbm>> -> memref<26x128xf32, #tpu.memory_space<hbm>>
      %dma_start3A_299 = arith.constant 104 : i32
      %dma_start3A_300 = arith.constant 0 : i32
      %dma_start3A_301 = tpu.memref_slice %arg7[%dma_start3A_299, %dma_start3A_300] : memref<416x128xf32, #tpu.memory_space<vmem>> -> memref<26x128xf32, #tpu.memory_space<vmem>>
      %dma_start3A_302 = arith.constant 0 : i32
      %dma_start3A_303 = tpu.memref_slice %arg2[%dma_start3A_302, %multiple_of3A_293] : memref<26x1000000xf32, #tpu.memory_space<hbm>> -> memref<26x128xf32, #tpu.memory_space<hbm>>
      tpu.enqueue_dma source(%dma_start3A_303 : memref<26x128xf32, #tpu.memory_space<hbm>>) target(%dma_start3A_301 : memref<26x128xf32, #tpu.memory_space<vmem>>) target_semaphore(%arg10 : memref<!tpu.dma_semaphore, #tpu.memory_space<semaphore_mem>>)
      %slice3A_304 = vector.extract_strided_slice %min3A_238 {offsets = [5], sizes = [1], strides = [1]} : vector<16xi32> to vector<1xi32>
      %squeeze3A_305 = vector.extract %slice3A_304[0] : i32 from vector<1xi32>
      %multiple_of3A_306 = tpu.assume_multiple %squeeze3A_305, 128 : i32
      %dma_start3A_307 = arith.constant 130 : i32
      %dma_start3A_308 = arith.constant 0 : i32
      %dma_start3A_309 = tpu.memref_slice %arg7[%dma_start3A_307, %dma_start3A_308] : memref<416x128xf32, #tpu.memory_space<vmem>> -> memref<26x128xf32, #tpu.memory_space<vmem>>
      %dma_start3A_310 = arith.constant 0 : i32
      %dma_start3A_311 = tpu.memref_slice %arg2[%dma_start3A_310, %multiple_of3A_306] : memref<26x1000000xf32, #tpu.memory_space<hbm>> -> memref<26x128xf32, #tpu.memory_space<hbm>>
      %dma_start3A_312 = arith.constant 130 : i32
      %dma_start3A_313 = arith.constant 0 : i32
      %dma_start3A_314 = tpu.memref_slice %arg7[%dma_start3A_312, %dma_start3A_313] : memref<416x128xf32, #tpu.memory_space<vmem>> -> memref<26x128xf32, #tpu.memory_space<vmem>>
      %dma_start3A_315 = arith.constant 0 : i32
      %dma_start3A_316 = tpu.memref_slice %arg2[%dma_start3A_315, %multiple_of3A_306] : memref<26x1000000xf32, #tpu.memory_space<hbm>> -> memref<26x128xf32, #tpu.memory_space<hbm>>
      tpu.enqueue_dma source(%dma_start3A_316 : memref<26x128xf32, #tpu.memory_space<hbm>>) target(%dma_start3A_314 : memref<26x128xf32, #tpu.memory_space<vmem>>) target_semaphore(%arg10 : memref<!tpu.dma_semaphore, #tpu.memory_space<semaphore_mem>>)
      %slice3A_317 = vector.extract_strided_slice %min3A_238 {offsets = [6], sizes = [1], strides = [1]} : vector<16xi32> to vector<1xi32>
      %squeeze3A_318 = vector.extract %slice3A_317[0] : i32 from vector<1xi32>
      %multiple_of3A_319 = tpu.assume_multiple %squeeze3A_318, 128 : i32
      %dma_start3A_320 = arith.constant 156 : i32
      %dma_start3A_321 = arith.constant 0 : i32
      %dma_start3A_322 = tpu.memref_slice %arg7[%dma_start3A_320, %dma_start3A_321] : memref<416x128xf32, #tpu.memory_space<vmem>> -> memref<26x128xf32, #tpu.memory_space<vmem>>
      %dma_start3A_323 = arith.constant 0 : i32
      %dma_start3A_324 = tpu.memref_slice %arg2[%dma_start3A_323, %multiple_of3A_319] : memref<26x1000000xf32, #tpu.memory_space<hbm>> -> memref<26x128xf32, #tpu.memory_space<hbm>>
      %dma_start3A_325 = arith.constant 156 : i32
      %dma_start3A_326 = arith.constant 0 : i32
      %dma_start3A_327 = tpu.memref_slice %arg7[%dma_start3A_325, %dma_start3A_326] : memref<416x128xf32, #tpu.memory_space<vmem>> -> memref<26x128xf32, #tpu.memory_space<vmem>>
      %dma_start3A_328 = arith.constant 0 : i32
      %dma_start3A_329 = tpu.memref_slice %arg2[%dma_start3A_328, %multiple_of3A_319] : memref<26x1000000xf32, #tpu.memory_space<hbm>> -> memref<26x128xf32, #tpu.memory_space<hbm>>
      tpu.enqueue_dma source(%dma_start3A_329 : memref<26x128xf32, #tpu.memory_space<hbm>>) target(%dma_start3A_327 : memref<26x128xf32, #tpu.memory_space<vmem>>) target_semaphore(%arg10 : memref<!tpu.dma_semaphore, #tpu.memory_space<semaphore_mem>>)
      %slice3A_330 = vector.extract_strided_slice %min3A_238 {offsets = [7], sizes = [1], strides = [1]} : vector<16xi32> to vector<1xi32>
      %squeeze3A_331 = vector.extract %slice3A_330[0] : i32 from vector<1xi32>
      %multiple_of3A_332 = tpu.assume_multiple %squeeze3A_331, 128 : i32
      %dma_start3A_333 = arith.constant 182 : i32
      %dma_start3A_334 = arith.constant 0 : i32
      %dma_start3A_335 = tpu.memref_slice %arg7[%dma_start3A_333, %dma_start3A_334] : memref<416x128xf32, #tpu.memory_space<vmem>> -> memref<26x128xf32, #tpu.memory_space<vmem>>
      %dma_start3A_336 = arith.constant 0 : i32
      %dma_start3A_337 = tpu.memref_slice %arg2[%dma_start3A_336, %multiple_of3A_332] : memref<26x1000000xf32, #tpu.memory_space<hbm>> -> memref<26x128xf32, #tpu.memory_space<hbm>>
      %dma_start3A_338 = arith.constant 182 : i32
      %dma_start3A_339 = arith.constant 0 : i32
      %dma_start3A_340 = tpu.memref_slice %arg7[%dma_start3A_338, %dma_start3A_339] : memref<416x128xf32, #tpu.memory_space<vmem>> -> memref<26x128xf32, #tpu.memory_space<vmem>>
      %dma_start3A_341 = arith.constant 0 : i32
      %dma_start3A_342 = tpu.memref_slice %arg2[%dma_start3A_341, %multiple_of3A_332] : memref<26x1000000xf32, #tpu.memory_space<hbm>> -> memref<26x128xf32, #tpu.memory_space<hbm>>
      tpu.enqueue_dma source(%dma_start3A_342 : memref<26x128xf32, #tpu.memory_space<hbm>>) target(%dma_start3A_340 : memref<26x128xf32, #tpu.memory_space<vmem>>) target_semaphore(%arg10 : memref<!tpu.dma_semaphore, #tpu.memory_space<semaphore_mem>>)
      %slice3A_343 = vector.extract_strided_slice %min3A_238 {offsets = [8], sizes = [1], strides = [1]} : vector<16xi32> to vector<1xi32>
      %squeeze3A_344 = vector.extract %slice3A_343[0] : i32 from vector<1xi32>
      %multiple_of3A_345 = tpu.assume_multiple %squeeze3A_344, 128 : i32
      %dma_start3A_346 = arith.constant 208 : i32
      %dma_start3A_347 = arith.constant 0 : i32
      %dma_start3A_348 = tpu.memref_slice %arg7[%dma_start3A_346, %dma_start3A_347] : memref<416x128xf32, #tpu.memory_space<vmem>> -> memref<26x128xf32, #tpu.memory_space<vmem>>
      %dma_start3A_349 = arith.constant 0 : i32
      %dma_start3A_350 = tpu.memref_slice %arg2[%dma_start3A_349, %multiple_of3A_345] : memref<26x1000000xf32, #tpu.memory_space<hbm>> -> memref<26x128xf32, #tpu.memory_space<hbm>>
      %dma_start3A_351 = arith.constant 208 : i32
      %dma_start3A_352 = arith.constant 0 : i32
      %dma_start3A_353 = tpu.memref_slice %arg7[%dma_start3A_351, %dma_start3A_352] : memref<416x128xf32, #tpu.memory_space<vmem>> -> memref<26x128xf32, #tpu.memory_space<vmem>>
      %dma_start3A_354 = arith.constant 0 : i32
      %dma_start3A_355 = tpu.memref_slice %arg2[%dma_start3A_354, %multiple_of3A_345] : memref<26x1000000xf32, #tpu.memory_space<hbm>> -> memref<26x128xf32, #tpu.memory_space<hbm>>
      tpu.enqueue_dma source(%dma_start3A_355 : memref<26x128xf32, #tpu.memory_space<hbm>>) target(%dma_start3A_353 : memref<26x128xf32, #tpu.memory_space<vmem>>) target_semaphore(%arg10 : memref<!tpu.dma_semaphore, #tpu.memory_space<semaphore_mem>>)
      %slice3A_356 = vector.extract_strided_slice %min3A_238 {offsets = [9], sizes = [1], strides = [1]} : vector<16xi32> to vector<1xi32>
      %squeeze3A_357 = vector.extract %slice3A_356[0] : i32 from vector<1xi32>
      %multiple_of3A_358 = tpu.assume_multiple %squeeze3A_357, 128 : i32
      %dma_start3A_359 = arith.constant 234 : i32
      %dma_start3A_360 = arith.constant 0 : i32
      %dma_start3A_361 = tpu.memref_slice %arg7[%dma_start3A_359, %dma_start3A_360] : memref<416x128xf32, #tpu.memory_space<vmem>> -> memref<26x128xf32, #tpu.memory_space<vmem>>
      %dma_start3A_362 = arith.constant 0 : i32
      %dma_start3A_363 = tpu.memref_slice %arg2[%dma_start3A_362, %multiple_of3A_358] : memref<26x1000000xf32, #tpu.memory_space<hbm>> -> memref<26x128xf32, #tpu.memory_space<hbm>>
      %dma_start3A_364 = arith.constant 234 : i32
      %dma_start3A_365 = arith.constant 0 : i32
      %dma_start3A_366 = tpu.memref_slice %arg7[%dma_start3A_364, %dma_start3A_365] : memref<416x128xf32, #tpu.memory_space<vmem>> -> memref<26x128xf32, #tpu.memory_space<vmem>>
      %dma_start3A_367 = arith.constant 0 : i32
      %dma_start3A_368 = tpu.memref_slice %arg2[%dma_start3A_367, %multiple_of3A_358] : memref<26x1000000xf32, #tpu.memory_space<hbm>> -> memref<26x128xf32, #tpu.memory_space<hbm>>
      tpu.enqueue_dma source(%dma_start3A_368 : memref<26x128xf32, #tpu.memory_space<hbm>>) target(%dma_start3A_366 : memref<26x128xf32, #tpu.memory_space<vmem>>) target_semaphore(%arg10 : memref<!tpu.dma_semaphore, #tpu.memory_space<semaphore_mem>>)
      %slice3A_369 = vector.extract_strided_slice %min3A_238 {offsets = [10], sizes = [1], strides = [1]} : vector<16xi32> to vector<1xi32>
      %squeeze3A_370 = vector.extract %slice3A_369[0] : i32 from vector<1xi32>
      %multiple_of3A_371 = tpu.assume_multiple %squeeze3A_370, 128 : i32
      %dma_start3A_372 = arith.constant 260 : i32
      %dma_start3A_373 = arith.constant 0 : i32
      %dma_start3A_374 = tpu.memref_slice %arg7[%dma_start3A_372, %dma_start3A_373] : memref<416x128xf32, #tpu.memory_space<vmem>> -> memref<26x128xf32, #tpu.memory_space<vmem>>
      %dma_start3A_375 = arith.constant 0 : i32
      %dma_start3A_376 = tpu.memref_slice %arg2[%dma_start3A_375, %multiple_of3A_371] : memref<26x1000000xf32, #tpu.memory_space<hbm>> -> memref<26x128xf32, #tpu.memory_space<hbm>>
      %dma_start3A_377 = arith.constant 260 : i32
      %dma_start3A_378 = arith.constant 0 : i32
      %dma_start3A_379 = tpu.memref_slice %arg7[%dma_start3A_377, %dma_start3A_378] : memref<416x128xf32, #tpu.memory_space<vmem>> -> memref<26x128xf32, #tpu.memory_space<vmem>>
      %dma_start3A_380 = arith.constant 0 : i32
      %dma_start3A_381 = tpu.memref_slice %arg2[%dma_start3A_380, %multiple_of3A_371] : memref<26x1000000xf32, #tpu.memory_space<hbm>> -> memref<26x128xf32, #tpu.memory_space<hbm>>
      tpu.enqueue_dma source(%dma_start3A_381 : memref<26x128xf32, #tpu.memory_space<hbm>>) target(%dma_start3A_379 : memref<26x128xf32, #tpu.memory_space<vmem>>) target_semaphore(%arg10 : memref<!tpu.dma_semaphore, #tpu.memory_space<semaphore_mem>>)
      %slice3A_382 = vector.extract_strided_slice %min3A_238 {offsets = [11], sizes = [1], strides = [1]} : vector<16xi32> to vector<1xi32>
      %squeeze3A_383 = vector.extract %slice3A_382[0] : i32 from vector<1xi32>
      %multiple_of3A_384 = tpu.assume_multiple %squeeze3A_383, 128 : i32
      %dma_start3A_385 = arith.constant 286 : i32
      %dma_start3A_386 = arith.constant 0 : i32
      %dma_start3A_387 = tpu.memref_slice %arg7[%dma_start3A_385, %dma_start3A_386] : memref<416x128xf32, #tpu.memory_space<vmem>> -> memref<26x128xf32, #tpu.memory_space<vmem>>
      %dma_start3A_388 = arith.constant 0 : i32
      %dma_start3A_389 = tpu.memref_slice %arg2[%dma_start3A_388, %multiple_of3A_384] : memref<26x1000000xf32, #tpu.memory_space<hbm>> -> memref<26x128xf32, #tpu.memory_space<hbm>>
      %dma_start3A_390 = arith.constant 286 : i32
      %dma_start3A_391 = arith.constant 0 : i32
      %dma_start3A_392 = tpu.memref_slice %arg7[%dma_start3A_390, %dma_start3A_391] : memref<416x128xf32, #tpu.memory_space<vmem>> -> memref<26x128xf32, #tpu.memory_space<vmem>>
      %dma_start3A_393 = arith.constant 0 : i32
      %dma_start3A_394 = tpu.memref_slice %arg2[%dma_start3A_393, %multiple_of3A_384] : memref<26x1000000xf32, #tpu.memory_space<hbm>> -> memref<26x128xf32, #tpu.memory_space<hbm>>
      tpu.enqueue_dma source(%dma_start3A_394 : memref<26x128xf32, #tpu.memory_space<hbm>>) target(%dma_start3A_392 : memref<26x128xf32, #tpu.memory_space<vmem>>) target_semaphore(%arg10 : memref<!tpu.dma_semaphore, #tpu.memory_space<semaphore_mem>>)
      %slice3A_395 = vector.extract_strided_slice %min3A_238 {offsets = [12], sizes = [1], strides = [1]} : vector<16xi32> to vector<1xi32>
      %squeeze3A_396 = vector.extract %slice3A_395[0] : i32 from vector<1xi32>
      %multiple_of3A_397 = tpu.assume_multiple %squeeze3A_396, 128 : i32
      %dma_start3A_398 = arith.constant 312 : i32
      %dma_start3A_399 = arith.constant 0 : i32
      %dma_start3A_400 = tpu.memref_slice %arg7[%dma_start3A_398, %dma_start3A_399] : memref<416x128xf32, #tpu.memory_space<vmem>> -> memref<26x128xf32, #tpu.memory_space<vmem>>
      %dma_start3A_401 = arith.constant 0 : i32
      %dma_start3A_402 = tpu.memref_slice %arg2[%dma_start3A_401, %multiple_of3A_397] : memref<26x1000000xf32, #tpu.memory_space<hbm>> -> memref<26x128xf32, #tpu.memory_space<hbm>>
      %dma_start3A_403 = arith.constant 312 : i32
      %dma_start3A_404 = arith.constant 0 : i32
      %dma_start3A_405 = tpu.memref_slice %arg7[%dma_start3A_403, %dma_start3A_404] : memref<416x128xf32, #tpu.memory_space<vmem>> -> memref<26x128xf32, #tpu.memory_space<vmem>>
      %dma_start3A_406 = arith.constant 0 : i32
      %dma_start3A_407 = tpu.memref_slice %arg2[%dma_start3A_406, %multiple_of3A_397] : memref<26x1000000xf32, #tpu.memory_space<hbm>> -> memref<26x128xf32, #tpu.memory_space<hbm>>
      tpu.enqueue_dma source(%dma_start3A_407 : memref<26x128xf32, #tpu.memory_space<hbm>>) target(%dma_start3A_405 : memref<26x128xf32, #tpu.memory_space<vmem>>) target_semaphore(%arg10 : memref<!tpu.dma_semaphore, #tpu.memory_space<semaphore_mem>>)
      %slice3A_408 = vector.extract_strided_slice %min3A_238 {offsets = [13], sizes = [1], strides = [1]} : vector<16xi32> to vector<1xi32>
      %squeeze3A_409 = vector.extract %slice3A_408[0] : i32 from vector<1xi32>
      %multiple_of3A_410 = tpu.assume_multiple %squeeze3A_409, 128 : i32
      %dma_start3A_411 = arith.constant 338 : i32
      %dma_start3A_412 = arith.constant 0 : i32
      %dma_start3A_413 = tpu.memref_slice %arg7[%dma_start3A_411, %dma_start3A_412] : memref<416x128xf32, #tpu.memory_space<vmem>> -> memref<26x128xf32, #tpu.memory_space<vmem>>
      %dma_start3A_414 = arith.constant 0 : i32
      %dma_start3A_415 = tpu.memref_slice %arg2[%dma_start3A_414, %multiple_of3A_410] : memref<26x1000000xf32, #tpu.memory_space<hbm>> -> memref<26x128xf32, #tpu.memory_space<hbm>>
      %dma_start3A_416 = arith.constant 338 : i32
      %dma_start3A_417 = arith.constant 0 : i32
      %dma_start3A_418 = tpu.memref_slice %arg7[%dma_start3A_416, %dma_start3A_417] : memref<416x128xf32, #tpu.memory_space<vmem>> -> memref<26x128xf32, #tpu.memory_space<vmem>>
      %dma_start3A_419 = arith.constant 0 : i32
      %dma_start3A_420 = tpu.memref_slice %arg2[%dma_start3A_419, %multiple_of3A_410] : memref<26x1000000xf32, #tpu.memory_space<hbm>> -> memref<26x128xf32, #tpu.memory_space<hbm>>
      tpu.enqueue_dma source(%dma_start3A_420 : memref<26x128xf32, #tpu.memory_space<hbm>>) target(%dma_start3A_418 : memref<26x128xf32, #tpu.memory_space<vmem>>) target_semaphore(%arg10 : memref<!tpu.dma_semaphore, #tpu.memory_space<semaphore_mem>>)
      %slice3A_421 = vector.extract_strided_slice %min3A_238 {offsets = [14], sizes = [1], strides = [1]} : vector<16xi32> to vector<1xi32>
      %squeeze3A_422 = vector.extract %slice3A_421[0] : i32 from vector<1xi32>
      %multiple_of3A_423 = tpu.assume_multiple %squeeze3A_422, 128 : i32
      %dma_start3A_424 = arith.constant 364 : i32
      %dma_start3A_425 = arith.constant 0 : i32
      %dma_start3A_426 = tpu.memref_slice %arg7[%dma_start3A_424, %dma_start3A_425] : memref<416x128xf32, #tpu.memory_space<vmem>> -> memref<26x128xf32, #tpu.memory_space<vmem>>
      %dma_start3A_427 = arith.constant 0 : i32
      %dma_start3A_428 = tpu.memref_slice %arg2[%dma_start3A_427, %multiple_of3A_423] : memref<26x1000000xf32, #tpu.memory_space<hbm>> -> memref<26x128xf32, #tpu.memory_space<hbm>>
      %dma_start3A_429 = arith.constant 364 : i32
      %dma_start3A_430 = arith.constant 0 : i32
      %dma_start3A_431 = tpu.memref_slice %arg7[%dma_start3A_429, %dma_start3A_430] : memref<416x128xf32, #tpu.memory_space<vmem>> -> memref<26x128xf32, #tpu.memory_space<vmem>>
      %dma_start3A_432 = arith.constant 0 : i32
      %dma_start3A_433 = tpu.memref_slice %arg2[%dma_start3A_432, %multiple_of3A_423] : memref<26x1000000xf32, #tpu.memory_space<hbm>> -> memref<26x128xf32, #tpu.memory_space<hbm>>
      tpu.enqueue_dma source(%dma_start3A_433 : memref<26x128xf32, #tpu.memory_space<hbm>>) target(%dma_start3A_431 : memref<26x128xf32, #tpu.memory_space<vmem>>) target_semaphore(%arg10 : memref<!tpu.dma_semaphore, #tpu.memory_space<semaphore_mem>>)
      %slice3A_434 = vector.extract_strided_slice %min3A_238 {offsets = [15], sizes = [1], strides = [1]} : vector<16xi32> to vector<1xi32>
      %squeeze3A_435 = vector.extract %slice3A_434[0] : i32 from vector<1xi32>
      %multiple_of3A_436 = tpu.assume_multiple %squeeze3A_435, 128 : i32
      %dma_start3A_437 = arith.constant 390 : i32
      %dma_start3A_438 = arith.constant 0 : i32
      %dma_start3A_439 = tpu.memref_slice %arg7[%dma_start3A_437, %dma_start3A_438] : memref<416x128xf32, #tpu.memory_space<vmem>> -> memref<26x128xf32, #tpu.memory_space<vmem>>
      %dma_start3A_440 = arith.constant 0 : i32
      %dma_start3A_441 = tpu.memref_slice %arg2[%dma_start3A_440, %multiple_of3A_436] : memref<26x1000000xf32, #tpu.memory_space<hbm>> -> memref<26x128xf32, #tpu.memory_space<hbm>>
      %dma_start3A_442 = arith.constant 390 : i32
      %dma_start3A_443 = arith.constant 0 : i32
      %dma_start3A_444 = tpu.memref_slice %arg7[%dma_start3A_442, %dma_start3A_443] : memref<416x128xf32, #tpu.memory_space<vmem>> -> memref<26x128xf32, #tpu.memory_space<vmem>>
      %dma_start3A_445 = arith.constant 0 : i32
      %dma_start3A_446 = tpu.memref_slice %arg2[%dma_start3A_445, %multiple_of3A_436] : memref<26x1000000xf32, #tpu.memory_space<hbm>> -> memref<26x128xf32, #tpu.memory_space<hbm>>
      tpu.enqueue_dma source(%dma_start3A_446 : memref<26x128xf32, #tpu.memory_space<hbm>>) target(%dma_start3A_444 : memref<26x128xf32, #tpu.memory_space<vmem>>) target_semaphore(%arg10 : memref<!tpu.dma_semaphore, #tpu.memory_space<semaphore_mem>>)
      %dma_wait3A = arith.constant 0 : i32
      %dma_wait3A_447 = arith.constant 0 : i32
      %dma_wait3A_448 = tpu.memref_slice %arg6[%dma_wait3A, %dma_wait3A_447] : memref<416x128xf32, #tpu.memory_space<vmem>> -> memref<26x128xf32, #tpu.memory_space<vmem>>
      %dma_wait3A_449 = arith.constant 0 : i32
      %dma_wait3A_450 = arith.constant 0 : i32
      %dma_wait3A_451 = tpu.memref_slice %arg2[%dma_wait3A_449, %dma_wait3A_450] : memref<26x1000000xf32, #tpu.memory_space<hbm>> -> memref<26x128xf32, #tpu.memory_space<hbm>>
      %dma_wait3A_452 = arith.constant 0 : i32
      %dma_wait3A_453 = arith.constant 0 : i32
      %dma_wait3A_454 = tpu.memref_slice %arg6[%dma_wait3A_452, %dma_wait3A_453] : memref<416x128xf32, #tpu.memory_space<vmem>> -> memref<26x128xf32, #tpu.memory_space<vmem>>
      %dma_wait3A_455 = arith.constant 0 : i32
      %dma_wait3A_456 = arith.constant 0 : i32
      %dma_wait3A_457 = tpu.memref_slice %arg2[%dma_wait3A_455, %dma_wait3A_456] : memref<26x1000000xf32, #tpu.memory_space<hbm>> -> memref<26x128xf32, #tpu.memory_space<hbm>>
      tpu.wait_dma2 semaphore(%arg9 : memref<!tpu.dma_semaphore, #tpu.memory_space<semaphore_mem>>) src(%dma_wait3A_457 : memref<26x128xf32, #tpu.memory_space<hbm>>) dst(%dma_wait3A_454 : memref<26x128xf32, #tpu.memory_space<vmem>>)
      %dma_wait3A_458 = arith.constant 26 : i32
      %dma_wait3A_459 = arith.constant 0 : i32
      %dma_wait3A_460 = tpu.memref_slice %arg6[%dma_wait3A_458, %dma_wait3A_459] : memref<416x128xf32, #tpu.memory_space<vmem>> -> memref<26x128xf32, #tpu.memory_space<vmem>>
      %dma_wait3A_461 = arith.constant 0 : i32
      %dma_wait3A_462 = arith.constant 0 : i32
      %dma_wait3A_463 = tpu.memref_slice %arg2[%dma_wait3A_461, %dma_wait3A_462] : memref<26x1000000xf32, #tpu.memory_space<hbm>> -> memref<26x128xf32, #tpu.memory_space<hbm>>
      %dma_wait3A_464 = arith.constant 26 : i32
      %dma_wait3A_465 = arith.constant 0 : i32
      %dma_wait3A_466 = tpu.memref_slice %arg6[%dma_wait3A_464, %dma_wait3A_465] : memref<416x128xf32, #tpu.memory_space<vmem>> -> memref<26x128xf32, #tpu.memory_space<vmem>>
      %dma_wait3A_467 = arith.constant 0 : i32
      %dma_wait3A_468 = arith.constant 0 : i32
      %dma_wait3A_469 = tpu.memref_slice %arg2[%dma_wait3A_467, %dma_wait3A_468] : memref<26x1000000xf32, #tpu.memory_space<hbm>> -> memref<26x128xf32, #tpu.memory_space<hbm>>
      tpu.wait_dma2 semaphore(%arg9 : memref<!tpu.dma_semaphore, #tpu.memory_space<semaphore_mem>>) src(%dma_wait3A_469 : memref<26x128xf32, #tpu.memory_space<hbm>>) dst(%dma_wait3A_466 : memref<26x128xf32, #tpu.memory_space<vmem>>)
      %dma_wait3A_470 = arith.constant 52 : i32
      %dma_wait3A_471 = arith.constant 0 : i32
      %dma_wait3A_472 = tpu.memref_slice %arg6[%dma_wait3A_470, %dma_wait3A_471] : memref<416x128xf32, #tpu.memory_space<vmem>> -> memref<26x128xf32, #tpu.memory_space<vmem>>
      %dma_wait3A_473 = arith.constant 0 : i32
      %dma_wait3A_474 = arith.constant 0 : i32
      %dma_wait3A_475 = tpu.memref_slice %arg2[%dma_wait3A_473, %dma_wait3A_474] : memref<26x1000000xf32, #tpu.memory_space<hbm>> -> memref<26x128xf32, #tpu.memory_space<hbm>>
      %dma_wait3A_476 = arith.constant 52 : i32
      %dma_wait3A_477 = arith.constant 0 : i32
      %dma_wait3A_478 = tpu.memref_slice %arg6[%dma_wait3A_476, %dma_wait3A_477] : memref<416x128xf32, #tpu.memory_space<vmem>> -> memref<26x128xf32, #tpu.memory_space<vmem>>
      %dma_wait3A_479 = arith.constant 0 : i32
      %dma_wait3A_480 = arith.constant 0 : i32
      %dma_wait3A_481 = tpu.memref_slice %arg2[%dma_wait3A_479, %dma_wait3A_480] : memref<26x1000000xf32, #tpu.memory_space<hbm>> -> memref<26x128xf32, #tpu.memory_space<hbm>>
      tpu.wait_dma2 semaphore(%arg9 : memref<!tpu.dma_semaphore, #tpu.memory_space<semaphore_mem>>) src(%dma_wait3A_481 : memref<26x128xf32, #tpu.memory_space<hbm>>) dst(%dma_wait3A_478 : memref<26x128xf32, #tpu.memory_space<vmem>>)
      %dma_wait3A_482 = arith.constant 78 : i32
      %dma_wait3A_483 = arith.constant 0 : i32
      %dma_wait3A_484 = tpu.memref_slice %arg6[%dma_wait3A_482, %dma_wait3A_483] : memref<416x128xf32, #tpu.memory_space<vmem>> -> memref<26x128xf32, #tpu.memory_space<vmem>>
      %dma_wait3A_485 = arith.constant 0 : i32
      %dma_wait3A_486 = arith.constant 0 : i32
      %dma_wait3A_487 = tpu.memref_slice %arg2[%dma_wait3A_485, %dma_wait3A_486] : memref<26x1000000xf32, #tpu.memory_space<hbm>> -> memref<26x128xf32, #tpu.memory_space<hbm>>
      %dma_wait3A_488 = arith.constant 78 : i32
      %dma_wait3A_489 = arith.constant 0 : i32
      %dma_wait3A_490 = tpu.memref_slice %arg6[%dma_wait3A_488, %dma_wait3A_489] : memref<416x128xf32, #tpu.memory_space<vmem>> -> memref<26x128xf32, #tpu.memory_space<vmem>>
      %dma_wait3A_491 = arith.constant 0 : i32
      %dma_wait3A_492 = arith.constant 0 : i32
      %dma_wait3A_493 = tpu.memref_slice %arg2[%dma_wait3A_491, %dma_wait3A_492] : memref<26x1000000xf32, #tpu.memory_space<hbm>> -> memref<26x128xf32, #tpu.memory_space<hbm>>
      tpu.wait_dma2 semaphore(%arg9 : memref<!tpu.dma_semaphore, #tpu.memory_space<semaphore_mem>>) src(%dma_wait3A_493 : memref<26x128xf32, #tpu.memory_space<hbm>>) dst(%dma_wait3A_490 : memref<26x128xf32, #tpu.memory_space<vmem>>)
      %dma_wait3A_494 = arith.constant 104 : i32
      %dma_wait3A_495 = arith.constant 0 : i32
      %dma_wait3A_496 = tpu.memref_slice %arg6[%dma_wait3A_494, %dma_wait3A_495] : memref<416x128xf32, #tpu.memory_space<vmem>> -> memref<26x128xf32, #tpu.memory_space<vmem>>
      %dma_wait3A_497 = arith.constant 0 : i32
      %dma_wait3A_498 = arith.constant 0 : i32
      %dma_wait3A_499 = tpu.memref_slice %arg2[%dma_wait3A_497, %dma_wait3A_498] : memref<26x1000000xf32, #tpu.memory_space<hbm>> -> memref<26x128xf32, #tpu.memory_space<hbm>>
      %dma_wait3A_500 = arith.constant 104 : i32
      %dma_wait3A_501 = arith.constant 0 : i32
      %dma_wait3A_502 = tpu.memref_slice %arg6[%dma_wait3A_500, %dma_wait3A_501] : memref<416x128xf32, #tpu.memory_space<vmem>> -> memref<26x128xf32, #tpu.memory_space<vmem>>
      %dma_wait3A_503 = arith.constant 0 : i32
      %dma_wait3A_504 = arith.constant 0 : i32
      %dma_wait3A_505 = tpu.memref_slice %arg2[%dma_wait3A_503, %dma_wait3A_504] : memref<26x1000000xf32, #tpu.memory_space<hbm>> -> memref<26x128xf32, #tpu.memory_space<hbm>>
      tpu.wait_dma2 semaphore(%arg9 : memref<!tpu.dma_semaphore, #tpu.memory_space<semaphore_mem>>) src(%dma_wait3A_505 : memref<26x128xf32, #tpu.memory_space<hbm>>) dst(%dma_wait3A_502 : memref<26x128xf32, #tpu.memory_space<vmem>>)
      %dma_wait3A_506 = arith.constant 130 : i32
      %dma_wait3A_507 = arith.constant 0 : i32
      %dma_wait3A_508 = tpu.memref_slice %arg6[%dma_wait3A_506, %dma_wait3A_507] : memref<416x128xf32, #tpu.memory_space<vmem>> -> memref<26x128xf32, #tpu.memory_space<vmem>>
      %dma_wait3A_509 = arith.constant 0 : i32
      %dma_wait3A_510 = arith.constant 0 : i32
      %dma_wait3A_511 = tpu.memref_slice %arg2[%dma_wait3A_509, %dma_wait3A_510] : memref<26x1000000xf32, #tpu.memory_space<hbm>> -> memref<26x128xf32, #tpu.memory_space<hbm>>
      %dma_wait3A_512 = arith.constant 130 : i32
      %dma_wait3A_513 = arith.constant 0 : i32
      %dma_wait3A_514 = tpu.memref_slice %arg6[%dma_wait3A_512, %dma_wait3A_513] : memref<416x128xf32, #tpu.memory_space<vmem>> -> memref<26x128xf32, #tpu.memory_space<vmem>>
      %dma_wait3A_515 = arith.constant 0 : i32
      %dma_wait3A_516 = arith.constant 0 : i32
      %dma_wait3A_517 = tpu.memref_slice %arg2[%dma_wait3A_515, %dma_wait3A_516] : memref<26x1000000xf32, #tpu.memory_space<hbm>> -> memref<26x128xf32, #tpu.memory_space<hbm>>
      tpu.wait_dma2 semaphore(%arg9 : memref<!tpu.dma_semaphore, #tpu.memory_space<semaphore_mem>>) src(%dma_wait3A_517 : memref<26x128xf32, #tpu.memory_space<hbm>>) dst(%dma_wait3A_514 : memref<26x128xf32, #tpu.memory_space<vmem>>)
      %dma_wait3A_518 = arith.constant 156 : i32
      %dma_wait3A_519 = arith.constant 0 : i32
      %dma_wait3A_520 = tpu.memref_slice %arg6[%dma_wait3A_518, %dma_wait3A_519] : memref<416x128xf32, #tpu.memory_space<vmem>> -> memref<26x128xf32, #tpu.memory_space<vmem>>
      %dma_wait3A_521 = arith.constant 0 : i32
      %dma_wait3A_522 = arith.constant 0 : i32
      %dma_wait3A_523 = tpu.memref_slice %arg2[%dma_wait3A_521, %dma_wait3A_522] : memref<26x1000000xf32, #tpu.memory_space<hbm>> -> memref<26x128xf32, #tpu.memory_space<hbm>>
      %dma_wait3A_524 = arith.constant 156 : i32
      %dma_wait3A_525 = arith.constant 0 : i32
      %dma_wait3A_526 = tpu.memref_slice %arg6[%dma_wait3A_524, %dma_wait3A_525] : memref<416x128xf32, #tpu.memory_space<vmem>> -> memref<26x128xf32, #tpu.memory_space<vmem>>
      %dma_wait3A_527 = arith.constant 0 : i32
      %dma_wait3A_528 = arith.constant 0 : i32
      %dma_wait3A_529 = tpu.memref_slice %arg2[%dma_wait3A_527, %dma_wait3A_528] : memref<26x1000000xf32, #tpu.memory_space<hbm>> -> memref<26x128xf32, #tpu.memory_space<hbm>>
      tpu.wait_dma2 semaphore(%arg9 : memref<!tpu.dma_semaphore, #tpu.memory_space<semaphore_mem>>) src(%dma_wait3A_529 : memref<26x128xf32, #tpu.memory_space<hbm>>) dst(%dma_wait3A_526 : memref<26x128xf32, #tpu.memory_space<vmem>>)
      %dma_wait3A_530 = arith.constant 182 : i32
      %dma_wait3A_531 = arith.constant 0 : i32
      %dma_wait3A_532 = tpu.memref_slice %arg6[%dma_wait3A_530, %dma_wait3A_531] : memref<416x128xf32, #tpu.memory_space<vmem>> -> memref<26x128xf32, #tpu.memory_space<vmem>>
      %dma_wait3A_533 = arith.constant 0 : i32
      %dma_wait3A_534 = arith.constant 0 : i32
      %dma_wait3A_535 = tpu.memref_slice %arg2[%dma_wait3A_533, %dma_wait3A_534] : memref<26x1000000xf32, #tpu.memory_space<hbm>> -> memref<26x128xf32, #tpu.memory_space<hbm>>
      %dma_wait3A_536 = arith.constant 182 : i32
      %dma_wait3A_537 = arith.constant 0 : i32
      %dma_wait3A_538 = tpu.memref_slice %arg6[%dma_wait3A_536, %dma_wait3A_537] : memref<416x128xf32, #tpu.memory_space<vmem>> -> memref<26x128xf32, #tpu.memory_space<vmem>>
      %dma_wait3A_539 = arith.constant 0 : i32
      %dma_wait3A_540 = arith.constant 0 : i32
      %dma_wait3A_541 = tpu.memref_slice %arg2[%dma_wait3A_539, %dma_wait3A_540] : memref<26x1000000xf32, #tpu.memory_space<hbm>> -> memref<26x128xf32, #tpu.memory_space<hbm>>
      tpu.wait_dma2 semaphore(%arg9 : memref<!tpu.dma_semaphore, #tpu.memory_space<semaphore_mem>>) src(%dma_wait3A_541 : memref<26x128xf32, #tpu.memory_space<hbm>>) dst(%dma_wait3A_538 : memref<26x128xf32, #tpu.memory_space<vmem>>)
      %dma_wait3A_542 = arith.constant 208 : i32
      %dma_wait3A_543 = arith.constant 0 : i32
      %dma_wait3A_544 = tpu.memref_slice %arg6[%dma_wait3A_542, %dma_wait3A_543] : memref<416x128xf32, #tpu.memory_space<vmem>> -> memref<26x128xf32, #tpu.memory_space<vmem>>
      %dma_wait3A_545 = arith.constant 0 : i32
      %dma_wait3A_546 = arith.constant 0 : i32
      %dma_wait3A_547 = tpu.memref_slice %arg2[%dma_wait3A_545, %dma_wait3A_546] : memref<26x1000000xf32, #tpu.memory_space<hbm>> -> memref<26x128xf32, #tpu.memory_space<hbm>>
      %dma_wait3A_548 = arith.constant 208 : i32
      %dma_wait3A_549 = arith.constant 0 : i32
      %dma_wait3A_550 = tpu.memref_slice %arg6[%dma_wait3A_548, %dma_wait3A_549] : memref<416x128xf32, #tpu.memory_space<vmem>> -> memref<26x128xf32, #tpu.memory_space<vmem>>
      %dma_wait3A_551 = arith.constant 0 : i32
      %dma_wait3A_552 = arith.constant 0 : i32
      %dma_wait3A_553 = tpu.memref_slice %arg2[%dma_wait3A_551, %dma_wait3A_552] : memref<26x1000000xf32, #tpu.memory_space<hbm>> -> memref<26x128xf32, #tpu.memory_space<hbm>>
      tpu.wait_dma2 semaphore(%arg9 : memref<!tpu.dma_semaphore, #tpu.memory_space<semaphore_mem>>) src(%dma_wait3A_553 : memref<26x128xf32, #tpu.memory_space<hbm>>) dst(%dma_wait3A_550 : memref<26x128xf32, #tpu.memory_space<vmem>>)
      %dma_wait3A_554 = arith.constant 234 : i32
      %dma_wait3A_555 = arith.constant 0 : i32
      %dma_wait3A_556 = tpu.memref_slice %arg6[%dma_wait3A_554, %dma_wait3A_555] : memref<416x128xf32, #tpu.memory_space<vmem>> -> memref<26x128xf32, #tpu.memory_space<vmem>>
      %dma_wait3A_557 = arith.constant 0 : i32
      %dma_wait3A_558 = arith.constant 0 : i32
      %dma_wait3A_559 = tpu.memref_slice %arg2[%dma_wait3A_557, %dma_wait3A_558] : memref<26x1000000xf32, #tpu.memory_space<hbm>> -> memref<26x128xf32, #tpu.memory_space<hbm>>
      %dma_wait3A_560 = arith.constant 234 : i32
      %dma_wait3A_561 = arith.constant 0 : i32
      %dma_wait3A_562 = tpu.memref_slice %arg6[%dma_wait3A_560, %dma_wait3A_561] : memref<416x128xf32, #tpu.memory_space<vmem>> -> memref<26x128xf32, #tpu.memory_space<vmem>>
      %dma_wait3A_563 = arith.constant 0 : i32
      %dma_wait3A_564 = arith.constant 0 : i32
      %dma_wait3A_565 = tpu.memref_slice %arg2[%dma_wait3A_563, %dma_wait3A_564] : memref<26x1000000xf32, #tpu.memory_space<hbm>> -> memref<26x128xf32, #tpu.memory_space<hbm>>
      tpu.wait_dma2 semaphore(%arg9 : memref<!tpu.dma_semaphore, #tpu.memory_space<semaphore_mem>>) src(%dma_wait3A_565 : memref<26x128xf32, #tpu.memory_space<hbm>>) dst(%dma_wait3A_562 : memref<26x128xf32, #tpu.memory_space<vmem>>)
      %dma_wait3A_566 = arith.constant 260 : i32
      %dma_wait3A_567 = arith.constant 0 : i32
      %dma_wait3A_568 = tpu.memref_slice %arg6[%dma_wait3A_566, %dma_wait3A_567] : memref<416x128xf32, #tpu.memory_space<vmem>> -> memref<26x128xf32, #tpu.memory_space<vmem>>
      %dma_wait3A_569 = arith.constant 0 : i32
      %dma_wait3A_570 = arith.constant 0 : i32
      %dma_wait3A_571 = tpu.memref_slice %arg2[%dma_wait3A_569, %dma_wait3A_570] : memref<26x1000000xf32, #tpu.memory_space<hbm>> -> memref<26x128xf32, #tpu.memory_space<hbm>>
      %dma_wait3A_572 = arith.constant 260 : i32
      %dma_wait3A_573 = arith.constant 0 : i32
      %dma_wait3A_574 = tpu.memref_slice %arg6[%dma_wait3A_572, %dma_wait3A_573] : memref<416x128xf32, #tpu.memory_space<vmem>> -> memref<26x128xf32, #tpu.memory_space<vmem>>
      %dma_wait3A_575 = arith.constant 0 : i32
      %dma_wait3A_576 = arith.constant 0 : i32
      %dma_wait3A_577 = tpu.memref_slice %arg2[%dma_wait3A_575, %dma_wait3A_576] : memref<26x1000000xf32, #tpu.memory_space<hbm>> -> memref<26x128xf32, #tpu.memory_space<hbm>>
      tpu.wait_dma2 semaphore(%arg9 : memref<!tpu.dma_semaphore, #tpu.memory_space<semaphore_mem>>) src(%dma_wait3A_577 : memref<26x128xf32, #tpu.memory_space<hbm>>) dst(%dma_wait3A_574 : memref<26x128xf32, #tpu.memory_space<vmem>>)
      %dma_wait3A_578 = arith.constant 286 : i32
      %dma_wait3A_579 = arith.constant 0 : i32
      %dma_wait3A_580 = tpu.memref_slice %arg6[%dma_wait3A_578, %dma_wait3A_579] : memref<416x128xf32, #tpu.memory_space<vmem>> -> memref<26x128xf32, #tpu.memory_space<vmem>>
      %dma_wait3A_581 = arith.constant 0 : i32
      %dma_wait3A_582 = arith.constant 0 : i32
      %dma_wait3A_583 = tpu.memref_slice %arg2[%dma_wait3A_581, %dma_wait3A_582] : memref<26x1000000xf32, #tpu.memory_space<hbm>> -> memref<26x128xf32, #tpu.memory_space<hbm>>
      %dma_wait3A_584 = arith.constant 286 : i32
      %dma_wait3A_585 = arith.constant 0 : i32
      %dma_wait3A_586 = tpu.memref_slice %arg6[%dma_wait3A_584, %dma_wait3A_585] : memref<416x128xf32, #tpu.memory_space<vmem>> -> memref<26x128xf32, #tpu.memory_space<vmem>>
      %dma_wait3A_587 = arith.constant 0 : i32
      %dma_wait3A_588 = arith.constant 0 : i32
      %dma_wait3A_589 = tpu.memref_slice %arg2[%dma_wait3A_587, %dma_wait3A_588] : memref<26x1000000xf32, #tpu.memory_space<hbm>> -> memref<26x128xf32, #tpu.memory_space<hbm>>
      tpu.wait_dma2 semaphore(%arg9 : memref<!tpu.dma_semaphore, #tpu.memory_space<semaphore_mem>>) src(%dma_wait3A_589 : memref<26x128xf32, #tpu.memory_space<hbm>>) dst(%dma_wait3A_586 : memref<26x128xf32, #tpu.memory_space<vmem>>)
      %dma_wait3A_590 = arith.constant 312 : i32
      %dma_wait3A_591 = arith.constant 0 : i32
      %dma_wait3A_592 = tpu.memref_slice %arg6[%dma_wait3A_590, %dma_wait3A_591] : memref<416x128xf32, #tpu.memory_space<vmem>> -> memref<26x128xf32, #tpu.memory_space<vmem>>
      %dma_wait3A_593 = arith.constant 0 : i32
      %dma_wait3A_594 = arith.constant 0 : i32
      %dma_wait3A_595 = tpu.memref_slice %arg2[%dma_wait3A_593, %dma_wait3A_594] : memref<26x1000000xf32, #tpu.memory_space<hbm>> -> memref<26x128xf32, #tpu.memory_space<hbm>>
      %dma_wait3A_596 = arith.constant 312 : i32
      %dma_wait3A_597 = arith.constant 0 : i32
      %dma_wait3A_598 = tpu.memref_slice %arg6[%dma_wait3A_596, %dma_wait3A_597] : memref<416x128xf32, #tpu.memory_space<vmem>> -> memref<26x128xf32, #tpu.memory_space<vmem>>
      %dma_wait3A_599 = arith.constant 0 : i32
      %dma_wait3A_600 = arith.constant 0 : i32
      %dma_wait3A_601 = tpu.memref_slice %arg2[%dma_wait3A_599, %dma_wait3A_600] : memref<26x1000000xf32, #tpu.memory_space<hbm>> -> memref<26x128xf32, #tpu.memory_space<hbm>>
      tpu.wait_dma2 semaphore(%arg9 : memref<!tpu.dma_semaphore, #tpu.memory_space<semaphore_mem>>) src(%dma_wait3A_601 : memref<26x128xf32, #tpu.memory_space<hbm>>) dst(%dma_wait3A_598 : memref<26x128xf32, #tpu.memory_space<vmem>>)
      %dma_wait3A_602 = arith.constant 338 : i32
      %dma_wait3A_603 = arith.constant 0 : i32
      %dma_wait3A_604 = tpu.memref_slice %arg6[%dma_wait3A_602, %dma_wait3A_603] : memref<416x128xf32, #tpu.memory_space<vmem>> -> memref<26x128xf32, #tpu.memory_space<vmem>>
      %dma_wait3A_605 = arith.constant 0 : i32
      %dma_wait3A_606 = arith.constant 0 : i32
      %dma_wait3A_607 = tpu.memref_slice %arg2[%dma_wait3A_605, %dma_wait3A_606] : memref<26x1000000xf32, #tpu.memory_space<hbm>> -> memref<26x128xf32, #tpu.memory_space<hbm>>
      %dma_wait3A_608 = arith.constant 338 : i32
      %dma_wait3A_609 = arith.constant 0 : i32
      %dma_wait3A_610 = tpu.memref_slice %arg6[%dma_wait3A_608, %dma_wait3A_609] : memref<416x128xf32, #tpu.memory_space<vmem>> -> memref<26x128xf32, #tpu.memory_space<vmem>>
      %dma_wait3A_611 = arith.constant 0 : i32
      %dma_wait3A_612 = arith.constant 0 : i32
      %dma_wait3A_613 = tpu.memref_slice %arg2[%dma_wait3A_611, %dma_wait3A_612] : memref<26x1000000xf32, #tpu.memory_space<hbm>> -> memref<26x128xf32, #tpu.memory_space<hbm>>
      tpu.wait_dma2 semaphore(%arg9 : memref<!tpu.dma_semaphore, #tpu.memory_space<semaphore_mem>>) src(%dma_wait3A_613 : memref<26x128xf32, #tpu.memory_space<hbm>>) dst(%dma_wait3A_610 : memref<26x128xf32, #tpu.memory_space<vmem>>)
      %dma_wait3A_614 = arith.constant 364 : i32
      %dma_wait3A_615 = arith.constant 0 : i32
      %dma_wait3A_616 = tpu.memref_slice %arg6[%dma_wait3A_614, %dma_wait3A_615] : memref<416x128xf32, #tpu.memory_space<vmem>> -> memref<26x128xf32, #tpu.memory_space<vmem>>
      %dma_wait3A_617 = arith.constant 0 : i32
      %dma_wait3A_618 = arith.constant 0 : i32
      %dma_wait3A_619 = tpu.memref_slice %arg2[%dma_wait3A_617, %dma_wait3A_618] : memref<26x1000000xf32, #tpu.memory_space<hbm>> -> memref<26x128xf32, #tpu.memory_space<hbm>>
      %dma_wait3A_620 = arith.constant 364 : i32
      %dma_wait3A_621 = arith.constant 0 : i32
      %dma_wait3A_622 = tpu.memref_slice %arg6[%dma_wait3A_620, %dma_wait3A_621] : memref<416x128xf32, #tpu.memory_space<vmem>> -> memref<26x128xf32, #tpu.memory_space<vmem>>
      %dma_wait3A_623 = arith.constant 0 : i32
      %dma_wait3A_624 = arith.constant 0 : i32
      %dma_wait3A_625 = tpu.memref_slice %arg2[%dma_wait3A_623, %dma_wait3A_624] : memref<26x1000000xf32, #tpu.memory_space<hbm>> -> memref<26x128xf32, #tpu.memory_space<hbm>>
      tpu.wait_dma2 semaphore(%arg9 : memref<!tpu.dma_semaphore, #tpu.memory_space<semaphore_mem>>) src(%dma_wait3A_625 : memref<26x128xf32, #tpu.memory_space<hbm>>) dst(%dma_wait3A_622 : memref<26x128xf32, #tpu.memory_space<vmem>>)
      %dma_wait3A_626 = arith.constant 390 : i32
      %dma_wait3A_627 = arith.constant 0 : i32
      %dma_wait3A_628 = tpu.memref_slice %arg6[%dma_wait3A_626, %dma_wait3A_627] : memref<416x128xf32, #tpu.memory_space<vmem>> -> memref<26x128xf32, #tpu.memory_space<vmem>>
      %dma_wait3A_629 = arith.constant 0 : i32
      %dma_wait3A_630 = arith.constant 0 : i32
      %dma_wait3A_631 = tpu.memref_slice %arg2[%dma_wait3A_629, %dma_wait3A_630] : memref<26x1000000xf32, #tpu.memory_space<hbm>> -> memref<26x128xf32, #tpu.memory_space<hbm>>
      %dma_wait3A_632 = arith.constant 390 : i32
      %dma_wait3A_633 = arith.constant 0 : i32
      %dma_wait3A_634 = tpu.memref_slice %arg6[%dma_wait3A_632, %dma_wait3A_633] : memref<416x128xf32, #tpu.memory_space<vmem>> -> memref<26x128xf32, #tpu.memory_space<vmem>>
      %dma_wait3A_635 = arith.constant 0 : i32
      %dma_wait3A_636 = arith.constant 0 : i32
      %dma_wait3A_637 = tpu.memref_slice %arg2[%dma_wait3A_635, %dma_wait3A_636] : memref<26x1000000xf32, #tpu.memory_space<hbm>> -> memref<26x128xf32, #tpu.memory_space<hbm>>
      tpu.wait_dma2 semaphore(%arg9 : memref<!tpu.dma_semaphore, #tpu.memory_space<semaphore_mem>>) src(%dma_wait3A_637 : memref<26x128xf32, #tpu.memory_space<hbm>>) dst(%dma_wait3A_634 : memref<26x128xf32, #tpu.memory_space<vmem>>)
      %mul3A_638 = arith.constant 16 : i32
      %mul3A_639 = arith.muli %mul3A_223, %mul3A_638 : i32
      %get3A_640 = arith.index_cast %mul3A_639 : i32 to index
      %get3A_641 = tpu.vector_load %arg5[%get3A_640] {strides = array<i32>} : memref<512xi32, #tpu.memory_space<vmem>>, vector<16xi32>,
      %shift_right_arithmetic3A_642 = arith.constant 7 : i32
      %shift_right_arithmetic3A_643 = vector.broadcast %shift_right_arithmetic3A_642 : i32 to vector<16xi32>
      %shift_right_arithmetic3A_644 = arith.shrsi %get3A_641, %shift_right_arithmetic3A_643 : vector<16xi32>
      %shift_left3A_645 = arith.constant 7 : i32
      %shift_left3A_646 = vector.broadcast %shift_left3A_645 : i32 to vector<16xi32>
      %shift_left3A_647 = arith.shli %shift_right_arithmetic3A_644, %shift_left3A_646 : vector<16xi32>
      %min3A_648 = arith.constant 999872 : i32
      %min3A_649 = vector.broadcast %min3A_648 : i32 to vector<16xi32>
      %min3A_650 = arith.minsi %shift_left3A_647, %min3A_649 : vector<16xi32>
      %sub3A = arith.subi %get3A_641, %min3A_650 : vector<16xi32>
      %iota3A = tpu.iota {dimensions = array<i32: 0>} : vector<16xi32>
      %mul3A_651 = arith.constant 26 : i32
      %mul3A_652 = vector.broadcast %mul3A_651 : i32 to vector<16xi32>
      %mul3A_653 = arith.muli %iota3A, %mul3A_652 : vector<16xi32>
      %add3A_654 = arith.constant 0 : i32
      %add3A_655 = vector.broadcast %add3A_654 : i32 to vector<16xi32>
      %add3A_656 = arith.addi %mul3A_653, %add3A_655 : vector<16xi32>
      %gather3A = tpu.vector_load_idx %arg6[%add3A_656, %sub3A] : memref<416x128xf32, #tpu.memory_space<vmem>>[vector<16xi32>, vector<16xi32>], vector<16xf32>,
      %broadcast_in_dim3A = arith.constant 0 : i32
      %broadcast_in_dim3A_657 = vector.broadcast %broadcast_in_dim3A : i32 to vector<16xi32>
      %mul3A_658 = arith.constant 16 : i32
      %mul3A_659 = arith.muli %mul3A_223, %mul3A_658 : i32
      %iota3A_660 = tpu.iota {dimensions = array<i32: 0>} : vector<16xi32>
      %add3A_661 = vector.broadcast %mul3A_659 : i32 to vector<16xi32>
      %add3A_662 = arith.addi %add3A_661, %iota3A_660 : vector<16xi32>
      tpu.vector_store_idx %arg8[%broadcast_in_dim3A_657, %add3A_662], %gather3A : memref<32x512xf32, #tpu.memory_space<vmem>>[vector<16xi32>, vector<16xi32>], vector<16xf32>,
      %add3A_663 = arith.constant 1 : i32
      %add3A_664 = vector.broadcast %add3A_663 : i32 to vector<16xi32>
      %add3A_665 = arith.addi %mul3A_653, %add3A_664 : vector<16xi32>
      %gather3A_666 = tpu.vector_load_idx %arg6[%add3A_665, %sub3A] : memref<416x128xf32, #tpu.memory_space<vmem>>[vector<16xi32>, vector<16xi32>], vector<16xf32>,
      %broadcast_in_dim3A_667 = arith.constant 1 : i32
      %broadcast_in_dim3A_668 = vector.broadcast %broadcast_in_dim3A_667 : i32 to vector<16xi32>
      %mul3A_669 = arith.constant 16 : i32
      %mul3A_670 = arith.muli %mul3A_223, %mul3A_669 : i32
      %iota3A_671 = tpu.iota {dimensions = array<i32: 0>} : vector<16xi32>
      %add3A_672 = vector.broadcast %mul3A_670 : i32 to vector<16xi32>
      %add3A_673 = arith.addi %add3A_672, %iota3A_671 : vector<16xi32>
      tpu.vector_store_idx %arg8[%broadcast_in_dim3A_668, %add3A_673], %gather3A_666 : memref<32x512xf32, #tpu.memory_space<vmem>>[vector<16xi32>, vector<16xi32>], vector<16xf32>,
      %add3A_674 = arith.constant 2 : i32
      %add3A_675 = vector.broadcast %add3A_674 : i32 to vector<16xi32>
      %add3A_676 = arith.addi %mul3A_653, %add3A_675 : vector<16xi32>
      %gather3A_677 = tpu.vector_load_idx %arg6[%add3A_676, %sub3A] : memref<416x128xf32, #tpu.memory_space<vmem>>[vector<16xi32>, vector<16xi32>], vector<16xf32>,
      %broadcast_in_dim3A_678 = arith.constant 2 : i32
      %broadcast_in_dim3A_679 = vector.broadcast %broadcast_in_dim3A_678 : i32 to vector<16xi32>
      %mul3A_680 = arith.constant 16 : i32
      %mul3A_681 = arith.muli %mul3A_223, %mul3A_680 : i32
      %iota3A_682 = tpu.iota {dimensions = array<i32: 0>} : vector<16xi32>
      %add3A_683 = vector.broadcast %mul3A_681 : i32 to vector<16xi32>
      %add3A_684 = arith.addi %add3A_683, %iota3A_682 : vector<16xi32>
      tpu.vector_store_idx %arg8[%broadcast_in_dim3A_679, %add3A_684], %gather3A_677 : memref<32x512xf32, #tpu.memory_space<vmem>>[vector<16xi32>, vector<16xi32>], vector<16xf32>,
      %add3A_685 = arith.constant 3 : i32
      %add3A_686 = vector.broadcast %add3A_685 : i32 to vector<16xi32>
      %add3A_687 = arith.addi %mul3A_653, %add3A_686 : vector<16xi32>
      %gather3A_688 = tpu.vector_load_idx %arg6[%add3A_687, %sub3A] : memref<416x128xf32, #tpu.memory_space<vmem>>[vector<16xi32>, vector<16xi32>], vector<16xf32>,
      %broadcast_in_dim3A_689 = arith.constant 3 : i32
      %broadcast_in_dim3A_690 = vector.broadcast %broadcast_in_dim3A_689 : i32 to vector<16xi32>
      %mul3A_691 = arith.constant 16 : i32
      %mul3A_692 = arith.muli %mul3A_223, %mul3A_691 : i32
      %iota3A_693 = tpu.iota {dimensions = array<i32: 0>} : vector<16xi32>
      %add3A_694 = vector.broadcast %mul3A_692 : i32 to vector<16xi32>
      %add3A_695 = arith.addi %add3A_694, %iota3A_693 : vector<16xi32>
      tpu.vector_store_idx %arg8[%broadcast_in_dim3A_690, %add3A_695], %gather3A_688 : memref<32x512xf32, #tpu.memory_space<vmem>>[vector<16xi32>, vector<16xi32>], vector<16xf32>,
      %add3A_696 = arith.constant 4 : i32
      %add3A_697 = vector.broadcast %add3A_696 : i32 to vector<16xi32>
      %add3A_698 = arith.addi %mul3A_653, %add3A_697 : vector<16xi32>
      %gather3A_699 = tpu.vector_load_idx %arg6[%add3A_698, %sub3A] : memref<416x128xf32, #tpu.memory_space<vmem>>[vector<16xi32>, vector<16xi32>], vector<16xf32>,
      %broadcast_in_dim3A_700 = arith.constant 4 : i32
      %broadcast_in_dim3A_701 = vector.broadcast %broadcast_in_dim3A_700 : i32 to vector<16xi32>
      %mul3A_702 = arith.constant 16 : i32
      %mul3A_703 = arith.muli %mul3A_223, %mul3A_702 : i32
      %iota3A_704 = tpu.iota {dimensions = array<i32: 0>} : vector<16xi32>
      %add3A_705 = vector.broadcast %mul3A_703 : i32 to vector<16xi32>
      %add3A_706 = arith.addi %add3A_705, %iota3A_704 : vector<16xi32>
      tpu.vector_store_idx %arg8[%broadcast_in_dim3A_701, %add3A_706], %gather3A_699 : memref<32x512xf32, #tpu.memory_space<vmem>>[vector<16xi32>, vector<16xi32>], vector<16xf32>,
      %add3A_707 = arith.constant 5 : i32
      %add3A_708 = vector.broadcast %add3A_707 : i32 to vector<16xi32>
      %add3A_709 = arith.addi %mul3A_653, %add3A_708 : vector<16xi32>
      %gather3A_710 = tpu.vector_load_idx %arg6[%add3A_709, %sub3A] : memref<416x128xf32, #tpu.memory_space<vmem>>[vector<16xi32>, vector<16xi32>], vector<16xf32>,
      %broadcast_in_dim3A_711 = arith.constant 5 : i32
      %broadcast_in_dim3A_712 = vector.broadcast %broadcast_in_dim3A_711 : i32 to vector<16xi32>
      %mul3A_713 = arith.constant 16 : i32
      %mul3A_714 = arith.muli %mul3A_223, %mul3A_713 : i32
      %iota3A_715 = tpu.iota {dimensions = array<i32: 0>} : vector<16xi32>
      %add3A_716 = vector.broadcast %mul3A_714 : i32 to vector<16xi32>
      %add3A_717 = arith.addi %add3A_716, %iota3A_715 : vector<16xi32>
      tpu.vector_store_idx %arg8[%broadcast_in_dim3A_712, %add3A_717], %gather3A_710 : memref<32x512xf32, #tpu.memory_space<vmem>>[vector<16xi32>, vector<16xi32>], vector<16xf32>,
      %add3A_718 = arith.constant 6 : i32
      %add3A_719 = vector.broadcast %add3A_718 : i32 to vector<16xi32>
      %add3A_720 = arith.addi %mul3A_653, %add3A_719 : vector<16xi32>
      %gather3A_721 = tpu.vector_load_idx %arg6[%add3A_720, %sub3A] : memref<416x128xf32, #tpu.memory_space<vmem>>[vector<16xi32>, vector<16xi32>], vector<16xf32>,
      %broadcast_in_dim3A_722 = arith.constant 6 : i32
      %broadcast_in_dim3A_723 = vector.broadcast %broadcast_in_dim3A_722 : i32 to vector<16xi32>
      %mul3A_724 = arith.constant 16 : i32
      %mul3A_725 = arith.muli %mul3A_223, %mul3A_724 : i32
      %iota3A_726 = tpu.iota {dimensions = array<i32: 0>} : vector<16xi32>
      %add3A_727 = vector.broadcast %mul3A_725 : i32 to vector<16xi32>
      %add3A_728 = arith.addi %add3A_727, %iota3A_726 : vector<16xi32>
      tpu.vector_store_idx %arg8[%broadcast_in_dim3A_723, %add3A_728], %gather3A_721 : memref<32x512xf32, #tpu.memory_space<vmem>>[vector<16xi32>, vector<16xi32>], vector<16xf32>,
      %add3A_729 = arith.constant 7 : i32
      %add3A_730 = vector.broadcast %add3A_729 : i32 to vector<16xi32>
      %add3A_731 = arith.addi %mul3A_653, %add3A_730 : vector<16xi32>
      %gather3A_732 = tpu.vector_load_idx %arg6[%add3A_731, %sub3A] : memref<416x128xf32, #tpu.memory_space<vmem>>[vector<16xi32>, vector<16xi32>], vector<16xf32>,
      %broadcast_in_dim3A_733 = arith.constant 7 : i32
      %broadcast_in_dim3A_734 = vector.broadcast %broadcast_in_dim3A_733 : i32 to vector<16xi32>
      %mul3A_735 = arith.constant 16 : i32
      %mul3A_736 = arith.muli %mul3A_223, %mul3A_735 : i32
      %iota3A_737 = tpu.iota {dimensions = array<i32: 0>} : vector<16xi32>
      %add3A_738 = vector.broadcast %mul3A_736 : i32 to vector<16xi32>
      %add3A_739 = arith.addi %add3A_738, %iota3A_737 : vector<16xi32>
      tpu.vector_store_idx %arg8[%broadcast_in_dim3A_734, %add3A_739], %gather3A_732 : memref<32x512xf32, #tpu.memory_space<vmem>>[vector<16xi32>, vector<16xi32>], vector<16xf32>,
      %add3A_740 = arith.constant 8 : i32
      %add3A_741 = vector.broadcast %add3A_740 : i32 to vector<16xi32>
      %add3A_742 = arith.addi %mul3A_653, %add3A_741 : vector<16xi32>
      %gather3A_743 = tpu.vector_load_idx %arg6[%add3A_742, %sub3A] : memref<416x128xf32, #tpu.memory_space<vmem>>[vector<16xi32>, vector<16xi32>], vector<16xf32>,
      %broadcast_in_dim3A_744 = arith.constant 8 : i32
      %broadcast_in_dim3A_745 = vector.broadcast %broadcast_in_dim3A_744 : i32 to vector<16xi32>
      %mul3A_746 = arith.constant 16 : i32
      %mul3A_747 = arith.muli %mul3A_223, %mul3A_746 : i32
      %iota3A_748 = tpu.iota {dimensions = array<i32: 0>} : vector<16xi32>
      %add3A_749 = vector.broadcast %mul3A_747 : i32 to vector<16xi32>
      %add3A_750 = arith.addi %add3A_749, %iota3A_748 : vector<16xi32>
      tpu.vector_store_idx %arg8[%broadcast_in_dim3A_745, %add3A_750], %gather3A_743 : memref<32x512xf32, #tpu.memory_space<vmem>>[vector<16xi32>, vector<16xi32>], vector<16xf32>,
      %add3A_751 = arith.constant 9 : i32
      %add3A_752 = vector.broadcast %add3A_751 : i32 to vector<16xi32>
      %add3A_753 = arith.addi %mul3A_653, %add3A_752 : vector<16xi32>
      %gather3A_754 = tpu.vector_load_idx %arg6[%add3A_753, %sub3A] : memref<416x128xf32, #tpu.memory_space<vmem>>[vector<16xi32>, vector<16xi32>], vector<16xf32>,
      %broadcast_in_dim3A_755 = arith.constant 9 : i32
      %broadcast_in_dim3A_756 = vector.broadcast %broadcast_in_dim3A_755 : i32 to vector<16xi32>
      %mul3A_757 = arith.constant 16 : i32
      %mul3A_758 = arith.muli %mul3A_223, %mul3A_757 : i32
      %iota3A_759 = tpu.iota {dimensions = array<i32: 0>} : vector<16xi32>
      %add3A_760 = vector.broadcast %mul3A_758 : i32 to vector<16xi32>
      %add3A_761 = arith.addi %add3A_760, %iota3A_759 : vector<16xi32>
      tpu.vector_store_idx %arg8[%broadcast_in_dim3A_756, %add3A_761], %gather3A_754 : memref<32x512xf32, #tpu.memory_space<vmem>>[vector<16xi32>, vector<16xi32>], vector<16xf32>,
      %add3A_762 = arith.constant 10 : i32
      %add3A_763 = vector.broadcast %add3A_762 : i32 to vector<16xi32>
      %add3A_764 = arith.addi %mul3A_653, %add3A_763 : vector<16xi32>
      %gather3A_765 = tpu.vector_load_idx %arg6[%add3A_764, %sub3A] : memref<416x128xf32, #tpu.memory_space<vmem>>[vector<16xi32>, vector<16xi32>], vector<16xf32>,
      %broadcast_in_dim3A_766 = arith.constant 10 : i32
      %broadcast_in_dim3A_767 = vector.broadcast %broadcast_in_dim3A_766 : i32 to vector<16xi32>
      %mul3A_768 = arith.constant 16 : i32
      %mul3A_769 = arith.muli %mul3A_223, %mul3A_768 : i32
      %iota3A_770 = tpu.iota {dimensions = array<i32: 0>} : vector<16xi32>
      %add3A_771 = vector.broadcast %mul3A_769 : i32 to vector<16xi32>
      %add3A_772 = arith.addi %add3A_771, %iota3A_770 : vector<16xi32>
      tpu.vector_store_idx %arg8[%broadcast_in_dim3A_767, %add3A_772], %gather3A_765 : memref<32x512xf32, #tpu.memory_space<vmem>>[vector<16xi32>, vector<16xi32>], vector<16xf32>,
      %add3A_773 = arith.constant 11 : i32
      %add3A_774 = vector.broadcast %add3A_773 : i32 to vector<16xi32>
      %add3A_775 = arith.addi %mul3A_653, %add3A_774 : vector<16xi32>
      %gather3A_776 = tpu.vector_load_idx %arg6[%add3A_775, %sub3A] : memref<416x128xf32, #tpu.memory_space<vmem>>[vector<16xi32>, vector<16xi32>], vector<16xf32>,
      %broadcast_in_dim3A_777 = arith.constant 11 : i32
      %broadcast_in_dim3A_778 = vector.broadcast %broadcast_in_dim3A_777 : i32 to vector<16xi32>
      %mul3A_779 = arith.constant 16 : i32
      %mul3A_780 = arith.muli %mul3A_223, %mul3A_779 : i32
      %iota3A_781 = tpu.iota {dimensions = array<i32: 0>} : vector<16xi32>
      %add3A_782 = vector.broadcast %mul3A_780 : i32 to vector<16xi32>
      %add3A_783 = arith.addi %add3A_782, %iota3A_781 : vector<16xi32>
      tpu.vector_store_idx %arg8[%broadcast_in_dim3A_778, %add3A_783], %gather3A_776 : memref<32x512xf32, #tpu.memory_space<vmem>>[vector<16xi32>, vector<16xi32>], vector<16xf32>,
      %add3A_784 = arith.constant 12 : i32
      %add3A_785 = vector.broadcast %add3A_784 : i32 to vector<16xi32>
      %add3A_786 = arith.addi %mul3A_653, %add3A_785 : vector<16xi32>
      %gather3A_787 = tpu.vector_load_idx %arg6[%add3A_786, %sub3A] : memref<416x128xf32, #tpu.memory_space<vmem>>[vector<16xi32>, vector<16xi32>], vector<16xf32>,
      %broadcast_in_dim3A_788 = arith.constant 12 : i32
      %broadcast_in_dim3A_789 = vector.broadcast %broadcast_in_dim3A_788 : i32 to vector<16xi32>
      %mul3A_790 = arith.constant 16 : i32
      %mul3A_791 = arith.muli %mul3A_223, %mul3A_790 : i32
      %iota3A_792 = tpu.iota {dimensions = array<i32: 0>} : vector<16xi32>
      %add3A_793 = vector.broadcast %mul3A_791 : i32 to vector<16xi32>
      %add3A_794 = arith.addi %add3A_793, %iota3A_792 : vector<16xi32>
      tpu.vector_store_idx %arg8[%broadcast_in_dim3A_789, %add3A_794], %gather3A_787 : memref<32x512xf32, #tpu.memory_space<vmem>>[vector<16xi32>, vector<16xi32>], vector<16xf32>,
      %add3A_795 = arith.constant 13 : i32
      %add3A_796 = vector.broadcast %add3A_795 : i32 to vector<16xi32>
      %add3A_797 = arith.addi %mul3A_653, %add3A_796 : vector<16xi32>
      %gather3A_798 = tpu.vector_load_idx %arg6[%add3A_797, %sub3A] : memref<416x128xf32, #tpu.memory_space<vmem>>[vector<16xi32>, vector<16xi32>], vector<16xf32>,
      %broadcast_in_dim3A_799 = arith.constant 13 : i32
      %broadcast_in_dim3A_800 = vector.broadcast %broadcast_in_dim3A_799 : i32 to vector<16xi32>
      %mul3A_801 = arith.constant 16 : i32
      %mul3A_802 = arith.muli %mul3A_223, %mul3A_801 : i32
      %iota3A_803 = tpu.iota {dimensions = array<i32: 0>} : vector<16xi32>
      %add3A_804 = vector.broadcast %mul3A_802 : i32 to vector<16xi32>
      %add3A_805 = arith.addi %add3A_804, %iota3A_803 : vector<16xi32>
      tpu.vector_store_idx %arg8[%broadcast_in_dim3A_800, %add3A_805], %gather3A_798 : memref<32x512xf32, #tpu.memory_space<vmem>>[vector<16xi32>, vector<16xi32>], vector<16xf32>,
      %add3A_806 = arith.constant 14 : i32
      %add3A_807 = vector.broadcast %add3A_806 : i32 to vector<16xi32>
      %add3A_808 = arith.addi %mul3A_653, %add3A_807 : vector<16xi32>
      %gather3A_809 = tpu.vector_load_idx %arg6[%add3A_808, %sub3A] : memref<416x128xf32, #tpu.memory_space<vmem>>[vector<16xi32>, vector<16xi32>], vector<16xf32>,
      %broadcast_in_dim3A_810 = arith.constant 14 : i32
      %broadcast_in_dim3A_811 = vector.broadcast %broadcast_in_dim3A_810 : i32 to vector<16xi32>
      %mul3A_812 = arith.constant 16 : i32
      %mul3A_813 = arith.muli %mul3A_223, %mul3A_812 : i32
      %iota3A_814 = tpu.iota {dimensions = array<i32: 0>} : vector<16xi32>
      %add3A_815 = vector.broadcast %mul3A_813 : i32 to vector<16xi32>
      %add3A_816 = arith.addi %add3A_815, %iota3A_814 : vector<16xi32>
      tpu.vector_store_idx %arg8[%broadcast_in_dim3A_811, %add3A_816], %gather3A_809 : memref<32x512xf32, #tpu.memory_space<vmem>>[vector<16xi32>, vector<16xi32>], vector<16xf32>,
      %add3A_817 = arith.constant 15 : i32
      %add3A_818 = vector.broadcast %add3A_817 : i32 to vector<16xi32>
      %add3A_819 = arith.addi %mul3A_653, %add3A_818 : vector<16xi32>
      %gather3A_820 = tpu.vector_load_idx %arg6[%add3A_819, %sub3A] : memref<416x128xf32, #tpu.memory_space<vmem>>[vector<16xi32>, vector<16xi32>], vector<16xf32>,
      %broadcast_in_dim3A_821 = arith.constant 15 : i32
      %broadcast_in_dim3A_822 = vector.broadcast %broadcast_in_dim3A_821 : i32 to vector<16xi32>
      %mul3A_823 = arith.constant 16 : i32
      %mul3A_824 = arith.muli %mul3A_223, %mul3A_823 : i32
      %iota3A_825 = tpu.iota {dimensions = array<i32: 0>} : vector<16xi32>
      %add3A_826 = vector.broadcast %mul3A_824 : i32 to vector<16xi32>
      %add3A_827 = arith.addi %add3A_826, %iota3A_825 : vector<16xi32>
      tpu.vector_store_idx %arg8[%broadcast_in_dim3A_822, %add3A_827], %gather3A_820 : memref<32x512xf32, #tpu.memory_space<vmem>>[vector<16xi32>, vector<16xi32>], vector<16xf32>,
      %add3A_828 = arith.constant 16 : i32
      %add3A_829 = vector.broadcast %add3A_828 : i32 to vector<16xi32>
      %add3A_830 = arith.addi %mul3A_653, %add3A_829 : vector<16xi32>
      %gather3A_831 = tpu.vector_load_idx %arg6[%add3A_830, %sub3A] : memref<416x128xf32, #tpu.memory_space<vmem>>[vector<16xi32>, vector<16xi32>], vector<16xf32>,
      %broadcast_in_dim3A_832 = arith.constant 16 : i32
      %broadcast_in_dim3A_833 = vector.broadcast %broadcast_in_dim3A_832 : i32 to vector<16xi32>
      %mul3A_834 = arith.constant 16 : i32
      %mul3A_835 = arith.muli %mul3A_223, %mul3A_834 : i32
      %iota3A_836 = tpu.iota {dimensions = array<i32: 0>} : vector<16xi32>
      %add3A_837 = vector.broadcast %mul3A_835 : i32 to vector<16xi32>
      %add3A_838 = arith.addi %add3A_837, %iota3A_836 : vector<16xi32>
      tpu.vector_store_idx %arg8[%broadcast_in_dim3A_833, %add3A_838], %gather3A_831 : memref<32x512xf32, #tpu.memory_space<vmem>>[vector<16xi32>, vector<16xi32>], vector<16xf32>,
      %add3A_839 = arith.constant 17 : i32
      %add3A_840 = vector.broadcast %add3A_839 : i32 to vector<16xi32>
      %add3A_841 = arith.addi %mul3A_653, %add3A_840 : vector<16xi32>
      %gather3A_842 = tpu.vector_load_idx %arg6[%add3A_841, %sub3A] : memref<416x128xf32, #tpu.memory_space<vmem>>[vector<16xi32>, vector<16xi32>], vector<16xf32>,
      %broadcast_in_dim3A_843 = arith.constant 17 : i32
      %broadcast_in_dim3A_844 = vector.broadcast %broadcast_in_dim3A_843 : i32 to vector<16xi32>
      %mul3A_845 = arith.constant 16 : i32
      %mul3A_846 = arith.muli %mul3A_223, %mul3A_845 : i32
      %iota3A_847 = tpu.iota {dimensions = array<i32: 0>} : vector<16xi32>
      %add3A_848 = vector.broadcast %mul3A_846 : i32 to vector<16xi32>
      %add3A_849 = arith.addi %add3A_848, %iota3A_847 : vector<16xi32>
      tpu.vector_store_idx %arg8[%broadcast_in_dim3A_844, %add3A_849], %gather3A_842 : memref<32x512xf32, #tpu.memory_space<vmem>>[vector<16xi32>, vector<16xi32>], vector<16xf32>,
      %add3A_850 = arith.constant 18 : i32
      %add3A_851 = vector.broadcast %add3A_850 : i32 to vector<16xi32>
      %add3A_852 = arith.addi %mul3A_653, %add3A_851 : vector<16xi32>
      %gather3A_853 = tpu.vector_load_idx %arg6[%add3A_852, %sub3A] : memref<416x128xf32, #tpu.memory_space<vmem>>[vector<16xi32>, vector<16xi32>], vector<16xf32>,
      %broadcast_in_dim3A_854 = arith.constant 18 : i32
      %broadcast_in_dim3A_855 = vector.broadcast %broadcast_in_dim3A_854 : i32 to vector<16xi32>
      %mul3A_856 = arith.constant 16 : i32
      %mul3A_857 = arith.muli %mul3A_223, %mul3A_856 : i32
      %iota3A_858 = tpu.iota {dimensions = array<i32: 0>} : vector<16xi32>
      %add3A_859 = vector.broadcast %mul3A_857 : i32 to vector<16xi32>
      %add3A_860 = arith.addi %add3A_859, %iota3A_858 : vector<16xi32>
      tpu.vector_store_idx %arg8[%broadcast_in_dim3A_855, %add3A_860], %gather3A_853 : memref<32x512xf32, #tpu.memory_space<vmem>>[vector<16xi32>, vector<16xi32>], vector<16xf32>,
      %add3A_861 = arith.constant 19 : i32
      %add3A_862 = vector.broadcast %add3A_861 : i32 to vector<16xi32>
      %add3A_863 = arith.addi %mul3A_653, %add3A_862 : vector<16xi32>
      %gather3A_864 = tpu.vector_load_idx %arg6[%add3A_863, %sub3A] : memref<416x128xf32, #tpu.memory_space<vmem>>[vector<16xi32>, vector<16xi32>], vector<16xf32>,
      %broadcast_in_dim3A_865 = arith.constant 19 : i32
      %broadcast_in_dim3A_866 = vector.broadcast %broadcast_in_dim3A_865 : i32 to vector<16xi32>
      %mul3A_867 = arith.constant 16 : i32
      %mul3A_868 = arith.muli %mul3A_223, %mul3A_867 : i32
      %iota3A_869 = tpu.iota {dimensions = array<i32: 0>} : vector<16xi32>
      %add3A_870 = vector.broadcast %mul3A_868 : i32 to vector<16xi32>
      %add3A_871 = arith.addi %add3A_870, %iota3A_869 : vector<16xi32>
      tpu.vector_store_idx %arg8[%broadcast_in_dim3A_866, %add3A_871], %gather3A_864 : memref<32x512xf32, #tpu.memory_space<vmem>>[vector<16xi32>, vector<16xi32>], vector<16xf32>,
      %add3A_872 = arith.constant 20 : i32
      %add3A_873 = vector.broadcast %add3A_872 : i32 to vector<16xi32>
      %add3A_874 = arith.addi %mul3A_653, %add3A_873 : vector<16xi32>
      %gather3A_875 = tpu.vector_load_idx %arg6[%add3A_874, %sub3A] : memref<416x128xf32, #tpu.memory_space<vmem>>[vector<16xi32>, vector<16xi32>], vector<16xf32>,
      %broadcast_in_dim3A_876 = arith.constant 20 : i32
      %broadcast_in_dim3A_877 = vector.broadcast %broadcast_in_dim3A_876 : i32 to vector<16xi32>
      %mul3A_878 = arith.constant 16 : i32
      %mul3A_879 = arith.muli %mul3A_223, %mul3A_878 : i32
      %iota3A_880 = tpu.iota {dimensions = array<i32: 0>} : vector<16xi32>
      %add3A_881 = vector.broadcast %mul3A_879 : i32 to vector<16xi32>
      %add3A_882 = arith.addi %add3A_881, %iota3A_880 : vector<16xi32>
      tpu.vector_store_idx %arg8[%broadcast_in_dim3A_877, %add3A_882], %gather3A_875 : memref<32x512xf32, #tpu.memory_space<vmem>>[vector<16xi32>, vector<16xi32>], vector<16xf32>,
      %add3A_883 = arith.constant 21 : i32
      %add3A_884 = vector.broadcast %add3A_883 : i32 to vector<16xi32>
      %add3A_885 = arith.addi %mul3A_653, %add3A_884 : vector<16xi32>
      %gather3A_886 = tpu.vector_load_idx %arg6[%add3A_885, %sub3A] : memref<416x128xf32, #tpu.memory_space<vmem>>[vector<16xi32>, vector<16xi32>], vector<16xf32>,
      %broadcast_in_dim3A_887 = arith.constant 21 : i32
      %broadcast_in_dim3A_888 = vector.broadcast %broadcast_in_dim3A_887 : i32 to vector<16xi32>
      %mul3A_889 = arith.constant 16 : i32
      %mul3A_890 = arith.muli %mul3A_223, %mul3A_889 : i32
      %iota3A_891 = tpu.iota {dimensions = array<i32: 0>} : vector<16xi32>
      %add3A_892 = vector.broadcast %mul3A_890 : i32 to vector<16xi32>
      %add3A_893 = arith.addi %add3A_892, %iota3A_891 : vector<16xi32>
      tpu.vector_store_idx %arg8[%broadcast_in_dim3A_888, %add3A_893], %gather3A_886 : memref<32x512xf32, #tpu.memory_space<vmem>>[vector<16xi32>, vector<16xi32>], vector<16xf32>,
      %add3A_894 = arith.constant 22 : i32
      %add3A_895 = vector.broadcast %add3A_894 : i32 to vector<16xi32>
      %add3A_896 = arith.addi %mul3A_653, %add3A_895 : vector<16xi32>
      %gather3A_897 = tpu.vector_load_idx %arg6[%add3A_896, %sub3A] : memref<416x128xf32, #tpu.memory_space<vmem>>[vector<16xi32>, vector<16xi32>], vector<16xf32>,
      %broadcast_in_dim3A_898 = arith.constant 22 : i32
      %broadcast_in_dim3A_899 = vector.broadcast %broadcast_in_dim3A_898 : i32 to vector<16xi32>
      %mul3A_900 = arith.constant 16 : i32
      %mul3A_901 = arith.muli %mul3A_223, %mul3A_900 : i32
      %iota3A_902 = tpu.iota {dimensions = array<i32: 0>} : vector<16xi32>
      %add3A_903 = vector.broadcast %mul3A_901 : i32 to vector<16xi32>
      %add3A_904 = arith.addi %add3A_903, %iota3A_902 : vector<16xi32>
      tpu.vector_store_idx %arg8[%broadcast_in_dim3A_899, %add3A_904], %gather3A_897 : memref<32x512xf32, #tpu.memory_space<vmem>>[vector<16xi32>, vector<16xi32>], vector<16xf32>,
      %add3A_905 = arith.constant 23 : i32
      %add3A_906 = vector.broadcast %add3A_905 : i32 to vector<16xi32>
      %add3A_907 = arith.addi %mul3A_653, %add3A_906 : vector<16xi32>
      %gather3A_908 = tpu.vector_load_idx %arg6[%add3A_907, %sub3A] : memref<416x128xf32, #tpu.memory_space<vmem>>[vector<16xi32>, vector<16xi32>], vector<16xf32>,
      %broadcast_in_dim3A_909 = arith.constant 23 : i32
      %broadcast_in_dim3A_910 = vector.broadcast %broadcast_in_dim3A_909 : i32 to vector<16xi32>
      %mul3A_911 = arith.constant 16 : i32
      %mul3A_912 = arith.muli %mul3A_223, %mul3A_911 : i32
      %iota3A_913 = tpu.iota {dimensions = array<i32: 0>} : vector<16xi32>
      %add3A_914 = vector.broadcast %mul3A_912 : i32 to vector<16xi32>
      %add3A_915 = arith.addi %add3A_914, %iota3A_913 : vector<16xi32>
      tpu.vector_store_idx %arg8[%broadcast_in_dim3A_910, %add3A_915], %gather3A_908 : memref<32x512xf32, #tpu.memory_space<vmem>>[vector<16xi32>, vector<16xi32>], vector<16xf32>,
      %add3A_916 = arith.constant 24 : i32
      %add3A_917 = vector.broadcast %add3A_916 : i32 to vector<16xi32>
      %add3A_918 = arith.addi %mul3A_653, %add3A_917 : vector<16xi32>
      %gather3A_919 = tpu.vector_load_idx %arg6[%add3A_918, %sub3A] : memref<416x128xf32, #tpu.memory_space<vmem>>[vector<16xi32>, vector<16xi32>], vector<16xf32>,
      %broadcast_in_dim3A_920 = arith.constant 24 : i32
      %broadcast_in_dim3A_921 = vector.broadcast %broadcast_in_dim3A_920 : i32 to vector<16xi32>
      %mul3A_922 = arith.constant 16 : i32
      %mul3A_923 = arith.muli %mul3A_223, %mul3A_922 : i32
      %iota3A_924 = tpu.iota {dimensions = array<i32: 0>} : vector<16xi32>
      %add3A_925 = vector.broadcast %mul3A_923 : i32 to vector<16xi32>
      %add3A_926 = arith.addi %add3A_925, %iota3A_924 : vector<16xi32>
      tpu.vector_store_idx %arg8[%broadcast_in_dim3A_921, %add3A_926], %gather3A_919 : memref<32x512xf32, #tpu.memory_space<vmem>>[vector<16xi32>, vector<16xi32>], vector<16xf32>,
      %add3A_927 = arith.constant 25 : i32
      %add3A_928 = vector.broadcast %add3A_927 : i32 to vector<16xi32>
      %add3A_929 = arith.addi %mul3A_653, %add3A_928 : vector<16xi32>
      %gather3A_930 = tpu.vector_load_idx %arg6[%add3A_929, %sub3A] : memref<416x128xf32, #tpu.memory_space<vmem>>[vector<16xi32>, vector<16xi32>], vector<16xf32>,
      %broadcast_in_dim3A_931 = arith.constant 25 : i32
      %broadcast_in_dim3A_932 = vector.broadcast %broadcast_in_dim3A_931 : i32 to vector<16xi32>
      %mul3A_933 = arith.constant 16 : i32
      %mul3A_934 = arith.muli %mul3A_223, %mul3A_933 : i32
      %iota3A_935 = tpu.iota {dimensions = array<i32: 0>} : vector<16xi32>
      %add3A_936 = vector.broadcast %mul3A_934 : i32 to vector<16xi32>
      %add3A_937 = arith.addi %add3A_936, %iota3A_935 : vector<16xi32>
      tpu.vector_store_idx %arg8[%broadcast_in_dim3A_932, %add3A_937], %gather3A_930 : memref<32x512xf32, #tpu.memory_space<vmem>>[vector<16xi32>, vector<16xi32>], vector<16xf32>,
      %lt3A = arith.constant 15 : i32
      %lt3A_938 = arith.cmpi slt, %scan3A_220, %lt3A : i32
      %convert_element_type3A = arith.extui %lt3A_938 : i1 to i32
      %cond3A = arith.constant 0 : i32
      %cond3A_939 = arith.cmpi ne, %convert_element_type3A, %cond3A : i32
      scf.if %cond3A_939 {
        %add3A_1439 = arith.constant 2 : i32
        %add3A_1440 = arith.addi %mul3A_223, %add3A_1439 : i32
        %mul3A_1441 = arith.constant 16 : i32
        %mul3A_1442 = arith.muli %add3A_1440, %mul3A_1441 : i32
        %get3A_1443 = arith.index_cast %mul3A_1442 : i32 to index
        %get3A_1444 = tpu.vector_load %arg5[%get3A_1443] {strides = array<i32>} : memref<512xi32, #tpu.memory_space<vmem>>, vector<16xi32>,
        %shift_right_arithmetic3A_1445 = arith.constant 7 : i32
        %shift_right_arithmetic3A_1446 = vector.broadcast %shift_right_arithmetic3A_1445 : i32 to vector<16xi32>
        %shift_right_arithmetic3A_1447 = arith.shrsi %get3A_1444, %shift_right_arithmetic3A_1446 : vector<16xi32>
        %shift_left3A_1448 = arith.constant 7 : i32
        %shift_left3A_1449 = vector.broadcast %shift_left3A_1448 : i32 to vector<16xi32>
        %shift_left3A_1450 = arith.shli %shift_right_arithmetic3A_1447, %shift_left3A_1449 : vector<16xi32>
        %min3A_1451 = arith.constant 999872 : i32
        %min3A_1452 = vector.broadcast %min3A_1451 : i32 to vector<16xi32>
        %min3A_1453 = arith.minsi %shift_left3A_1450, %min3A_1452 : vector<16xi32>
        %slice3A_1454 = vector.extract_strided_slice %min3A_1453 {offsets = [0], sizes = [1], strides = [1]} : vector<16xi32> to vector<1xi32>
        %squeeze3A_1455 = vector.extract %slice3A_1454[0] : i32 from vector<1xi32>
        %multiple_of3A_1456 = tpu.assume_multiple %squeeze3A_1455, 128 : i32
        %dma_start3A_1457 = arith.constant 0 : i32
        %dma_start3A_1458 = arith.constant 0 : i32
        %dma_start3A_1459 = tpu.memref_slice %arg6[%dma_start3A_1457, %dma_start3A_1458] : memref<416x128xf32, #tpu.memory_space<vmem>> -> memref<26x128xf32, #tpu.memory_space<vmem>>
        %dma_start3A_1460 = arith.constant 0 : i32
        %dma_start3A_1461 = tpu.memref_slice %arg2[%dma_start3A_1460, %multiple_of3A_1456] : memref<26x1000000xf32, #tpu.memory_space<hbm>> -> memref<26x128xf32, #tpu.memory_space<hbm>>
        %dma_start3A_1462 = arith.constant 0 : i32
        %dma_start3A_1463 = arith.constant 0 : i32
        %dma_start3A_1464 = tpu.memref_slice %arg6[%dma_start3A_1462, %dma_start3A_1463] : memref<416x128xf32, #tpu.memory_space<vmem>> -> memref<26x128xf32, #tpu.memory_space<vmem>>
        %dma_start3A_1465 = arith.constant 0 : i32
        %dma_start3A_1466 = tpu.memref_slice %arg2[%dma_start3A_1465, %multiple_of3A_1456] : memref<26x1000000xf32, #tpu.memory_space<hbm>> -> memref<26x128xf32, #tpu.memory_space<hbm>>
        tpu.enqueue_dma source(%dma_start3A_1466 : memref<26x128xf32, #tpu.memory_space<hbm>>) target(%dma_start3A_1464 : memref<26x128xf32, #tpu.memory_space<vmem>>) target_semaphore(%arg9 : memref<!tpu.dma_semaphore, #tpu.memory_space<semaphore_mem>>)
        %slice3A_1467 = vector.extract_strided_slice %min3A_1453 {offsets = [1], sizes = [1], strides = [1]} : vector<16xi32> to vector<1xi32>
        %squeeze3A_1468 = vector.extract %slice3A_1467[0] : i32 from vector<1xi32>
        %multiple_of3A_1469 = tpu.assume_multiple %squeeze3A_1468, 128 : i32
        %dma_start3A_1470 = arith.constant 26 : i32
        %dma_start3A_1471 = arith.constant 0 : i32
        %dma_start3A_1472 = tpu.memref_slice %arg6[%dma_start3A_1470, %dma_start3A_1471] : memref<416x128xf32, #tpu.memory_space<vmem>> -> memref<26x128xf32, #tpu.memory_space<vmem>>
        %dma_start3A_1473 = arith.constant 0 : i32
        %dma_start3A_1474 = tpu.memref_slice %arg2[%dma_start3A_1473, %multiple_of3A_1469] : memref<26x1000000xf32, #tpu.memory_space<hbm>> -> memref<26x128xf32, #tpu.memory_space<hbm>>
        %dma_start3A_1475 = arith.constant 26 : i32
        %dma_start3A_1476 = arith.constant 0 : i32
        %dma_start3A_1477 = tpu.memref_slice %arg6[%dma_start3A_1475, %dma_start3A_1476] : memref<416x128xf32, #tpu.memory_space<vmem>> -> memref<26x128xf32, #tpu.memory_space<vmem>>
        %dma_start3A_1478 = arith.constant 0 : i32
        %dma_start3A_1479 = tpu.memref_slice %arg2[%dma_start3A_1478, %multiple_of3A_1469] : memref<26x1000000xf32, #tpu.memory_space<hbm>> -> memref<26x128xf32, #tpu.memory_space<hbm>>
        tpu.enqueue_dma source(%dma_start3A_1479 : memref<26x128xf32, #tpu.memory_space<hbm>>) target(%dma_start3A_1477 : memref<26x128xf32, #tpu.memory_space<vmem>>) target_semaphore(%arg9 : memref<!tpu.dma_semaphore, #tpu.memory_space<semaphore_mem>>)
        %slice3A_1480 = vector.extract_strided_slice %min3A_1453 {offsets = [2], sizes = [1], strides = [1]} : vector<16xi32> to vector<1xi32>
        %squeeze3A_1481 = vector.extract %slice3A_1480[0] : i32 from vector<1xi32>
        %multiple_of3A_1482 = tpu.assume_multiple %squeeze3A_1481, 128 : i32
        %dma_start3A_1483 = arith.constant 52 : i32
        %dma_start3A_1484 = arith.constant 0 : i32
        %dma_start3A_1485 = tpu.memref_slice %arg6[%dma_start3A_1483, %dma_start3A_1484] : memref<416x128xf32, #tpu.memory_space<vmem>> -> memref<26x128xf32, #tpu.memory_space<vmem>>
        %dma_start3A_1486 = arith.constant 0 : i32
        %dma_start3A_1487 = tpu.memref_slice %arg2[%dma_start3A_1486, %multiple_of3A_1482] : memref<26x1000000xf32, #tpu.memory_space<hbm>> -> memref<26x128xf32, #tpu.memory_space<hbm>>
        %dma_start3A_1488 = arith.constant 52 : i32
        %dma_start3A_1489 = arith.constant 0 : i32
        %dma_start3A_1490 = tpu.memref_slice %arg6[%dma_start3A_1488, %dma_start3A_1489] : memref<416x128xf32, #tpu.memory_space<vmem>> -> memref<26x128xf32, #tpu.memory_space<vmem>>
        %dma_start3A_1491 = arith.constant 0 : i32
        %dma_start3A_1492 = tpu.memref_slice %arg2[%dma_start3A_1491, %multiple_of3A_1482] : memref<26x1000000xf32, #tpu.memory_space<hbm>> -> memref<26x128xf32, #tpu.memory_space<hbm>>
        tpu.enqueue_dma source(%dma_start3A_1492 : memref<26x128xf32, #tpu.memory_space<hbm>>) target(%dma_start3A_1490 : memref<26x128xf32, #tpu.memory_space<vmem>>) target_semaphore(%arg9 : memref<!tpu.dma_semaphore, #tpu.memory_space<semaphore_mem>>)
        %slice3A_1493 = vector.extract_strided_slice %min3A_1453 {offsets = [3], sizes = [1], strides = [1]} : vector<16xi32> to vector<1xi32>
        %squeeze3A_1494 = vector.extract %slice3A_1493[0] : i32 from vector<1xi32>
        %multiple_of3A_1495 = tpu.assume_multiple %squeeze3A_1494, 128 : i32
        %dma_start3A_1496 = arith.constant 78 : i32
        %dma_start3A_1497 = arith.constant 0 : i32
        %dma_start3A_1498 = tpu.memref_slice %arg6[%dma_start3A_1496, %dma_start3A_1497] : memref<416x128xf32, #tpu.memory_space<vmem>> -> memref<26x128xf32, #tpu.memory_space<vmem>>
        %dma_start3A_1499 = arith.constant 0 : i32
        %dma_start3A_1500 = tpu.memref_slice %arg2[%dma_start3A_1499, %multiple_of3A_1495] : memref<26x1000000xf32, #tpu.memory_space<hbm>> -> memref<26x128xf32, #tpu.memory_space<hbm>>
        %dma_start3A_1501 = arith.constant 78 : i32
        %dma_start3A_1502 = arith.constant 0 : i32
        %dma_start3A_1503 = tpu.memref_slice %arg6[%dma_start3A_1501, %dma_start3A_1502] : memref<416x128xf32, #tpu.memory_space<vmem>> -> memref<26x128xf32, #tpu.memory_space<vmem>>
        %dma_start3A_1504 = arith.constant 0 : i32
        %dma_start3A_1505 = tpu.memref_slice %arg2[%dma_start3A_1504, %multiple_of3A_1495] : memref<26x1000000xf32, #tpu.memory_space<hbm>> -> memref<26x128xf32, #tpu.memory_space<hbm>>
        tpu.enqueue_dma source(%dma_start3A_1505 : memref<26x128xf32, #tpu.memory_space<hbm>>) target(%dma_start3A_1503 : memref<26x128xf32, #tpu.memory_space<vmem>>) target_semaphore(%arg9 : memref<!tpu.dma_semaphore, #tpu.memory_space<semaphore_mem>>)
        %slice3A_1506 = vector.extract_strided_slice %min3A_1453 {offsets = [4], sizes = [1], strides = [1]} : vector<16xi32> to vector<1xi32>
        %squeeze3A_1507 = vector.extract %slice3A_1506[0] : i32 from vector<1xi32>
        %multiple_of3A_1508 = tpu.assume_multiple %squeeze3A_1507, 128 : i32
        %dma_start3A_1509 = arith.constant 104 : i32
        %dma_start3A_1510 = arith.constant 0 : i32
        %dma_start3A_1511 = tpu.memref_slice %arg6[%dma_start3A_1509, %dma_start3A_1510] : memref<416x128xf32, #tpu.memory_space<vmem>> -> memref<26x128xf32, #tpu.memory_space<vmem>>
        %dma_start3A_1512 = arith.constant 0 : i32
        %dma_start3A_1513 = tpu.memref_slice %arg2[%dma_start3A_1512, %multiple_of3A_1508] : memref<26x1000000xf32, #tpu.memory_space<hbm>> -> memref<26x128xf32, #tpu.memory_space<hbm>>
        %dma_start3A_1514 = arith.constant 104 : i32
        %dma_start3A_1515 = arith.constant 0 : i32
        %dma_start3A_1516 = tpu.memref_slice %arg6[%dma_start3A_1514, %dma_start3A_1515] : memref<416x128xf32, #tpu.memory_space<vmem>> -> memref<26x128xf32, #tpu.memory_space<vmem>>
        %dma_start3A_1517 = arith.constant 0 : i32
        %dma_start3A_1518 = tpu.memref_slice %arg2[%dma_start3A_1517, %multiple_of3A_1508] : memref<26x1000000xf32, #tpu.memory_space<hbm>> -> memref<26x128xf32, #tpu.memory_space<hbm>>
        tpu.enqueue_dma source(%dma_start3A_1518 : memref<26x128xf32, #tpu.memory_space<hbm>>) target(%dma_start3A_1516 : memref<26x128xf32, #tpu.memory_space<vmem>>) target_semaphore(%arg9 : memref<!tpu.dma_semaphore, #tpu.memory_space<semaphore_mem>>)
        %slice3A_1519 = vector.extract_strided_slice %min3A_1453 {offsets = [5], sizes = [1], strides = [1]} : vector<16xi32> to vector<1xi32>
        %squeeze3A_1520 = vector.extract %slice3A_1519[0] : i32 from vector<1xi32>
        %multiple_of3A_1521 = tpu.assume_multiple %squeeze3A_1520, 128 : i32
        %dma_start3A_1522 = arith.constant 130 : i32
        %dma_start3A_1523 = arith.constant 0 : i32
        %dma_start3A_1524 = tpu.memref_slice %arg6[%dma_start3A_1522, %dma_start3A_1523] : memref<416x128xf32, #tpu.memory_space<vmem>> -> memref<26x128xf32, #tpu.memory_space<vmem>>
        %dma_start3A_1525 = arith.constant 0 : i32
        %dma_start3A_1526 = tpu.memref_slice %arg2[%dma_start3A_1525, %multiple_of3A_1521] : memref<26x1000000xf32, #tpu.memory_space<hbm>> -> memref<26x128xf32, #tpu.memory_space<hbm>>
        %dma_start3A_1527 = arith.constant 130 : i32
        %dma_start3A_1528 = arith.constant 0 : i32
        %dma_start3A_1529 = tpu.memref_slice %arg6[%dma_start3A_1527, %dma_start3A_1528] : memref<416x128xf32, #tpu.memory_space<vmem>> -> memref<26x128xf32, #tpu.memory_space<vmem>>
        %dma_start3A_1530 = arith.constant 0 : i32
        %dma_start3A_1531 = tpu.memref_slice %arg2[%dma_start3A_1530, %multiple_of3A_1521] : memref<26x1000000xf32, #tpu.memory_space<hbm>> -> memref<26x128xf32, #tpu.memory_space<hbm>>
        tpu.enqueue_dma source(%dma_start3A_1531 : memref<26x128xf32, #tpu.memory_space<hbm>>) target(%dma_start3A_1529 : memref<26x128xf32, #tpu.memory_space<vmem>>) target_semaphore(%arg9 : memref<!tpu.dma_semaphore, #tpu.memory_space<semaphore_mem>>)
        %slice3A_1532 = vector.extract_strided_slice %min3A_1453 {offsets = [6], sizes = [1], strides = [1]} : vector<16xi32> to vector<1xi32>
        %squeeze3A_1533 = vector.extract %slice3A_1532[0] : i32 from vector<1xi32>
        %multiple_of3A_1534 = tpu.assume_multiple %squeeze3A_1533, 128 : i32
        %dma_start3A_1535 = arith.constant 156 : i32
        %dma_start3A_1536 = arith.constant 0 : i32
        %dma_start3A_1537 = tpu.memref_slice %arg6[%dma_start3A_1535, %dma_start3A_1536] : memref<416x128xf32, #tpu.memory_space<vmem>> -> memref<26x128xf32, #tpu.memory_space<vmem>>
        %dma_start3A_1538 = arith.constant 0 : i32
        %dma_start3A_1539 = tpu.memref_slice %arg2[%dma_start3A_1538, %multiple_of3A_1534] : memref<26x1000000xf32, #tpu.memory_space<hbm>> -> memref<26x128xf32, #tpu.memory_space<hbm>>
        %dma_start3A_1540 = arith.constant 156 : i32
        %dma_start3A_1541 = arith.constant 0 : i32
        %dma_start3A_1542 = tpu.memref_slice %arg6[%dma_start3A_1540, %dma_start3A_1541] : memref<416x128xf32, #tpu.memory_space<vmem>> -> memref<26x128xf32, #tpu.memory_space<vmem>>
        %dma_start3A_1543 = arith.constant 0 : i32
        %dma_start3A_1544 = tpu.memref_slice %arg2[%dma_start3A_1543, %multiple_of3A_1534] : memref<26x1000000xf32, #tpu.memory_space<hbm>> -> memref<26x128xf32, #tpu.memory_space<hbm>>
        tpu.enqueue_dma source(%dma_start3A_1544 : memref<26x128xf32, #tpu.memory_space<hbm>>) target(%dma_start3A_1542 : memref<26x128xf32, #tpu.memory_space<vmem>>) target_semaphore(%arg9 : memref<!tpu.dma_semaphore, #tpu.memory_space<semaphore_mem>>)
        %slice3A_1545 = vector.extract_strided_slice %min3A_1453 {offsets = [7], sizes = [1], strides = [1]} : vector<16xi32> to vector<1xi32>
        %squeeze3A_1546 = vector.extract %slice3A_1545[0] : i32 from vector<1xi32>
        %multiple_of3A_1547 = tpu.assume_multiple %squeeze3A_1546, 128 : i32
        %dma_start3A_1548 = arith.constant 182 : i32
        %dma_start3A_1549 = arith.constant 0 : i32
        %dma_start3A_1550 = tpu.memref_slice %arg6[%dma_start3A_1548, %dma_start3A_1549] : memref<416x128xf32, #tpu.memory_space<vmem>> -> memref<26x128xf32, #tpu.memory_space<vmem>>
        %dma_start3A_1551 = arith.constant 0 : i32
        %dma_start3A_1552 = tpu.memref_slice %arg2[%dma_start3A_1551, %multiple_of3A_1547] : memref<26x1000000xf32, #tpu.memory_space<hbm>> -> memref<26x128xf32, #tpu.memory_space<hbm>>
        %dma_start3A_1553 = arith.constant 182 : i32
        %dma_start3A_1554 = arith.constant 0 : i32
        %dma_start3A_1555 = tpu.memref_slice %arg6[%dma_start3A_1553, %dma_start3A_1554] : memref<416x128xf32, #tpu.memory_space<vmem>> -> memref<26x128xf32, #tpu.memory_space<vmem>>
        %dma_start3A_1556 = arith.constant 0 : i32
        %dma_start3A_1557 = tpu.memref_slice %arg2[%dma_start3A_1556, %multiple_of3A_1547] : memref<26x1000000xf32, #tpu.memory_space<hbm>> -> memref<26x128xf32, #tpu.memory_space<hbm>>
        tpu.enqueue_dma source(%dma_start3A_1557 : memref<26x128xf32, #tpu.memory_space<hbm>>) target(%dma_start3A_1555 : memref<26x128xf32, #tpu.memory_space<vmem>>) target_semaphore(%arg9 : memref<!tpu.dma_semaphore, #tpu.memory_space<semaphore_mem>>)
        %slice3A_1558 = vector.extract_strided_slice %min3A_1453 {offsets = [8], sizes = [1], strides = [1]} : vector<16xi32> to vector<1xi32>
        %squeeze3A_1559 = vector.extract %slice3A_1558[0] : i32 from vector<1xi32>
        %multiple_of3A_1560 = tpu.assume_multiple %squeeze3A_1559, 128 : i32
        %dma_start3A_1561 = arith.constant 208 : i32
        %dma_start3A_1562 = arith.constant 0 : i32
        %dma_start3A_1563 = tpu.memref_slice %arg6[%dma_start3A_1561, %dma_start3A_1562] : memref<416x128xf32, #tpu.memory_space<vmem>> -> memref<26x128xf32, #tpu.memory_space<vmem>>
        %dma_start3A_1564 = arith.constant 0 : i32
        %dma_start3A_1565 = tpu.memref_slice %arg2[%dma_start3A_1564, %multiple_of3A_1560] : memref<26x1000000xf32, #tpu.memory_space<hbm>> -> memref<26x128xf32, #tpu.memory_space<hbm>>
        %dma_start3A_1566 = arith.constant 208 : i32
        %dma_start3A_1567 = arith.constant 0 : i32
        %dma_start3A_1568 = tpu.memref_slice %arg6[%dma_start3A_1566, %dma_start3A_1567] : memref<416x128xf32, #tpu.memory_space<vmem>> -> memref<26x128xf32, #tpu.memory_space<vmem>>
        %dma_start3A_1569 = arith.constant 0 : i32
        %dma_start3A_1570 = tpu.memref_slice %arg2[%dma_start3A_1569, %multiple_of3A_1560] : memref<26x1000000xf32, #tpu.memory_space<hbm>> -> memref<26x128xf32, #tpu.memory_space<hbm>>
        tpu.enqueue_dma source(%dma_start3A_1570 : memref<26x128xf32, #tpu.memory_space<hbm>>) target(%dma_start3A_1568 : memref<26x128xf32, #tpu.memory_space<vmem>>) target_semaphore(%arg9 : memref<!tpu.dma_semaphore, #tpu.memory_space<semaphore_mem>>)
        %slice3A_1571 = vector.extract_strided_slice %min3A_1453 {offsets = [9], sizes = [1], strides = [1]} : vector<16xi32> to vector<1xi32>
        %squeeze3A_1572 = vector.extract %slice3A_1571[0] : i32 from vector<1xi32>
        %multiple_of3A_1573 = tpu.assume_multiple %squeeze3A_1572, 128 : i32
        %dma_start3A_1574 = arith.constant 234 : i32
        %dma_start3A_1575 = arith.constant 0 : i32
        %dma_start3A_1576 = tpu.memref_slice %arg6[%dma_start3A_1574, %dma_start3A_1575] : memref<416x128xf32, #tpu.memory_space<vmem>> -> memref<26x128xf32, #tpu.memory_space<vmem>>
        %dma_start3A_1577 = arith.constant 0 : i32
        %dma_start3A_1578 = tpu.memref_slice %arg2[%dma_start3A_1577, %multiple_of3A_1573] : memref<26x1000000xf32, #tpu.memory_space<hbm>> -> memref<26x128xf32, #tpu.memory_space<hbm>>
        %dma_start3A_1579 = arith.constant 234 : i32
        %dma_start3A_1580 = arith.constant 0 : i32
        %dma_start3A_1581 = tpu.memref_slice %arg6[%dma_start3A_1579, %dma_start3A_1580] : memref<416x128xf32, #tpu.memory_space<vmem>> -> memref<26x128xf32, #tpu.memory_space<vmem>>
        %dma_start3A_1582 = arith.constant 0 : i32
        %dma_start3A_1583 = tpu.memref_slice %arg2[%dma_start3A_1582, %multiple_of3A_1573] : memref<26x1000000xf32, #tpu.memory_space<hbm>> -> memref<26x128xf32, #tpu.memory_space<hbm>>
        tpu.enqueue_dma source(%dma_start3A_1583 : memref<26x128xf32, #tpu.memory_space<hbm>>) target(%dma_start3A_1581 : memref<26x128xf32, #tpu.memory_space<vmem>>) target_semaphore(%arg9 : memref<!tpu.dma_semaphore, #tpu.memory_space<semaphore_mem>>)
        %slice3A_1584 = vector.extract_strided_slice %min3A_1453 {offsets = [10], sizes = [1], strides = [1]} : vector<16xi32> to vector<1xi32>
        %squeeze3A_1585 = vector.extract %slice3A_1584[0] : i32 from vector<1xi32>
        %multiple_of3A_1586 = tpu.assume_multiple %squeeze3A_1585, 128 : i32
        %dma_start3A_1587 = arith.constant 260 : i32
        %dma_start3A_1588 = arith.constant 0 : i32
        %dma_start3A_1589 = tpu.memref_slice %arg6[%dma_start3A_1587, %dma_start3A_1588] : memref<416x128xf32, #tpu.memory_space<vmem>> -> memref<26x128xf32, #tpu.memory_space<vmem>>
        %dma_start3A_1590 = arith.constant 0 : i32
        %dma_start3A_1591 = tpu.memref_slice %arg2[%dma_start3A_1590, %multiple_of3A_1586] : memref<26x1000000xf32, #tpu.memory_space<hbm>> -> memref<26x128xf32, #tpu.memory_space<hbm>>
        %dma_start3A_1592 = arith.constant 260 : i32
        %dma_start3A_1593 = arith.constant 0 : i32
        %dma_start3A_1594 = tpu.memref_slice %arg6[%dma_start3A_1592, %dma_start3A_1593] : memref<416x128xf32, #tpu.memory_space<vmem>> -> memref<26x128xf32, #tpu.memory_space<vmem>>
        %dma_start3A_1595 = arith.constant 0 : i32
        %dma_start3A_1596 = tpu.memref_slice %arg2[%dma_start3A_1595, %multiple_of3A_1586] : memref<26x1000000xf32, #tpu.memory_space<hbm>> -> memref<26x128xf32, #tpu.memory_space<hbm>>
        tpu.enqueue_dma source(%dma_start3A_1596 : memref<26x128xf32, #tpu.memory_space<hbm>>) target(%dma_start3A_1594 : memref<26x128xf32, #tpu.memory_space<vmem>>) target_semaphore(%arg9 : memref<!tpu.dma_semaphore, #tpu.memory_space<semaphore_mem>>)
        %slice3A_1597 = vector.extract_strided_slice %min3A_1453 {offsets = [11], sizes = [1], strides = [1]} : vector<16xi32> to vector<1xi32>
        %squeeze3A_1598 = vector.extract %slice3A_1597[0] : i32 from vector<1xi32>
        %multiple_of3A_1599 = tpu.assume_multiple %squeeze3A_1598, 128 : i32
        %dma_start3A_1600 = arith.constant 286 : i32
        %dma_start3A_1601 = arith.constant 0 : i32
        %dma_start3A_1602 = tpu.memref_slice %arg6[%dma_start3A_1600, %dma_start3A_1601] : memref<416x128xf32, #tpu.memory_space<vmem>> -> memref<26x128xf32, #tpu.memory_space<vmem>>
        %dma_start3A_1603 = arith.constant 0 : i32
        %dma_start3A_1604 = tpu.memref_slice %arg2[%dma_start3A_1603, %multiple_of3A_1599] : memref<26x1000000xf32, #tpu.memory_space<hbm>> -> memref<26x128xf32, #tpu.memory_space<hbm>>
        %dma_start3A_1605 = arith.constant 286 : i32
        %dma_start3A_1606 = arith.constant 0 : i32
        %dma_start3A_1607 = tpu.memref_slice %arg6[%dma_start3A_1605, %dma_start3A_1606] : memref<416x128xf32, #tpu.memory_space<vmem>> -> memref<26x128xf32, #tpu.memory_space<vmem>>
        %dma_start3A_1608 = arith.constant 0 : i32
        %dma_start3A_1609 = tpu.memref_slice %arg2[%dma_start3A_1608, %multiple_of3A_1599] : memref<26x1000000xf32, #tpu.memory_space<hbm>> -> memref<26x128xf32, #tpu.memory_space<hbm>>
        tpu.enqueue_dma source(%dma_start3A_1609 : memref<26x128xf32, #tpu.memory_space<hbm>>) target(%dma_start3A_1607 : memref<26x128xf32, #tpu.memory_space<vmem>>) target_semaphore(%arg9 : memref<!tpu.dma_semaphore, #tpu.memory_space<semaphore_mem>>)
        %slice3A_1610 = vector.extract_strided_slice %min3A_1453 {offsets = [12], sizes = [1], strides = [1]} : vector<16xi32> to vector<1xi32>
        %squeeze3A_1611 = vector.extract %slice3A_1610[0] : i32 from vector<1xi32>
        %multiple_of3A_1612 = tpu.assume_multiple %squeeze3A_1611, 128 : i32
        %dma_start3A_1613 = arith.constant 312 : i32
        %dma_start3A_1614 = arith.constant 0 : i32
        %dma_start3A_1615 = tpu.memref_slice %arg6[%dma_start3A_1613, %dma_start3A_1614] : memref<416x128xf32, #tpu.memory_space<vmem>> -> memref<26x128xf32, #tpu.memory_space<vmem>>
        %dma_start3A_1616 = arith.constant 0 : i32
        %dma_start3A_1617 = tpu.memref_slice %arg2[%dma_start3A_1616, %multiple_of3A_1612] : memref<26x1000000xf32, #tpu.memory_space<hbm>> -> memref<26x128xf32, #tpu.memory_space<hbm>>
        %dma_start3A_1618 = arith.constant 312 : i32
        %dma_start3A_1619 = arith.constant 0 : i32
        %dma_start3A_1620 = tpu.memref_slice %arg6[%dma_start3A_1618, %dma_start3A_1619] : memref<416x128xf32, #tpu.memory_space<vmem>> -> memref<26x128xf32, #tpu.memory_space<vmem>>
        %dma_start3A_1621 = arith.constant 0 : i32
        %dma_start3A_1622 = tpu.memref_slice %arg2[%dma_start3A_1621, %multiple_of3A_1612] : memref<26x1000000xf32, #tpu.memory_space<hbm>> -> memref<26x128xf32, #tpu.memory_space<hbm>>
        tpu.enqueue_dma source(%dma_start3A_1622 : memref<26x128xf32, #tpu.memory_space<hbm>>) target(%dma_start3A_1620 : memref<26x128xf32, #tpu.memory_space<vmem>>) target_semaphore(%arg9 : memref<!tpu.dma_semaphore, #tpu.memory_space<semaphore_mem>>)
        %slice3A_1623 = vector.extract_strided_slice %min3A_1453 {offsets = [13], sizes = [1], strides = [1]} : vector<16xi32> to vector<1xi32>
        %squeeze3A_1624 = vector.extract %slice3A_1623[0] : i32 from vector<1xi32>
        %multiple_of3A_1625 = tpu.assume_multiple %squeeze3A_1624, 128 : i32
        %dma_start3A_1626 = arith.constant 338 : i32
        %dma_start3A_1627 = arith.constant 0 : i32
        %dma_start3A_1628 = tpu.memref_slice %arg6[%dma_start3A_1626, %dma_start3A_1627] : memref<416x128xf32, #tpu.memory_space<vmem>> -> memref<26x128xf32, #tpu.memory_space<vmem>>
        %dma_start3A_1629 = arith.constant 0 : i32
        %dma_start3A_1630 = tpu.memref_slice %arg2[%dma_start3A_1629, %multiple_of3A_1625] : memref<26x1000000xf32, #tpu.memory_space<hbm>> -> memref<26x128xf32, #tpu.memory_space<hbm>>
        %dma_start3A_1631 = arith.constant 338 : i32
        %dma_start3A_1632 = arith.constant 0 : i32
        %dma_start3A_1633 = tpu.memref_slice %arg6[%dma_start3A_1631, %dma_start3A_1632] : memref<416x128xf32, #tpu.memory_space<vmem>> -> memref<26x128xf32, #tpu.memory_space<vmem>>
        %dma_start3A_1634 = arith.constant 0 : i32
        %dma_start3A_1635 = tpu.memref_slice %arg2[%dma_start3A_1634, %multiple_of3A_1625] : memref<26x1000000xf32, #tpu.memory_space<hbm>> -> memref<26x128xf32, #tpu.memory_space<hbm>>
        tpu.enqueue_dma source(%dma_start3A_1635 : memref<26x128xf32, #tpu.memory_space<hbm>>) target(%dma_start3A_1633 : memref<26x128xf32, #tpu.memory_space<vmem>>) target_semaphore(%arg9 : memref<!tpu.dma_semaphore, #tpu.memory_space<semaphore_mem>>)
        %slice3A_1636 = vector.extract_strided_slice %min3A_1453 {offsets = [14], sizes = [1], strides = [1]} : vector<16xi32> to vector<1xi32>
        %squeeze3A_1637 = vector.extract %slice3A_1636[0] : i32 from vector<1xi32>
        %multiple_of3A_1638 = tpu.assume_multiple %squeeze3A_1637, 128 : i32
        %dma_start3A_1639 = arith.constant 364 : i32
        %dma_start3A_1640 = arith.constant 0 : i32
        %dma_start3A_1641 = tpu.memref_slice %arg6[%dma_start3A_1639, %dma_start3A_1640] : memref<416x128xf32, #tpu.memory_space<vmem>> -> memref<26x128xf32, #tpu.memory_space<vmem>>
        %dma_start3A_1642 = arith.constant 0 : i32
        %dma_start3A_1643 = tpu.memref_slice %arg2[%dma_start3A_1642, %multiple_of3A_1638] : memref<26x1000000xf32, #tpu.memory_space<hbm>> -> memref<26x128xf32, #tpu.memory_space<hbm>>
        %dma_start3A_1644 = arith.constant 364 : i32
        %dma_start3A_1645 = arith.constant 0 : i32
        %dma_start3A_1646 = tpu.memref_slice %arg6[%dma_start3A_1644, %dma_start3A_1645] : memref<416x128xf32, #tpu.memory_space<vmem>> -> memref<26x128xf32, #tpu.memory_space<vmem>>
        %dma_start3A_1647 = arith.constant 0 : i32
        %dma_start3A_1648 = tpu.memref_slice %arg2[%dma_start3A_1647, %multiple_of3A_1638] : memref<26x1000000xf32, #tpu.memory_space<hbm>> -> memref<26x128xf32, #tpu.memory_space<hbm>>
        tpu.enqueue_dma source(%dma_start3A_1648 : memref<26x128xf32, #tpu.memory_space<hbm>>) target(%dma_start3A_1646 : memref<26x128xf32, #tpu.memory_space<vmem>>) target_semaphore(%arg9 : memref<!tpu.dma_semaphore, #tpu.memory_space<semaphore_mem>>)
        %slice3A_1649 = vector.extract_strided_slice %min3A_1453 {offsets = [15], sizes = [1], strides = [1]} : vector<16xi32> to vector<1xi32>
        %squeeze3A_1650 = vector.extract %slice3A_1649[0] : i32 from vector<1xi32>
        %multiple_of3A_1651 = tpu.assume_multiple %squeeze3A_1650, 128 : i32
        %dma_start3A_1652 = arith.constant 390 : i32
        %dma_start3A_1653 = arith.constant 0 : i32
        %dma_start3A_1654 = tpu.memref_slice %arg6[%dma_start3A_1652, %dma_start3A_1653] : memref<416x128xf32, #tpu.memory_space<vmem>> -> memref<26x128xf32, #tpu.memory_space<vmem>>
        %dma_start3A_1655 = arith.constant 0 : i32
        %dma_start3A_1656 = tpu.memref_slice %arg2[%dma_start3A_1655, %multiple_of3A_1651] : memref<26x1000000xf32, #tpu.memory_space<hbm>> -> memref<26x128xf32, #tpu.memory_space<hbm>>
        %dma_start3A_1657 = arith.constant 390 : i32
        %dma_start3A_1658 = arith.constant 0 : i32
        %dma_start3A_1659 = tpu.memref_slice %arg6[%dma_start3A_1657, %dma_start3A_1658] : memref<416x128xf32, #tpu.memory_space<vmem>> -> memref<26x128xf32, #tpu.memory_space<vmem>>
        %dma_start3A_1660 = arith.constant 0 : i32
        %dma_start3A_1661 = tpu.memref_slice %arg2[%dma_start3A_1660, %multiple_of3A_1651] : memref<26x1000000xf32, #tpu.memory_space<hbm>> -> memref<26x128xf32, #tpu.memory_space<hbm>>
        tpu.enqueue_dma source(%dma_start3A_1661 : memref<26x128xf32, #tpu.memory_space<hbm>>) target(%dma_start3A_1659 : memref<26x128xf32, #tpu.memory_space<vmem>>) target_semaphore(%arg9 : memref<!tpu.dma_semaphore, #tpu.memory_space<semaphore_mem>>)
      } else {
      }
      %dma_wait3A_940 = arith.constant 0 : i32
      %dma_wait3A_941 = arith.constant 0 : i32
      %dma_wait3A_942 = tpu.memref_slice %arg7[%dma_wait3A_940, %dma_wait3A_941] : memref<416x128xf32, #tpu.memory_space<vmem>> -> memref<26x128xf32, #tpu.memory_space<vmem>>
      %dma_wait3A_943 = arith.constant 0 : i32
      %dma_wait3A_944 = arith.constant 0 : i32
      %dma_wait3A_945 = tpu.memref_slice %arg2[%dma_wait3A_943, %dma_wait3A_944] : memref<26x1000000xf32, #tpu.memory_space<hbm>> -> memref<26x128xf32, #tpu.memory_space<hbm>>
      %dma_wait3A_946 = arith.constant 0 : i32
      %dma_wait3A_947 = arith.constant 0 : i32
      %dma_wait3A_948 = tpu.memref_slice %arg7[%dma_wait3A_946, %dma_wait3A_947] : memref<416x128xf32, #tpu.memory_space<vmem>> -> memref<26x128xf32, #tpu.memory_space<vmem>>
      %dma_wait3A_949 = arith.constant 0 : i32
      %dma_wait3A_950 = arith.constant 0 : i32
      %dma_wait3A_951 = tpu.memref_slice %arg2[%dma_wait3A_949, %dma_wait3A_950] : memref<26x1000000xf32, #tpu.memory_space<hbm>> -> memref<26x128xf32, #tpu.memory_space<hbm>>
      tpu.wait_dma2 semaphore(%arg10 : memref<!tpu.dma_semaphore, #tpu.memory_space<semaphore_mem>>) src(%dma_wait3A_951 : memref<26x128xf32, #tpu.memory_space<hbm>>) dst(%dma_wait3A_948 : memref<26x128xf32, #tpu.memory_space<vmem>>)
      %dma_wait3A_952 = arith.constant 26 : i32
      %dma_wait3A_953 = arith.constant 0 : i32
      %dma_wait3A_954 = tpu.memref_slice %arg7[%dma_wait3A_952, %dma_wait3A_953] : memref<416x128xf32, #tpu.memory_space<vmem>> -> memref<26x128xf32, #tpu.memory_space<vmem>>
      %dma_wait3A_955 = arith.constant 0 : i32
      %dma_wait3A_956 = arith.constant 0 : i32
      %dma_wait3A_957 = tpu.memref_slice %arg2[%dma_wait3A_955, %dma_wait3A_956] : memref<26x1000000xf32, #tpu.memory_space<hbm>> -> memref<26x128xf32, #tpu.memory_space<hbm>>
      %dma_wait3A_958 = arith.constant 26 : i32
      %dma_wait3A_959 = arith.constant 0 : i32
      %dma_wait3A_960 = tpu.memref_slice %arg7[%dma_wait3A_958, %dma_wait3A_959] : memref<416x128xf32, #tpu.memory_space<vmem>> -> memref<26x128xf32, #tpu.memory_space<vmem>>
      %dma_wait3A_961 = arith.constant 0 : i32
      %dma_wait3A_962 = arith.constant 0 : i32
      %dma_wait3A_963 = tpu.memref_slice %arg2[%dma_wait3A_961, %dma_wait3A_962] : memref<26x1000000xf32, #tpu.memory_space<hbm>> -> memref<26x128xf32, #tpu.memory_space<hbm>>
      tpu.wait_dma2 semaphore(%arg10 : memref<!tpu.dma_semaphore, #tpu.memory_space<semaphore_mem>>) src(%dma_wait3A_963 : memref<26x128xf32, #tpu.memory_space<hbm>>) dst(%dma_wait3A_960 : memref<26x128xf32, #tpu.memory_space<vmem>>)
      %dma_wait3A_964 = arith.constant 52 : i32
      %dma_wait3A_965 = arith.constant 0 : i32
      %dma_wait3A_966 = tpu.memref_slice %arg7[%dma_wait3A_964, %dma_wait3A_965] : memref<416x128xf32, #tpu.memory_space<vmem>> -> memref<26x128xf32, #tpu.memory_space<vmem>>
      %dma_wait3A_967 = arith.constant 0 : i32
      %dma_wait3A_968 = arith.constant 0 : i32
      %dma_wait3A_969 = tpu.memref_slice %arg2[%dma_wait3A_967, %dma_wait3A_968] : memref<26x1000000xf32, #tpu.memory_space<hbm>> -> memref<26x128xf32, #tpu.memory_space<hbm>>
      %dma_wait3A_970 = arith.constant 52 : i32
      %dma_wait3A_971 = arith.constant 0 : i32
      %dma_wait3A_972 = tpu.memref_slice %arg7[%dma_wait3A_970, %dma_wait3A_971] : memref<416x128xf32, #tpu.memory_space<vmem>> -> memref<26x128xf32, #tpu.memory_space<vmem>>
      %dma_wait3A_973 = arith.constant 0 : i32
      %dma_wait3A_974 = arith.constant 0 : i32
      %dma_wait3A_975 = tpu.memref_slice %arg2[%dma_wait3A_973, %dma_wait3A_974] : memref<26x1000000xf32, #tpu.memory_space<hbm>> -> memref<26x128xf32, #tpu.memory_space<hbm>>
      tpu.wait_dma2 semaphore(%arg10 : memref<!tpu.dma_semaphore, #tpu.memory_space<semaphore_mem>>) src(%dma_wait3A_975 : memref<26x128xf32, #tpu.memory_space<hbm>>) dst(%dma_wait3A_972 : memref<26x128xf32, #tpu.memory_space<vmem>>)
      %dma_wait3A_976 = arith.constant 78 : i32
      %dma_wait3A_977 = arith.constant 0 : i32
      %dma_wait3A_978 = tpu.memref_slice %arg7[%dma_wait3A_976, %dma_wait3A_977] : memref<416x128xf32, #tpu.memory_space<vmem>> -> memref<26x128xf32, #tpu.memory_space<vmem>>
      %dma_wait3A_979 = arith.constant 0 : i32
      %dma_wait3A_980 = arith.constant 0 : i32
      %dma_wait3A_981 = tpu.memref_slice %arg2[%dma_wait3A_979, %dma_wait3A_980] : memref<26x1000000xf32, #tpu.memory_space<hbm>> -> memref<26x128xf32, #tpu.memory_space<hbm>>
      %dma_wait3A_982 = arith.constant 78 : i32
      %dma_wait3A_983 = arith.constant 0 : i32
      %dma_wait3A_984 = tpu.memref_slice %arg7[%dma_wait3A_982, %dma_wait3A_983] : memref<416x128xf32, #tpu.memory_space<vmem>> -> memref<26x128xf32, #tpu.memory_space<vmem>>
      %dma_wait3A_985 = arith.constant 0 : i32
      %dma_wait3A_986 = arith.constant 0 : i32
      %dma_wait3A_987 = tpu.memref_slice %arg2[%dma_wait3A_985, %dma_wait3A_986] : memref<26x1000000xf32, #tpu.memory_space<hbm>> -> memref<26x128xf32, #tpu.memory_space<hbm>>
      tpu.wait_dma2 semaphore(%arg10 : memref<!tpu.dma_semaphore, #tpu.memory_space<semaphore_mem>>) src(%dma_wait3A_987 : memref<26x128xf32, #tpu.memory_space<hbm>>) dst(%dma_wait3A_984 : memref<26x128xf32, #tpu.memory_space<vmem>>)
      %dma_wait3A_988 = arith.constant 104 : i32
      %dma_wait3A_989 = arith.constant 0 : i32
      %dma_wait3A_990 = tpu.memref_slice %arg7[%dma_wait3A_988, %dma_wait3A_989] : memref<416x128xf32, #tpu.memory_space<vmem>> -> memref<26x128xf32, #tpu.memory_space<vmem>>
      %dma_wait3A_991 = arith.constant 0 : i32
      %dma_wait3A_992 = arith.constant 0 : i32
      %dma_wait3A_993 = tpu.memref_slice %arg2[%dma_wait3A_991, %dma_wait3A_992] : memref<26x1000000xf32, #tpu.memory_space<hbm>> -> memref<26x128xf32, #tpu.memory_space<hbm>>
      %dma_wait3A_994 = arith.constant 104 : i32
      %dma_wait3A_995 = arith.constant 0 : i32
      %dma_wait3A_996 = tpu.memref_slice %arg7[%dma_wait3A_994, %dma_wait3A_995] : memref<416x128xf32, #tpu.memory_space<vmem>> -> memref<26x128xf32, #tpu.memory_space<vmem>>
      %dma_wait3A_997 = arith.constant 0 : i32
      %dma_wait3A_998 = arith.constant 0 : i32
      %dma_wait3A_999 = tpu.memref_slice %arg2[%dma_wait3A_997, %dma_wait3A_998] : memref<26x1000000xf32, #tpu.memory_space<hbm>> -> memref<26x128xf32, #tpu.memory_space<hbm>>
      tpu.wait_dma2 semaphore(%arg10 : memref<!tpu.dma_semaphore, #tpu.memory_space<semaphore_mem>>) src(%dma_wait3A_999 : memref<26x128xf32, #tpu.memory_space<hbm>>) dst(%dma_wait3A_996 : memref<26x128xf32, #tpu.memory_space<vmem>>)
      %dma_wait3A_1000 = arith.constant 130 : i32
      %dma_wait3A_1001 = arith.constant 0 : i32
      %dma_wait3A_1002 = tpu.memref_slice %arg7[%dma_wait3A_1000, %dma_wait3A_1001] : memref<416x128xf32, #tpu.memory_space<vmem>> -> memref<26x128xf32, #tpu.memory_space<vmem>>
      %dma_wait3A_1003 = arith.constant 0 : i32
      %dma_wait3A_1004 = arith.constant 0 : i32
      %dma_wait3A_1005 = tpu.memref_slice %arg2[%dma_wait3A_1003, %dma_wait3A_1004] : memref<26x1000000xf32, #tpu.memory_space<hbm>> -> memref<26x128xf32, #tpu.memory_space<hbm>>
      %dma_wait3A_1006 = arith.constant 130 : i32
      %dma_wait3A_1007 = arith.constant 0 : i32
      %dma_wait3A_1008 = tpu.memref_slice %arg7[%dma_wait3A_1006, %dma_wait3A_1007] : memref<416x128xf32, #tpu.memory_space<vmem>> -> memref<26x128xf32, #tpu.memory_space<vmem>>
      %dma_wait3A_1009 = arith.constant 0 : i32
      %dma_wait3A_1010 = arith.constant 0 : i32
      %dma_wait3A_1011 = tpu.memref_slice %arg2[%dma_wait3A_1009, %dma_wait3A_1010] : memref<26x1000000xf32, #tpu.memory_space<hbm>> -> memref<26x128xf32, #tpu.memory_space<hbm>>
      tpu.wait_dma2 semaphore(%arg10 : memref<!tpu.dma_semaphore, #tpu.memory_space<semaphore_mem>>) src(%dma_wait3A_1011 : memref<26x128xf32, #tpu.memory_space<hbm>>) dst(%dma_wait3A_1008 : memref<26x128xf32, #tpu.memory_space<vmem>>)
      %dma_wait3A_1012 = arith.constant 156 : i32
      %dma_wait3A_1013 = arith.constant 0 : i32
      %dma_wait3A_1014 = tpu.memref_slice %arg7[%dma_wait3A_1012, %dma_wait3A_1013] : memref<416x128xf32, #tpu.memory_space<vmem>> -> memref<26x128xf32, #tpu.memory_space<vmem>>
      %dma_wait3A_1015 = arith.constant 0 : i32
      %dma_wait3A_1016 = arith.constant 0 : i32
      %dma_wait3A_1017 = tpu.memref_slice %arg2[%dma_wait3A_1015, %dma_wait3A_1016] : memref<26x1000000xf32, #tpu.memory_space<hbm>> -> memref<26x128xf32, #tpu.memory_space<hbm>>
      %dma_wait3A_1018 = arith.constant 156 : i32
      %dma_wait3A_1019 = arith.constant 0 : i32
      %dma_wait3A_1020 = tpu.memref_slice %arg7[%dma_wait3A_1018, %dma_wait3A_1019] : memref<416x128xf32, #tpu.memory_space<vmem>> -> memref<26x128xf32, #tpu.memory_space<vmem>>
      %dma_wait3A_1021 = arith.constant 0 : i32
      %dma_wait3A_1022 = arith.constant 0 : i32
      %dma_wait3A_1023 = tpu.memref_slice %arg2[%dma_wait3A_1021, %dma_wait3A_1022] : memref<26x1000000xf32, #tpu.memory_space<hbm>> -> memref<26x128xf32, #tpu.memory_space<hbm>>
      tpu.wait_dma2 semaphore(%arg10 : memref<!tpu.dma_semaphore, #tpu.memory_space<semaphore_mem>>) src(%dma_wait3A_1023 : memref<26x128xf32, #tpu.memory_space<hbm>>) dst(%dma_wait3A_1020 : memref<26x128xf32, #tpu.memory_space<vmem>>)
      %dma_wait3A_1024 = arith.constant 182 : i32
      %dma_wait3A_1025 = arith.constant 0 : i32
      %dma_wait3A_1026 = tpu.memref_slice %arg7[%dma_wait3A_1024, %dma_wait3A_1025] : memref<416x128xf32, #tpu.memory_space<vmem>> -> memref<26x128xf32, #tpu.memory_space<vmem>>
      %dma_wait3A_1027 = arith.constant 0 : i32
      %dma_wait3A_1028 = arith.constant 0 : i32
      %dma_wait3A_1029 = tpu.memref_slice %arg2[%dma_wait3A_1027, %dma_wait3A_1028] : memref<26x1000000xf32, #tpu.memory_space<hbm>> -> memref<26x128xf32, #tpu.memory_space<hbm>>
      %dma_wait3A_1030 = arith.constant 182 : i32
      %dma_wait3A_1031 = arith.constant 0 : i32
      %dma_wait3A_1032 = tpu.memref_slice %arg7[%dma_wait3A_1030, %dma_wait3A_1031] : memref<416x128xf32, #tpu.memory_space<vmem>> -> memref<26x128xf32, #tpu.memory_space<vmem>>
      %dma_wait3A_1033 = arith.constant 0 : i32
      %dma_wait3A_1034 = arith.constant 0 : i32
      %dma_wait3A_1035 = tpu.memref_slice %arg2[%dma_wait3A_1033, %dma_wait3A_1034] : memref<26x1000000xf32, #tpu.memory_space<hbm>> -> memref<26x128xf32, #tpu.memory_space<hbm>>
      tpu.wait_dma2 semaphore(%arg10 : memref<!tpu.dma_semaphore, #tpu.memory_space<semaphore_mem>>) src(%dma_wait3A_1035 : memref<26x128xf32, #tpu.memory_space<hbm>>) dst(%dma_wait3A_1032 : memref<26x128xf32, #tpu.memory_space<vmem>>)
      %dma_wait3A_1036 = arith.constant 208 : i32
      %dma_wait3A_1037 = arith.constant 0 : i32
      %dma_wait3A_1038 = tpu.memref_slice %arg7[%dma_wait3A_1036, %dma_wait3A_1037] : memref<416x128xf32, #tpu.memory_space<vmem>> -> memref<26x128xf32, #tpu.memory_space<vmem>>
      %dma_wait3A_1039 = arith.constant 0 : i32
      %dma_wait3A_1040 = arith.constant 0 : i32
      %dma_wait3A_1041 = tpu.memref_slice %arg2[%dma_wait3A_1039, %dma_wait3A_1040] : memref<26x1000000xf32, #tpu.memory_space<hbm>> -> memref<26x128xf32, #tpu.memory_space<hbm>>
      %dma_wait3A_1042 = arith.constant 208 : i32
      %dma_wait3A_1043 = arith.constant 0 : i32
      %dma_wait3A_1044 = tpu.memref_slice %arg7[%dma_wait3A_1042, %dma_wait3A_1043] : memref<416x128xf32, #tpu.memory_space<vmem>> -> memref<26x128xf32, #tpu.memory_space<vmem>>
      %dma_wait3A_1045 = arith.constant 0 : i32
      %dma_wait3A_1046 = arith.constant 0 : i32
      %dma_wait3A_1047 = tpu.memref_slice %arg2[%dma_wait3A_1045, %dma_wait3A_1046] : memref<26x1000000xf32, #tpu.memory_space<hbm>> -> memref<26x128xf32, #tpu.memory_space<hbm>>
      tpu.wait_dma2 semaphore(%arg10 : memref<!tpu.dma_semaphore, #tpu.memory_space<semaphore_mem>>) src(%dma_wait3A_1047 : memref<26x128xf32, #tpu.memory_space<hbm>>) dst(%dma_wait3A_1044 : memref<26x128xf32, #tpu.memory_space<vmem>>)
      %dma_wait3A_1048 = arith.constant 234 : i32
      %dma_wait3A_1049 = arith.constant 0 : i32
      %dma_wait3A_1050 = tpu.memref_slice %arg7[%dma_wait3A_1048, %dma_wait3A_1049] : memref<416x128xf32, #tpu.memory_space<vmem>> -> memref<26x128xf32, #tpu.memory_space<vmem>>
      %dma_wait3A_1051 = arith.constant 0 : i32
      %dma_wait3A_1052 = arith.constant 0 : i32
      %dma_wait3A_1053 = tpu.memref_slice %arg2[%dma_wait3A_1051, %dma_wait3A_1052] : memref<26x1000000xf32, #tpu.memory_space<hbm>> -> memref<26x128xf32, #tpu.memory_space<hbm>>
      %dma_wait3A_1054 = arith.constant 234 : i32
      %dma_wait3A_1055 = arith.constant 0 : i32
      %dma_wait3A_1056 = tpu.memref_slice %arg7[%dma_wait3A_1054, %dma_wait3A_1055] : memref<416x128xf32, #tpu.memory_space<vmem>> -> memref<26x128xf32, #tpu.memory_space<vmem>>
      %dma_wait3A_1057 = arith.constant 0 : i32
      %dma_wait3A_1058 = arith.constant 0 : i32
      %dma_wait3A_1059 = tpu.memref_slice %arg2[%dma_wait3A_1057, %dma_wait3A_1058] : memref<26x1000000xf32, #tpu.memory_space<hbm>> -> memref<26x128xf32, #tpu.memory_space<hbm>>
      tpu.wait_dma2 semaphore(%arg10 : memref<!tpu.dma_semaphore, #tpu.memory_space<semaphore_mem>>) src(%dma_wait3A_1059 : memref<26x128xf32, #tpu.memory_space<hbm>>) dst(%dma_wait3A_1056 : memref<26x128xf32, #tpu.memory_space<vmem>>)
      %dma_wait3A_1060 = arith.constant 260 : i32
      %dma_wait3A_1061 = arith.constant 0 : i32
      %dma_wait3A_1062 = tpu.memref_slice %arg7[%dma_wait3A_1060, %dma_wait3A_1061] : memref<416x128xf32, #tpu.memory_space<vmem>> -> memref<26x128xf32, #tpu.memory_space<vmem>>
      %dma_wait3A_1063 = arith.constant 0 : i32
      %dma_wait3A_1064 = arith.constant 0 : i32
      %dma_wait3A_1065 = tpu.memref_slice %arg2[%dma_wait3A_1063, %dma_wait3A_1064] : memref<26x1000000xf32, #tpu.memory_space<hbm>> -> memref<26x128xf32, #tpu.memory_space<hbm>>
      %dma_wait3A_1066 = arith.constant 260 : i32
      %dma_wait3A_1067 = arith.constant 0 : i32
      %dma_wait3A_1068 = tpu.memref_slice %arg7[%dma_wait3A_1066, %dma_wait3A_1067] : memref<416x128xf32, #tpu.memory_space<vmem>> -> memref<26x128xf32, #tpu.memory_space<vmem>>
      %dma_wait3A_1069 = arith.constant 0 : i32
      %dma_wait3A_1070 = arith.constant 0 : i32
      %dma_wait3A_1071 = tpu.memref_slice %arg2[%dma_wait3A_1069, %dma_wait3A_1070] : memref<26x1000000xf32, #tpu.memory_space<hbm>> -> memref<26x128xf32, #tpu.memory_space<hbm>>
      tpu.wait_dma2 semaphore(%arg10 : memref<!tpu.dma_semaphore, #tpu.memory_space<semaphore_mem>>) src(%dma_wait3A_1071 : memref<26x128xf32, #tpu.memory_space<hbm>>) dst(%dma_wait3A_1068 : memref<26x128xf32, #tpu.memory_space<vmem>>)
      %dma_wait3A_1072 = arith.constant 286 : i32
      %dma_wait3A_1073 = arith.constant 0 : i32
      %dma_wait3A_1074 = tpu.memref_slice %arg7[%dma_wait3A_1072, %dma_wait3A_1073] : memref<416x128xf32, #tpu.memory_space<vmem>> -> memref<26x128xf32, #tpu.memory_space<vmem>>
      %dma_wait3A_1075 = arith.constant 0 : i32
      %dma_wait3A_1076 = arith.constant 0 : i32
      %dma_wait3A_1077 = tpu.memref_slice %arg2[%dma_wait3A_1075, %dma_wait3A_1076] : memref<26x1000000xf32, #tpu.memory_space<hbm>> -> memref<26x128xf32, #tpu.memory_space<hbm>>
      %dma_wait3A_1078 = arith.constant 286 : i32
      %dma_wait3A_1079 = arith.constant 0 : i32
      %dma_wait3A_1080 = tpu.memref_slice %arg7[%dma_wait3A_1078, %dma_wait3A_1079] : memref<416x128xf32, #tpu.memory_space<vmem>> -> memref<26x128xf32, #tpu.memory_space<vmem>>
      %dma_wait3A_1081 = arith.constant 0 : i32
      %dma_wait3A_1082 = arith.constant 0 : i32
      %dma_wait3A_1083 = tpu.memref_slice %arg2[%dma_wait3A_1081, %dma_wait3A_1082] : memref<26x1000000xf32, #tpu.memory_space<hbm>> -> memref<26x128xf32, #tpu.memory_space<hbm>>
      tpu.wait_dma2 semaphore(%arg10 : memref<!tpu.dma_semaphore, #tpu.memory_space<semaphore_mem>>) src(%dma_wait3A_1083 : memref<26x128xf32, #tpu.memory_space<hbm>>) dst(%dma_wait3A_1080 : memref<26x128xf32, #tpu.memory_space<vmem>>)
      %dma_wait3A_1084 = arith.constant 312 : i32
      %dma_wait3A_1085 = arith.constant 0 : i32
      %dma_wait3A_1086 = tpu.memref_slice %arg7[%dma_wait3A_1084, %dma_wait3A_1085] : memref<416x128xf32, #tpu.memory_space<vmem>> -> memref<26x128xf32, #tpu.memory_space<vmem>>
      %dma_wait3A_1087 = arith.constant 0 : i32
      %dma_wait3A_1088 = arith.constant 0 : i32
      %dma_wait3A_1089 = tpu.memref_slice %arg2[%dma_wait3A_1087, %dma_wait3A_1088] : memref<26x1000000xf32, #tpu.memory_space<hbm>> -> memref<26x128xf32, #tpu.memory_space<hbm>>
      %dma_wait3A_1090 = arith.constant 312 : i32
      %dma_wait3A_1091 = arith.constant 0 : i32
      %dma_wait3A_1092 = tpu.memref_slice %arg7[%dma_wait3A_1090, %dma_wait3A_1091] : memref<416x128xf32, #tpu.memory_space<vmem>> -> memref<26x128xf32, #tpu.memory_space<vmem>>
      %dma_wait3A_1093 = arith.constant 0 : i32
      %dma_wait3A_1094 = arith.constant 0 : i32
      %dma_wait3A_1095 = tpu.memref_slice %arg2[%dma_wait3A_1093, %dma_wait3A_1094] : memref<26x1000000xf32, #tpu.memory_space<hbm>> -> memref<26x128xf32, #tpu.memory_space<hbm>>
      tpu.wait_dma2 semaphore(%arg10 : memref<!tpu.dma_semaphore, #tpu.memory_space<semaphore_mem>>) src(%dma_wait3A_1095 : memref<26x128xf32, #tpu.memory_space<hbm>>) dst(%dma_wait3A_1092 : memref<26x128xf32, #tpu.memory_space<vmem>>)
      %dma_wait3A_1096 = arith.constant 338 : i32
      %dma_wait3A_1097 = arith.constant 0 : i32
      %dma_wait3A_1098 = tpu.memref_slice %arg7[%dma_wait3A_1096, %dma_wait3A_1097] : memref<416x128xf32, #tpu.memory_space<vmem>> -> memref<26x128xf32, #tpu.memory_space<vmem>>
      %dma_wait3A_1099 = arith.constant 0 : i32
      %dma_wait3A_1100 = arith.constant 0 : i32
      %dma_wait3A_1101 = tpu.memref_slice %arg2[%dma_wait3A_1099, %dma_wait3A_1100] : memref<26x1000000xf32, #tpu.memory_space<hbm>> -> memref<26x128xf32, #tpu.memory_space<hbm>>
      %dma_wait3A_1102 = arith.constant 338 : i32
      %dma_wait3A_1103 = arith.constant 0 : i32
      %dma_wait3A_1104 = tpu.memref_slice %arg7[%dma_wait3A_1102, %dma_wait3A_1103] : memref<416x128xf32, #tpu.memory_space<vmem>> -> memref<26x128xf32, #tpu.memory_space<vmem>>
      %dma_wait3A_1105 = arith.constant 0 : i32
      %dma_wait3A_1106 = arith.constant 0 : i32
      %dma_wait3A_1107 = tpu.memref_slice %arg2[%dma_wait3A_1105, %dma_wait3A_1106] : memref<26x1000000xf32, #tpu.memory_space<hbm>> -> memref<26x128xf32, #tpu.memory_space<hbm>>
      tpu.wait_dma2 semaphore(%arg10 : memref<!tpu.dma_semaphore, #tpu.memory_space<semaphore_mem>>) src(%dma_wait3A_1107 : memref<26x128xf32, #tpu.memory_space<hbm>>) dst(%dma_wait3A_1104 : memref<26x128xf32, #tpu.memory_space<vmem>>)
      %dma_wait3A_1108 = arith.constant 364 : i32
      %dma_wait3A_1109 = arith.constant 0 : i32
      %dma_wait3A_1110 = tpu.memref_slice %arg7[%dma_wait3A_1108, %dma_wait3A_1109] : memref<416x128xf32, #tpu.memory_space<vmem>> -> memref<26x128xf32, #tpu.memory_space<vmem>>
      %dma_wait3A_1111 = arith.constant 0 : i32
      %dma_wait3A_1112 = arith.constant 0 : i32
      %dma_wait3A_1113 = tpu.memref_slice %arg2[%dma_wait3A_1111, %dma_wait3A_1112] : memref<26x1000000xf32, #tpu.memory_space<hbm>> -> memref<26x128xf32, #tpu.memory_space<hbm>>
      %dma_wait3A_1114 = arith.constant 364 : i32
      %dma_wait3A_1115 = arith.constant 0 : i32
      %dma_wait3A_1116 = tpu.memref_slice %arg7[%dma_wait3A_1114, %dma_wait3A_1115] : memref<416x128xf32, #tpu.memory_space<vmem>> -> memref<26x128xf32, #tpu.memory_space<vmem>>
      %dma_wait3A_1117 = arith.constant 0 : i32
      %dma_wait3A_1118 = arith.constant 0 : i32
      %dma_wait3A_1119 = tpu.memref_slice %arg2[%dma_wait3A_1117, %dma_wait3A_1118] : memref<26x1000000xf32, #tpu.memory_space<hbm>> -> memref<26x128xf32, #tpu.memory_space<hbm>>
      tpu.wait_dma2 semaphore(%arg10 : memref<!tpu.dma_semaphore, #tpu.memory_space<semaphore_mem>>) src(%dma_wait3A_1119 : memref<26x128xf32, #tpu.memory_space<hbm>>) dst(%dma_wait3A_1116 : memref<26x128xf32, #tpu.memory_space<vmem>>)
      %dma_wait3A_1120 = arith.constant 390 : i32
      %dma_wait3A_1121 = arith.constant 0 : i32
      %dma_wait3A_1122 = tpu.memref_slice %arg7[%dma_wait3A_1120, %dma_wait3A_1121] : memref<416x128xf32, #tpu.memory_space<vmem>> -> memref<26x128xf32, #tpu.memory_space<vmem>>
      %dma_wait3A_1123 = arith.constant 0 : i32
      %dma_wait3A_1124 = arith.constant 0 : i32
      %dma_wait3A_1125 = tpu.memref_slice %arg2[%dma_wait3A_1123, %dma_wait3A_1124] : memref<26x1000000xf32, #tpu.memory_space<hbm>> -> memref<26x128xf32, #tpu.memory_space<hbm>>
      %dma_wait3A_1126 = arith.constant 390 : i32
      %dma_wait3A_1127 = arith.constant 0 : i32
      %dma_wait3A_1128 = tpu.memref_slice %arg7[%dma_wait3A_1126, %dma_wait3A_1127] : memref<416x128xf32, #tpu.memory_space<vmem>> -> memref<26x128xf32, #tpu.memory_space<vmem>>
      %dma_wait3A_1129 = arith.constant 0 : i32
      %dma_wait3A_1130 = arith.constant 0 : i32
      %dma_wait3A_1131 = tpu.memref_slice %arg2[%dma_wait3A_1129, %dma_wait3A_1130] : memref<26x1000000xf32, #tpu.memory_space<hbm>> -> memref<26x128xf32, #tpu.memory_space<hbm>>
      tpu.wait_dma2 semaphore(%arg10 : memref<!tpu.dma_semaphore, #tpu.memory_space<semaphore_mem>>) src(%dma_wait3A_1131 : memref<26x128xf32, #tpu.memory_space<hbm>>) dst(%dma_wait3A_1128 : memref<26x128xf32, #tpu.memory_space<vmem>>)
      %add3A_1132 = arith.constant 1 : i32
      %add3A_1133 = arith.addi %mul3A_223, %add3A_1132 : i32
      %mul3A_1134 = arith.constant 16 : i32
      %mul3A_1135 = arith.muli %add3A_1133, %mul3A_1134 : i32
      %get3A_1136 = arith.index_cast %mul3A_1135 : i32 to index
      %get3A_1137 = tpu.vector_load %arg5[%get3A_1136] {strides = array<i32>} : memref<512xi32, #tpu.memory_space<vmem>>, vector<16xi32>,
      %shift_right_arithmetic3A_1138 = arith.constant 7 : i32
      %shift_right_arithmetic3A_1139 = vector.broadcast %shift_right_arithmetic3A_1138 : i32 to vector<16xi32>
      %shift_right_arithmetic3A_1140 = arith.shrsi %get3A_1137, %shift_right_arithmetic3A_1139 : vector<16xi32>
      %shift_left3A_1141 = arith.constant 7 : i32
      %shift_left3A_1142 = vector.broadcast %shift_left3A_1141 : i32 to vector<16xi32>
      %shift_left3A_1143 = arith.shli %shift_right_arithmetic3A_1140, %shift_left3A_1142 : vector<16xi32>
      %min3A_1144 = arith.constant 999872 : i32
      %min3A_1145 = vector.broadcast %min3A_1144 : i32 to vector<16xi32>
      %min3A_1146 = arith.minsi %shift_left3A_1143, %min3A_1145 : vector<16xi32>
      %sub3A_1147 = arith.subi %get3A_1137, %min3A_1146 : vector<16xi32>
      %iota3A_1148 = tpu.iota {dimensions = array<i32: 0>} : vector<16xi32>
      %mul3A_1149 = arith.constant 26 : i32
      %mul3A_1150 = vector.broadcast %mul3A_1149 : i32 to vector<16xi32>
      %mul3A_1151 = arith.muli %iota3A_1148, %mul3A_1150 : vector<16xi32>
      %add3A_1152 = arith.constant 0 : i32
      %add3A_1153 = vector.broadcast %add3A_1152 : i32 to vector<16xi32>
      %add3A_1154 = arith.addi %mul3A_1151, %add3A_1153 : vector<16xi32>
      %gather3A_1155 = tpu.vector_load_idx %arg7[%add3A_1154, %sub3A_1147] : memref<416x128xf32, #tpu.memory_space<vmem>>[vector<16xi32>, vector<16xi32>], vector<16xf32>,
      %broadcast_in_dim3A_1156 = arith.constant 0 : i32
      %broadcast_in_dim3A_1157 = vector.broadcast %broadcast_in_dim3A_1156 : i32 to vector<16xi32>
      %mul3A_1158 = arith.constant 16 : i32
      %mul3A_1159 = arith.muli %add3A_1133, %mul3A_1158 : i32
      %iota3A_1160 = tpu.iota {dimensions = array<i32: 0>} : vector<16xi32>
      %add3A_1161 = vector.broadcast %mul3A_1159 : i32 to vector<16xi32>
      %add3A_1162 = arith.addi %add3A_1161, %iota3A_1160 : vector<16xi32>
      tpu.vector_store_idx %arg8[%broadcast_in_dim3A_1157, %add3A_1162], %gather3A_1155 : memref<32x512xf32, #tpu.memory_space<vmem>>[vector<16xi32>, vector<16xi32>], vector<16xf32>,
      %add3A_1163 = arith.constant 1 : i32
      %add3A_1164 = vector.broadcast %add3A_1163 : i32 to vector<16xi32>
      %add3A_1165 = arith.addi %mul3A_1151, %add3A_1164 : vector<16xi32>
      %gather3A_1166 = tpu.vector_load_idx %arg7[%add3A_1165, %sub3A_1147] : memref<416x128xf32, #tpu.memory_space<vmem>>[vector<16xi32>, vector<16xi32>], vector<16xf32>,
      %broadcast_in_dim3A_1167 = arith.constant 1 : i32
      %broadcast_in_dim3A_1168 = vector.broadcast %broadcast_in_dim3A_1167 : i32 to vector<16xi32>
      %mul3A_1169 = arith.constant 16 : i32
      %mul3A_1170 = arith.muli %add3A_1133, %mul3A_1169 : i32
      %iota3A_1171 = tpu.iota {dimensions = array<i32: 0>} : vector<16xi32>
      %add3A_1172 = vector.broadcast %mul3A_1170 : i32 to vector<16xi32>
      %add3A_1173 = arith.addi %add3A_1172, %iota3A_1171 : vector<16xi32>
      tpu.vector_store_idx %arg8[%broadcast_in_dim3A_1168, %add3A_1173], %gather3A_1166 : memref<32x512xf32, #tpu.memory_space<vmem>>[vector<16xi32>, vector<16xi32>], vector<16xf32>,
      %add3A_1174 = arith.constant 2 : i32
      %add3A_1175 = vector.broadcast %add3A_1174 : i32 to vector<16xi32>
      %add3A_1176 = arith.addi %mul3A_1151, %add3A_1175 : vector<16xi32>
      %gather3A_1177 = tpu.vector_load_idx %arg7[%add3A_1176, %sub3A_1147] : memref<416x128xf32, #tpu.memory_space<vmem>>[vector<16xi32>, vector<16xi32>], vector<16xf32>,
      %broadcast_in_dim3A_1178 = arith.constant 2 : i32
      %broadcast_in_dim3A_1179 = vector.broadcast %broadcast_in_dim3A_1178 : i32 to vector<16xi32>
      %mul3A_1180 = arith.constant 16 : i32
      %mul3A_1181 = arith.muli %add3A_1133, %mul3A_1180 : i32
      %iota3A_1182 = tpu.iota {dimensions = array<i32: 0>} : vector<16xi32>
      %add3A_1183 = vector.broadcast %mul3A_1181 : i32 to vector<16xi32>
      %add3A_1184 = arith.addi %add3A_1183, %iota3A_1182 : vector<16xi32>
      tpu.vector_store_idx %arg8[%broadcast_in_dim3A_1179, %add3A_1184], %gather3A_1177 : memref<32x512xf32, #tpu.memory_space<vmem>>[vector<16xi32>, vector<16xi32>], vector<16xf32>,
      %add3A_1185 = arith.constant 3 : i32
      %add3A_1186 = vector.broadcast %add3A_1185 : i32 to vector<16xi32>
      %add3A_1187 = arith.addi %mul3A_1151, %add3A_1186 : vector<16xi32>
      %gather3A_1188 = tpu.vector_load_idx %arg7[%add3A_1187, %sub3A_1147] : memref<416x128xf32, #tpu.memory_space<vmem>>[vector<16xi32>, vector<16xi32>], vector<16xf32>,
      %broadcast_in_dim3A_1189 = arith.constant 3 : i32
      %broadcast_in_dim3A_1190 = vector.broadcast %broadcast_in_dim3A_1189 : i32 to vector<16xi32>
      %mul3A_1191 = arith.constant 16 : i32
      %mul3A_1192 = arith.muli %add3A_1133, %mul3A_1191 : i32
      %iota3A_1193 = tpu.iota {dimensions = array<i32: 0>} : vector<16xi32>
      %add3A_1194 = vector.broadcast %mul3A_1192 : i32 to vector<16xi32>
      %add3A_1195 = arith.addi %add3A_1194, %iota3A_1193 : vector<16xi32>
      tpu.vector_store_idx %arg8[%broadcast_in_dim3A_1190, %add3A_1195], %gather3A_1188 : memref<32x512xf32, #tpu.memory_space<vmem>>[vector<16xi32>, vector<16xi32>], vector<16xf32>,
      %add3A_1196 = arith.constant 4 : i32
      %add3A_1197 = vector.broadcast %add3A_1196 : i32 to vector<16xi32>
      %add3A_1198 = arith.addi %mul3A_1151, %add3A_1197 : vector<16xi32>
      %gather3A_1199 = tpu.vector_load_idx %arg7[%add3A_1198, %sub3A_1147] : memref<416x128xf32, #tpu.memory_space<vmem>>[vector<16xi32>, vector<16xi32>], vector<16xf32>,
      %broadcast_in_dim3A_1200 = arith.constant 4 : i32
      %broadcast_in_dim3A_1201 = vector.broadcast %broadcast_in_dim3A_1200 : i32 to vector<16xi32>
      %mul3A_1202 = arith.constant 16 : i32
      %mul3A_1203 = arith.muli %add3A_1133, %mul3A_1202 : i32
      %iota3A_1204 = tpu.iota {dimensions = array<i32: 0>} : vector<16xi32>
      %add3A_1205 = vector.broadcast %mul3A_1203 : i32 to vector<16xi32>
      %add3A_1206 = arith.addi %add3A_1205, %iota3A_1204 : vector<16xi32>
      tpu.vector_store_idx %arg8[%broadcast_in_dim3A_1201, %add3A_1206], %gather3A_1199 : memref<32x512xf32, #tpu.memory_space<vmem>>[vector<16xi32>, vector<16xi32>], vector<16xf32>,
      %add3A_1207 = arith.constant 5 : i32
      %add3A_1208 = vector.broadcast %add3A_1207 : i32 to vector<16xi32>
      %add3A_1209 = arith.addi %mul3A_1151, %add3A_1208 : vector<16xi32>
      %gather3A_1210 = tpu.vector_load_idx %arg7[%add3A_1209, %sub3A_1147] : memref<416x128xf32, #tpu.memory_space<vmem>>[vector<16xi32>, vector<16xi32>], vector<16xf32>,
      %broadcast_in_dim3A_1211 = arith.constant 5 : i32
      %broadcast_in_dim3A_1212 = vector.broadcast %broadcast_in_dim3A_1211 : i32 to vector<16xi32>
      %mul3A_1213 = arith.constant 16 : i32
      %mul3A_1214 = arith.muli %add3A_1133, %mul3A_1213 : i32
      %iota3A_1215 = tpu.iota {dimensions = array<i32: 0>} : vector<16xi32>
      %add3A_1216 = vector.broadcast %mul3A_1214 : i32 to vector<16xi32>
      %add3A_1217 = arith.addi %add3A_1216, %iota3A_1215 : vector<16xi32>
      tpu.vector_store_idx %arg8[%broadcast_in_dim3A_1212, %add3A_1217], %gather3A_1210 : memref<32x512xf32, #tpu.memory_space<vmem>>[vector<16xi32>, vector<16xi32>], vector<16xf32>,
      %add3A_1218 = arith.constant 6 : i32
      %add3A_1219 = vector.broadcast %add3A_1218 : i32 to vector<16xi32>
      %add3A_1220 = arith.addi %mul3A_1151, %add3A_1219 : vector<16xi32>
      %gather3A_1221 = tpu.vector_load_idx %arg7[%add3A_1220, %sub3A_1147] : memref<416x128xf32, #tpu.memory_space<vmem>>[vector<16xi32>, vector<16xi32>], vector<16xf32>,
      %broadcast_in_dim3A_1222 = arith.constant 6 : i32
      %broadcast_in_dim3A_1223 = vector.broadcast %broadcast_in_dim3A_1222 : i32 to vector<16xi32>
      %mul3A_1224 = arith.constant 16 : i32
      %mul3A_1225 = arith.muli %add3A_1133, %mul3A_1224 : i32
      %iota3A_1226 = tpu.iota {dimensions = array<i32: 0>} : vector<16xi32>
      %add3A_1227 = vector.broadcast %mul3A_1225 : i32 to vector<16xi32>
      %add3A_1228 = arith.addi %add3A_1227, %iota3A_1226 : vector<16xi32>
      tpu.vector_store_idx %arg8[%broadcast_in_dim3A_1223, %add3A_1228], %gather3A_1221 : memref<32x512xf32, #tpu.memory_space<vmem>>[vector<16xi32>, vector<16xi32>], vector<16xf32>,
      %add3A_1229 = arith.constant 7 : i32
      %add3A_1230 = vector.broadcast %add3A_1229 : i32 to vector<16xi32>
      %add3A_1231 = arith.addi %mul3A_1151, %add3A_1230 : vector<16xi32>
      %gather3A_1232 = tpu.vector_load_idx %arg7[%add3A_1231, %sub3A_1147] : memref<416x128xf32, #tpu.memory_space<vmem>>[vector<16xi32>, vector<16xi32>], vector<16xf32>,
      %broadcast_in_dim3A_1233 = arith.constant 7 : i32
      %broadcast_in_dim3A_1234 = vector.broadcast %broadcast_in_dim3A_1233 : i32 to vector<16xi32>
      %mul3A_1235 = arith.constant 16 : i32
      %mul3A_1236 = arith.muli %add3A_1133, %mul3A_1235 : i32
      %iota3A_1237 = tpu.iota {dimensions = array<i32: 0>} : vector<16xi32>
      %add3A_1238 = vector.broadcast %mul3A_1236 : i32 to vector<16xi32>
      %add3A_1239 = arith.addi %add3A_1238, %iota3A_1237 : vector<16xi32>
      tpu.vector_store_idx %arg8[%broadcast_in_dim3A_1234, %add3A_1239], %gather3A_1232 : memref<32x512xf32, #tpu.memory_space<vmem>>[vector<16xi32>, vector<16xi32>], vector<16xf32>,
      %add3A_1240 = arith.constant 8 : i32
      %add3A_1241 = vector.broadcast %add3A_1240 : i32 to vector<16xi32>
      %add3A_1242 = arith.addi %mul3A_1151, %add3A_1241 : vector<16xi32>
      %gather3A_1243 = tpu.vector_load_idx %arg7[%add3A_1242, %sub3A_1147] : memref<416x128xf32, #tpu.memory_space<vmem>>[vector<16xi32>, vector<16xi32>], vector<16xf32>,
      %broadcast_in_dim3A_1244 = arith.constant 8 : i32
      %broadcast_in_dim3A_1245 = vector.broadcast %broadcast_in_dim3A_1244 : i32 to vector<16xi32>
      %mul3A_1246 = arith.constant 16 : i32
      %mul3A_1247 = arith.muli %add3A_1133, %mul3A_1246 : i32
      %iota3A_1248 = tpu.iota {dimensions = array<i32: 0>} : vector<16xi32>
      %add3A_1249 = vector.broadcast %mul3A_1247 : i32 to vector<16xi32>
      %add3A_1250 = arith.addi %add3A_1249, %iota3A_1248 : vector<16xi32>
      tpu.vector_store_idx %arg8[%broadcast_in_dim3A_1245, %add3A_1250], %gather3A_1243 : memref<32x512xf32, #tpu.memory_space<vmem>>[vector<16xi32>, vector<16xi32>], vector<16xf32>,
      %add3A_1251 = arith.constant 9 : i32
      %add3A_1252 = vector.broadcast %add3A_1251 : i32 to vector<16xi32>
      %add3A_1253 = arith.addi %mul3A_1151, %add3A_1252 : vector<16xi32>
      %gather3A_1254 = tpu.vector_load_idx %arg7[%add3A_1253, %sub3A_1147] : memref<416x128xf32, #tpu.memory_space<vmem>>[vector<16xi32>, vector<16xi32>], vector<16xf32>,
      %broadcast_in_dim3A_1255 = arith.constant 9 : i32
      %broadcast_in_dim3A_1256 = vector.broadcast %broadcast_in_dim3A_1255 : i32 to vector<16xi32>
      %mul3A_1257 = arith.constant 16 : i32
      %mul3A_1258 = arith.muli %add3A_1133, %mul3A_1257 : i32
      %iota3A_1259 = tpu.iota {dimensions = array<i32: 0>} : vector<16xi32>
      %add3A_1260 = vector.broadcast %mul3A_1258 : i32 to vector<16xi32>
      %add3A_1261 = arith.addi %add3A_1260, %iota3A_1259 : vector<16xi32>
      tpu.vector_store_idx %arg8[%broadcast_in_dim3A_1256, %add3A_1261], %gather3A_1254 : memref<32x512xf32, #tpu.memory_space<vmem>>[vector<16xi32>, vector<16xi32>], vector<16xf32>,
      %add3A_1262 = arith.constant 10 : i32
      %add3A_1263 = vector.broadcast %add3A_1262 : i32 to vector<16xi32>
      %add3A_1264 = arith.addi %mul3A_1151, %add3A_1263 : vector<16xi32>
      %gather3A_1265 = tpu.vector_load_idx %arg7[%add3A_1264, %sub3A_1147] : memref<416x128xf32, #tpu.memory_space<vmem>>[vector<16xi32>, vector<16xi32>], vector<16xf32>,
      %broadcast_in_dim3A_1266 = arith.constant 10 : i32
      %broadcast_in_dim3A_1267 = vector.broadcast %broadcast_in_dim3A_1266 : i32 to vector<16xi32>
      %mul3A_1268 = arith.constant 16 : i32
      %mul3A_1269 = arith.muli %add3A_1133, %mul3A_1268 : i32
      %iota3A_1270 = tpu.iota {dimensions = array<i32: 0>} : vector<16xi32>
      %add3A_1271 = vector.broadcast %mul3A_1269 : i32 to vector<16xi32>
      %add3A_1272 = arith.addi %add3A_1271, %iota3A_1270 : vector<16xi32>
      tpu.vector_store_idx %arg8[%broadcast_in_dim3A_1267, %add3A_1272], %gather3A_1265 : memref<32x512xf32, #tpu.memory_space<vmem>>[vector<16xi32>, vector<16xi32>], vector<16xf32>,
      %add3A_1273 = arith.constant 11 : i32
      %add3A_1274 = vector.broadcast %add3A_1273 : i32 to vector<16xi32>
      %add3A_1275 = arith.addi %mul3A_1151, %add3A_1274 : vector<16xi32>
      %gather3A_1276 = tpu.vector_load_idx %arg7[%add3A_1275, %sub3A_1147] : memref<416x128xf32, #tpu.memory_space<vmem>>[vector<16xi32>, vector<16xi32>], vector<16xf32>,
      %broadcast_in_dim3A_1277 = arith.constant 11 : i32
      %broadcast_in_dim3A_1278 = vector.broadcast %broadcast_in_dim3A_1277 : i32 to vector<16xi32>
      %mul3A_1279 = arith.constant 16 : i32
      %mul3A_1280 = arith.muli %add3A_1133, %mul3A_1279 : i32
      %iota3A_1281 = tpu.iota {dimensions = array<i32: 0>} : vector<16xi32>
      %add3A_1282 = vector.broadcast %mul3A_1280 : i32 to vector<16xi32>
      %add3A_1283 = arith.addi %add3A_1282, %iota3A_1281 : vector<16xi32>
      tpu.vector_store_idx %arg8[%broadcast_in_dim3A_1278, %add3A_1283], %gather3A_1276 : memref<32x512xf32, #tpu.memory_space<vmem>>[vector<16xi32>, vector<16xi32>], vector<16xf32>,
      %add3A_1284 = arith.constant 12 : i32
      %add3A_1285 = vector.broadcast %add3A_1284 : i32 to vector<16xi32>
      %add3A_1286 = arith.addi %mul3A_1151, %add3A_1285 : vector<16xi32>
      %gather3A_1287 = tpu.vector_load_idx %arg7[%add3A_1286, %sub3A_1147] : memref<416x128xf32, #tpu.memory_space<vmem>>[vector<16xi32>, vector<16xi32>], vector<16xf32>,
      %broadcast_in_dim3A_1288 = arith.constant 12 : i32
      %broadcast_in_dim3A_1289 = vector.broadcast %broadcast_in_dim3A_1288 : i32 to vector<16xi32>
      %mul3A_1290 = arith.constant 16 : i32
      %mul3A_1291 = arith.muli %add3A_1133, %mul3A_1290 : i32
      %iota3A_1292 = tpu.iota {dimensions = array<i32: 0>} : vector<16xi32>
      %add3A_1293 = vector.broadcast %mul3A_1291 : i32 to vector<16xi32>
      %add3A_1294 = arith.addi %add3A_1293, %iota3A_1292 : vector<16xi32>
      tpu.vector_store_idx %arg8[%broadcast_in_dim3A_1289, %add3A_1294], %gather3A_1287 : memref<32x512xf32, #tpu.memory_space<vmem>>[vector<16xi32>, vector<16xi32>], vector<16xf32>,
      %add3A_1295 = arith.constant 13 : i32
      %add3A_1296 = vector.broadcast %add3A_1295 : i32 to vector<16xi32>
      %add3A_1297 = arith.addi %mul3A_1151, %add3A_1296 : vector<16xi32>
      %gather3A_1298 = tpu.vector_load_idx %arg7[%add3A_1297, %sub3A_1147] : memref<416x128xf32, #tpu.memory_space<vmem>>[vector<16xi32>, vector<16xi32>], vector<16xf32>,
      %broadcast_in_dim3A_1299 = arith.constant 13 : i32
      %broadcast_in_dim3A_1300 = vector.broadcast %broadcast_in_dim3A_1299 : i32 to vector<16xi32>
      %mul3A_1301 = arith.constant 16 : i32
      %mul3A_1302 = arith.muli %add3A_1133, %mul3A_1301 : i32
      %iota3A_1303 = tpu.iota {dimensions = array<i32: 0>} : vector<16xi32>
      %add3A_1304 = vector.broadcast %mul3A_1302 : i32 to vector<16xi32>
      %add3A_1305 = arith.addi %add3A_1304, %iota3A_1303 : vector<16xi32>
      tpu.vector_store_idx %arg8[%broadcast_in_dim3A_1300, %add3A_1305], %gather3A_1298 : memref<32x512xf32, #tpu.memory_space<vmem>>[vector<16xi32>, vector<16xi32>], vector<16xf32>,
      %add3A_1306 = arith.constant 14 : i32
      %add3A_1307 = vector.broadcast %add3A_1306 : i32 to vector<16xi32>
      %add3A_1308 = arith.addi %mul3A_1151, %add3A_1307 : vector<16xi32>
      %gather3A_1309 = tpu.vector_load_idx %arg7[%add3A_1308, %sub3A_1147] : memref<416x128xf32, #tpu.memory_space<vmem>>[vector<16xi32>, vector<16xi32>], vector<16xf32>,
      %broadcast_in_dim3A_1310 = arith.constant 14 : i32
      %broadcast_in_dim3A_1311 = vector.broadcast %broadcast_in_dim3A_1310 : i32 to vector<16xi32>
      %mul3A_1312 = arith.constant 16 : i32
      %mul3A_1313 = arith.muli %add3A_1133, %mul3A_1312 : i32
      %iota3A_1314 = tpu.iota {dimensions = array<i32: 0>} : vector<16xi32>
      %add3A_1315 = vector.broadcast %mul3A_1313 : i32 to vector<16xi32>
      %add3A_1316 = arith.addi %add3A_1315, %iota3A_1314 : vector<16xi32>
      tpu.vector_store_idx %arg8[%broadcast_in_dim3A_1311, %add3A_1316], %gather3A_1309 : memref<32x512xf32, #tpu.memory_space<vmem>>[vector<16xi32>, vector<16xi32>], vector<16xf32>,
      %add3A_1317 = arith.constant 15 : i32
      %add3A_1318 = vector.broadcast %add3A_1317 : i32 to vector<16xi32>
      %add3A_1319 = arith.addi %mul3A_1151, %add3A_1318 : vector<16xi32>
      %gather3A_1320 = tpu.vector_load_idx %arg7[%add3A_1319, %sub3A_1147] : memref<416x128xf32, #tpu.memory_space<vmem>>[vector<16xi32>, vector<16xi32>], vector<16xf32>,
      %broadcast_in_dim3A_1321 = arith.constant 15 : i32
      %broadcast_in_dim3A_1322 = vector.broadcast %broadcast_in_dim3A_1321 : i32 to vector<16xi32>
      %mul3A_1323 = arith.constant 16 : i32
      %mul3A_1324 = arith.muli %add3A_1133, %mul3A_1323 : i32
      %iota3A_1325 = tpu.iota {dimensions = array<i32: 0>} : vector<16xi32>
      %add3A_1326 = vector.broadcast %mul3A_1324 : i32 to vector<16xi32>
      %add3A_1327 = arith.addi %add3A_1326, %iota3A_1325 : vector<16xi32>
      tpu.vector_store_idx %arg8[%broadcast_in_dim3A_1322, %add3A_1327], %gather3A_1320 : memref<32x512xf32, #tpu.memory_space<vmem>>[vector<16xi32>, vector<16xi32>], vector<16xf32>,
      %add3A_1328 = arith.constant 16 : i32
      %add3A_1329 = vector.broadcast %add3A_1328 : i32 to vector<16xi32>
      %add3A_1330 = arith.addi %mul3A_1151, %add3A_1329 : vector<16xi32>
      %gather3A_1331 = tpu.vector_load_idx %arg7[%add3A_1330, %sub3A_1147] : memref<416x128xf32, #tpu.memory_space<vmem>>[vector<16xi32>, vector<16xi32>], vector<16xf32>,
      %broadcast_in_dim3A_1332 = arith.constant 16 : i32
      %broadcast_in_dim3A_1333 = vector.broadcast %broadcast_in_dim3A_1332 : i32 to vector<16xi32>
      %mul3A_1334 = arith.constant 16 : i32
      %mul3A_1335 = arith.muli %add3A_1133, %mul3A_1334 : i32
      %iota3A_1336 = tpu.iota {dimensions = array<i32: 0>} : vector<16xi32>
      %add3A_1337 = vector.broadcast %mul3A_1335 : i32 to vector<16xi32>
      %add3A_1338 = arith.addi %add3A_1337, %iota3A_1336 : vector<16xi32>
      tpu.vector_store_idx %arg8[%broadcast_in_dim3A_1333, %add3A_1338], %gather3A_1331 : memref<32x512xf32, #tpu.memory_space<vmem>>[vector<16xi32>, vector<16xi32>], vector<16xf32>,
      %add3A_1339 = arith.constant 17 : i32
      %add3A_1340 = vector.broadcast %add3A_1339 : i32 to vector<16xi32>
      %add3A_1341 = arith.addi %mul3A_1151, %add3A_1340 : vector<16xi32>
      %gather3A_1342 = tpu.vector_load_idx %arg7[%add3A_1341, %sub3A_1147] : memref<416x128xf32, #tpu.memory_space<vmem>>[vector<16xi32>, vector<16xi32>], vector<16xf32>,
      %broadcast_in_dim3A_1343 = arith.constant 17 : i32
      %broadcast_in_dim3A_1344 = vector.broadcast %broadcast_in_dim3A_1343 : i32 to vector<16xi32>
      %mul3A_1345 = arith.constant 16 : i32
      %mul3A_1346 = arith.muli %add3A_1133, %mul3A_1345 : i32
      %iota3A_1347 = tpu.iota {dimensions = array<i32: 0>} : vector<16xi32>
      %add3A_1348 = vector.broadcast %mul3A_1346 : i32 to vector<16xi32>
      %add3A_1349 = arith.addi %add3A_1348, %iota3A_1347 : vector<16xi32>
      tpu.vector_store_idx %arg8[%broadcast_in_dim3A_1344, %add3A_1349], %gather3A_1342 : memref<32x512xf32, #tpu.memory_space<vmem>>[vector<16xi32>, vector<16xi32>], vector<16xf32>,
      %add3A_1350 = arith.constant 18 : i32
      %add3A_1351 = vector.broadcast %add3A_1350 : i32 to vector<16xi32>
      %add3A_1352 = arith.addi %mul3A_1151, %add3A_1351 : vector<16xi32>
      %gather3A_1353 = tpu.vector_load_idx %arg7[%add3A_1352, %sub3A_1147] : memref<416x128xf32, #tpu.memory_space<vmem>>[vector<16xi32>, vector<16xi32>], vector<16xf32>,
      %broadcast_in_dim3A_1354 = arith.constant 18 : i32
      %broadcast_in_dim3A_1355 = vector.broadcast %broadcast_in_dim3A_1354 : i32 to vector<16xi32>
      %mul3A_1356 = arith.constant 16 : i32
      %mul3A_1357 = arith.muli %add3A_1133, %mul3A_1356 : i32
      %iota3A_1358 = tpu.iota {dimensions = array<i32: 0>} : vector<16xi32>
      %add3A_1359 = vector.broadcast %mul3A_1357 : i32 to vector<16xi32>
      %add3A_1360 = arith.addi %add3A_1359, %iota3A_1358 : vector<16xi32>
      tpu.vector_store_idx %arg8[%broadcast_in_dim3A_1355, %add3A_1360], %gather3A_1353 : memref<32x512xf32, #tpu.memory_space<vmem>>[vector<16xi32>, vector<16xi32>], vector<16xf32>,
      %add3A_1361 = arith.constant 19 : i32
      %add3A_1362 = vector.broadcast %add3A_1361 : i32 to vector<16xi32>
      %add3A_1363 = arith.addi %mul3A_1151, %add3A_1362 : vector<16xi32>
      %gather3A_1364 = tpu.vector_load_idx %arg7[%add3A_1363, %sub3A_1147] : memref<416x128xf32, #tpu.memory_space<vmem>>[vector<16xi32>, vector<16xi32>], vector<16xf32>,
      %broadcast_in_dim3A_1365 = arith.constant 19 : i32
      %broadcast_in_dim3A_1366 = vector.broadcast %broadcast_in_dim3A_1365 : i32 to vector<16xi32>
      %mul3A_1367 = arith.constant 16 : i32
      %mul3A_1368 = arith.muli %add3A_1133, %mul3A_1367 : i32
      %iota3A_1369 = tpu.iota {dimensions = array<i32: 0>} : vector<16xi32>
      %add3A_1370 = vector.broadcast %mul3A_1368 : i32 to vector<16xi32>
      %add3A_1371 = arith.addi %add3A_1370, %iota3A_1369 : vector<16xi32>
      tpu.vector_store_idx %arg8[%broadcast_in_dim3A_1366, %add3A_1371], %gather3A_1364 : memref<32x512xf32, #tpu.memory_space<vmem>>[vector<16xi32>, vector<16xi32>], vector<16xf32>,
      %add3A_1372 = arith.constant 20 : i32
      %add3A_1373 = vector.broadcast %add3A_1372 : i32 to vector<16xi32>
      %add3A_1374 = arith.addi %mul3A_1151, %add3A_1373 : vector<16xi32>
      %gather3A_1375 = tpu.vector_load_idx %arg7[%add3A_1374, %sub3A_1147] : memref<416x128xf32, #tpu.memory_space<vmem>>[vector<16xi32>, vector<16xi32>], vector<16xf32>,
      %broadcast_in_dim3A_1376 = arith.constant 20 : i32
      %broadcast_in_dim3A_1377 = vector.broadcast %broadcast_in_dim3A_1376 : i32 to vector<16xi32>
      %mul3A_1378 = arith.constant 16 : i32
      %mul3A_1379 = arith.muli %add3A_1133, %mul3A_1378 : i32
      %iota3A_1380 = tpu.iota {dimensions = array<i32: 0>} : vector<16xi32>
      %add3A_1381 = vector.broadcast %mul3A_1379 : i32 to vector<16xi32>
      %add3A_1382 = arith.addi %add3A_1381, %iota3A_1380 : vector<16xi32>
      tpu.vector_store_idx %arg8[%broadcast_in_dim3A_1377, %add3A_1382], %gather3A_1375 : memref<32x512xf32, #tpu.memory_space<vmem>>[vector<16xi32>, vector<16xi32>], vector<16xf32>,
      %add3A_1383 = arith.constant 21 : i32
      %add3A_1384 = vector.broadcast %add3A_1383 : i32 to vector<16xi32>
      %add3A_1385 = arith.addi %mul3A_1151, %add3A_1384 : vector<16xi32>
      %gather3A_1386 = tpu.vector_load_idx %arg7[%add3A_1385, %sub3A_1147] : memref<416x128xf32, #tpu.memory_space<vmem>>[vector<16xi32>, vector<16xi32>], vector<16xf32>,
      %broadcast_in_dim3A_1387 = arith.constant 21 : i32
      %broadcast_in_dim3A_1388 = vector.broadcast %broadcast_in_dim3A_1387 : i32 to vector<16xi32>
      %mul3A_1389 = arith.constant 16 : i32
      %mul3A_1390 = arith.muli %add3A_1133, %mul3A_1389 : i32
      %iota3A_1391 = tpu.iota {dimensions = array<i32: 0>} : vector<16xi32>
      %add3A_1392 = vector.broadcast %mul3A_1390 : i32 to vector<16xi32>
      %add3A_1393 = arith.addi %add3A_1392, %iota3A_1391 : vector<16xi32>
      tpu.vector_store_idx %arg8[%broadcast_in_dim3A_1388, %add3A_1393], %gather3A_1386 : memref<32x512xf32, #tpu.memory_space<vmem>>[vector<16xi32>, vector<16xi32>], vector<16xf32>,
      %add3A_1394 = arith.constant 22 : i32
      %add3A_1395 = vector.broadcast %add3A_1394 : i32 to vector<16xi32>
      %add3A_1396 = arith.addi %mul3A_1151, %add3A_1395 : vector<16xi32>
      %gather3A_1397 = tpu.vector_load_idx %arg7[%add3A_1396, %sub3A_1147] : memref<416x128xf32, #tpu.memory_space<vmem>>[vector<16xi32>, vector<16xi32>], vector<16xf32>,
      %broadcast_in_dim3A_1398 = arith.constant 22 : i32
      %broadcast_in_dim3A_1399 = vector.broadcast %broadcast_in_dim3A_1398 : i32 to vector<16xi32>
      %mul3A_1400 = arith.constant 16 : i32
      %mul3A_1401 = arith.muli %add3A_1133, %mul3A_1400 : i32
      %iota3A_1402 = tpu.iota {dimensions = array<i32: 0>} : vector<16xi32>
      %add3A_1403 = vector.broadcast %mul3A_1401 : i32 to vector<16xi32>
      %add3A_1404 = arith.addi %add3A_1403, %iota3A_1402 : vector<16xi32>
      tpu.vector_store_idx %arg8[%broadcast_in_dim3A_1399, %add3A_1404], %gather3A_1397 : memref<32x512xf32, #tpu.memory_space<vmem>>[vector<16xi32>, vector<16xi32>], vector<16xf32>,
      %add3A_1405 = arith.constant 23 : i32
      %add3A_1406 = vector.broadcast %add3A_1405 : i32 to vector<16xi32>
      %add3A_1407 = arith.addi %mul3A_1151, %add3A_1406 : vector<16xi32>
      %gather3A_1408 = tpu.vector_load_idx %arg7[%add3A_1407, %sub3A_1147] : memref<416x128xf32, #tpu.memory_space<vmem>>[vector<16xi32>, vector<16xi32>], vector<16xf32>,
      %broadcast_in_dim3A_1409 = arith.constant 23 : i32
      %broadcast_in_dim3A_1410 = vector.broadcast %broadcast_in_dim3A_1409 : i32 to vector<16xi32>
      %mul3A_1411 = arith.constant 16 : i32
      %mul3A_1412 = arith.muli %add3A_1133, %mul3A_1411 : i32
      %iota3A_1413 = tpu.iota {dimensions = array<i32: 0>} : vector<16xi32>
      %add3A_1414 = vector.broadcast %mul3A_1412 : i32 to vector<16xi32>
      %add3A_1415 = arith.addi %add3A_1414, %iota3A_1413 : vector<16xi32>
      tpu.vector_store_idx %arg8[%broadcast_in_dim3A_1410, %add3A_1415], %gather3A_1408 : memref<32x512xf32, #tpu.memory_space<vmem>>[vector<16xi32>, vector<16xi32>], vector<16xf32>,
      %add3A_1416 = arith.constant 24 : i32
      %add3A_1417 = vector.broadcast %add3A_1416 : i32 to vector<16xi32>
      %add3A_1418 = arith.addi %mul3A_1151, %add3A_1417 : vector<16xi32>
      %gather3A_1419 = tpu.vector_load_idx %arg7[%add3A_1418, %sub3A_1147] : memref<416x128xf32, #tpu.memory_space<vmem>>[vector<16xi32>, vector<16xi32>], vector<16xf32>,
      %broadcast_in_dim3A_1420 = arith.constant 24 : i32
      %broadcast_in_dim3A_1421 = vector.broadcast %broadcast_in_dim3A_1420 : i32 to vector<16xi32>
      %mul3A_1422 = arith.constant 16 : i32
      %mul3A_1423 = arith.muli %add3A_1133, %mul3A_1422 : i32
      %iota3A_1424 = tpu.iota {dimensions = array<i32: 0>} : vector<16xi32>
      %add3A_1425 = vector.broadcast %mul3A_1423 : i32 to vector<16xi32>
      %add3A_1426 = arith.addi %add3A_1425, %iota3A_1424 : vector<16xi32>
      tpu.vector_store_idx %arg8[%broadcast_in_dim3A_1421, %add3A_1426], %gather3A_1419 : memref<32x512xf32, #tpu.memory_space<vmem>>[vector<16xi32>, vector<16xi32>], vector<16xf32>,
      %add3A_1427 = arith.constant 25 : i32
      %add3A_1428 = vector.broadcast %add3A_1427 : i32 to vector<16xi32>
      %add3A_1429 = arith.addi %mul3A_1151, %add3A_1428 : vector<16xi32>
      %gather3A_1430 = tpu.vector_load_idx %arg7[%add3A_1429, %sub3A_1147] : memref<416x128xf32, #tpu.memory_space<vmem>>[vector<16xi32>, vector<16xi32>], vector<16xf32>,
      %broadcast_in_dim3A_1431 = arith.constant 25 : i32
      %broadcast_in_dim3A_1432 = vector.broadcast %broadcast_in_dim3A_1431 : i32 to vector<16xi32>
      %mul3A_1433 = arith.constant 16 : i32
      %mul3A_1434 = arith.muli %add3A_1133, %mul3A_1433 : i32
      %iota3A_1435 = tpu.iota {dimensions = array<i32: 0>} : vector<16xi32>
      %add3A_1436 = vector.broadcast %mul3A_1434 : i32 to vector<16xi32>
      %add3A_1437 = arith.addi %add3A_1436, %iota3A_1435 : vector<16xi32>
      tpu.vector_store_idx %arg8[%broadcast_in_dim3A_1432, %add3A_1437], %gather3A_1430 : memref<32x512xf32, #tpu.memory_space<vmem>>[vector<16xi32>, vector<16xi32>], vector<16xf32>,
      %scan3A_1438 = arith.constant 0 : i32
      scf.yield %scan3A_1438 : i32
    }
    %scan3A_219 = arith.constant 16 : i32
    "tpu.region"() ({
      %run_scoped3A = tpu.sem_alloc : memref<!tpu.dma_semaphore, #tpu.memory_space<semaphore_mem>>
      %dma_start3A_220 = arith.constant 0 : i32
      %dma_start3A_221 = tpu.memref_slice %arg4[%dma_start3A_220, %mul3A_2] : memref<32x16384xf32, #tpu.memory_space<hbm>> -> memref<32x512xf32, #tpu.memory_space<hbm>>
      %dma_start3A_222 = arith.constant 0 : i32
      %dma_start3A_223 = tpu.memref_slice %arg4[%dma_start3A_222, %mul3A_2] : memref<32x16384xf32, #tpu.memory_space<hbm>> -> memref<32x512xf32, #tpu.memory_space<hbm>>
      tpu.enqueue_dma source(%arg8 : memref<32x512xf32, #tpu.memory_space<vmem>>) target(%dma_start3A_223 : memref<32x512xf32, #tpu.memory_space<hbm>>) target_semaphore(%run_scoped3A : memref<!tpu.dma_semaphore, #tpu.memory_space<semaphore_mem>>)
      %dma_wait3A = arith.constant 0 : i32
      %dma_wait3A_224 = tpu.memref_slice %arg4[%dma_wait3A, %mul3A_2] : memref<32x16384xf32, #tpu.memory_space<hbm>> -> memref<32x512xf32, #tpu.memory_space<hbm>>
      %dma_wait3A_225 = arith.constant 0 : i32
      %dma_wait3A_226 = tpu.memref_slice %arg4[%dma_wait3A_225, %mul3A_2] : memref<32x16384xf32, #tpu.memory_space<hbm>> -> memref<32x512xf32, #tpu.memory_space<hbm>>
      tpu.wait_dma2 semaphore(%run_scoped3A : memref<!tpu.dma_semaphore, #tpu.memory_space<semaphore_mem>>) src(%arg8 : memref<32x512xf32, #tpu.memory_space<vmem>>) dst(%dma_wait3A_226 : memref<32x512xf32, #tpu.memory_space<hbm>>)
      tpu.yield
    }) : () -> ()
    return
  }
}

module attributes {stable_mosaic.version = 14 : i64} {
  func.func @body(%arg0: i32, %arg1: memref<32x1024xf32, #tpu.memory_space<vmem>>, %arg2: memref<26x64x1024xf32, #tpu.memory_space<vmem>>, %arg3: memref<64x1024xf32, #tpu.memory_space<vmem>>) attributes {dimension_semantics = [#tpu.dimension_semantics<arbitrary>], iteration_bounds = array<i64: 16>, scalar_prefetch = 0 : i64, scratch_operands = 0 : i64, tpu.core_type = #tpu.core_type<tc>, window_params = [{transform_indices = @transform_0, window_bounds = array<i64: 32, 1024>}, {transform_indices = @transform_1, window_bounds = array<i64: 26, 64, 1024>}, {transform_indices = @transform_2, window_bounds = array<i64: 64, 1024>}]} {
    %get3A = arith.constant 0 : index
    %get3A_0 = arith.constant 0 : index
    %get3A_1 = vector.load %arg1[%get3A, %get3A_0] : memref<32x1024xf32, #tpu.memory_space<vmem>>, vector<32x1024xf32>
    %iota3A = tpu.iota {dimensions = array<i32: 0>} : vector<32x1024xi32>
    %lt3A = arith.constant 26 : i32
    %lt3A_2 = vector.broadcast %lt3A : i32 to vector<32x1024xi32>
    %lt3A_3 = arith.cmpi slt, %iota3A, %lt3A_2 : vector<32x1024xi32>
    %exp3A = math.exp %get3A_1 : vector<32x1024xf32>
    %jit3A = arith.constant 0.000000e+00 : f32
    %broadcast_in_dim3A = vector.broadcast %jit3A : f32 to vector<32x1024xf32>
    %select_n3A = arith.select %lt3A_3, %exp3A, %broadcast_in_dim3A : vector<32x1024xi1>, vector<32x1024xf32>
    %reduce_sum3A = arith.constant dense<0.000000e+00> : vector<1024xf32>
    %reduce_sum3A_4 = vector.multi_reduction <add>, %select_n3A, %reduce_sum3A [0] : vector<32x1024xf32> to vector<1024xf32>
    %broadcast_in_dim3A_5 = vector.shape_cast %reduce_sum3A_4 : vector<1024xf32> to vector<1x1024xf32>
    %div3A = arith.constant 1.000000e+00 : f32
    %div3A_6 = vector.broadcast %div3A : f32 to vector<1x1024xf32>
    %div3A_7 = arith.divf %div3A_6, %broadcast_in_dim3A_5 : vector<1x1024xf32>
    %mul3A = vector.broadcast %div3A_7 : vector<1x1024xf32> to vector<32x1024xf32>
    %mul3A_8 = arith.mulf %select_n3A, %mul3A : vector<32x1024xf32>
    %slice3A = vector.extract_strided_slice %mul3A_8 {offsets = [0, 0], sizes = [1, 1024], strides = [1, 1]} : vector<32x1024xf32> to vector<1x1024xf32>
    %get3A_9 = arith.constant 0 : index
    %get3A_10 = arith.constant 0 : index
    %get3A_11 = arith.constant 0 : index
    %get3A_12 = vector.load %arg2[%get3A_9, %get3A_10, %get3A_11] : memref<26x64x1024xf32, #tpu.memory_space<vmem>>, vector<1x64x1024xf32>
    %get3A_13 = vector.shape_cast %get3A_12 : vector<1x64x1024xf32> to vector<64x1024xf32>
    %mul3A_14 = vector.broadcast %slice3A : vector<1x1024xf32> to vector<64x1024xf32>
    %mul3A_15 = arith.mulf %mul3A_14, %get3A_13 : vector<64x1024xf32>
    %slice3A_16 = vector.extract_strided_slice %mul3A_8 {offsets = [1, 0], sizes = [1, 1024], strides = [1, 1]} : vector<32x1024xf32> to vector<1x1024xf32>
    %get3A_17 = arith.constant 1 : index
    %get3A_18 = arith.constant 0 : index
    %get3A_19 = arith.constant 0 : index
    %get3A_20 = vector.load %arg2[%get3A_17, %get3A_18, %get3A_19] : memref<26x64x1024xf32, #tpu.memory_space<vmem>>, vector<1x64x1024xf32>
    %get3A_21 = vector.shape_cast %get3A_20 : vector<1x64x1024xf32> to vector<64x1024xf32>
    %mul3A_22 = vector.broadcast %slice3A_16 : vector<1x1024xf32> to vector<64x1024xf32>
    %mul3A_23 = arith.mulf %mul3A_22, %get3A_21 : vector<64x1024xf32>
    %add3A = arith.addf %mul3A_15, %mul3A_23 : vector<64x1024xf32>
    %slice3A_24 = vector.extract_strided_slice %mul3A_8 {offsets = [2, 0], sizes = [1, 1024], strides = [1, 1]} : vector<32x1024xf32> to vector<1x1024xf32>
    %get3A_25 = arith.constant 2 : index
    %get3A_26 = arith.constant 0 : index
    %get3A_27 = arith.constant 0 : index
    %get3A_28 = vector.load %arg2[%get3A_25, %get3A_26, %get3A_27] : memref<26x64x1024xf32, #tpu.memory_space<vmem>>, vector<1x64x1024xf32>
    %get3A_29 = vector.shape_cast %get3A_28 : vector<1x64x1024xf32> to vector<64x1024xf32>
    %mul3A_30 = vector.broadcast %slice3A_24 : vector<1x1024xf32> to vector<64x1024xf32>
    %mul3A_31 = arith.mulf %mul3A_30, %get3A_29 : vector<64x1024xf32>
    %add3A_32 = arith.addf %add3A, %mul3A_31 : vector<64x1024xf32>
    %slice3A_33 = vector.extract_strided_slice %mul3A_8 {offsets = [3, 0], sizes = [1, 1024], strides = [1, 1]} : vector<32x1024xf32> to vector<1x1024xf32>
    %get3A_34 = arith.constant 3 : index
    %get3A_35 = arith.constant 0 : index
    %get3A_36 = arith.constant 0 : index
    %get3A_37 = vector.load %arg2[%get3A_34, %get3A_35, %get3A_36] : memref<26x64x1024xf32, #tpu.memory_space<vmem>>, vector<1x64x1024xf32>
    %get3A_38 = vector.shape_cast %get3A_37 : vector<1x64x1024xf32> to vector<64x1024xf32>
    %mul3A_39 = vector.broadcast %slice3A_33 : vector<1x1024xf32> to vector<64x1024xf32>
    %mul3A_40 = arith.mulf %mul3A_39, %get3A_38 : vector<64x1024xf32>
    %add3A_41 = arith.addf %add3A_32, %mul3A_40 : vector<64x1024xf32>
    %slice3A_42 = vector.extract_strided_slice %mul3A_8 {offsets = [4, 0], sizes = [1, 1024], strides = [1, 1]} : vector<32x1024xf32> to vector<1x1024xf32>
    %get3A_43 = arith.constant 4 : index
    %get3A_44 = arith.constant 0 : index
    %get3A_45 = arith.constant 0 : index
    %get3A_46 = vector.load %arg2[%get3A_43, %get3A_44, %get3A_45] : memref<26x64x1024xf32, #tpu.memory_space<vmem>>, vector<1x64x1024xf32>
    %get3A_47 = vector.shape_cast %get3A_46 : vector<1x64x1024xf32> to vector<64x1024xf32>
    %mul3A_48 = vector.broadcast %slice3A_42 : vector<1x1024xf32> to vector<64x1024xf32>
    %mul3A_49 = arith.mulf %mul3A_48, %get3A_47 : vector<64x1024xf32>
    %add3A_50 = arith.addf %add3A_41, %mul3A_49 : vector<64x1024xf32>
    %slice3A_51 = vector.extract_strided_slice %mul3A_8 {offsets = [5, 0], sizes = [1, 1024], strides = [1, 1]} : vector<32x1024xf32> to vector<1x1024xf32>
    %get3A_52 = arith.constant 5 : index
    %get3A_53 = arith.constant 0 : index
    %get3A_54 = arith.constant 0 : index
    %get3A_55 = vector.load %arg2[%get3A_52, %get3A_53, %get3A_54] : memref<26x64x1024xf32, #tpu.memory_space<vmem>>, vector<1x64x1024xf32>
    %get3A_56 = vector.shape_cast %get3A_55 : vector<1x64x1024xf32> to vector<64x1024xf32>
    %mul3A_57 = vector.broadcast %slice3A_51 : vector<1x1024xf32> to vector<64x1024xf32>
    %mul3A_58 = arith.mulf %mul3A_57, %get3A_56 : vector<64x1024xf32>
    %add3A_59 = arith.addf %add3A_50, %mul3A_58 : vector<64x1024xf32>
    %slice3A_60 = vector.extract_strided_slice %mul3A_8 {offsets = [6, 0], sizes = [1, 1024], strides = [1, 1]} : vector<32x1024xf32> to vector<1x1024xf32>
    %get3A_61 = arith.constant 6 : index
    %get3A_62 = arith.constant 0 : index
    %get3A_63 = arith.constant 0 : index
    %get3A_64 = vector.load %arg2[%get3A_61, %get3A_62, %get3A_63] : memref<26x64x1024xf32, #tpu.memory_space<vmem>>, vector<1x64x1024xf32>
    %get3A_65 = vector.shape_cast %get3A_64 : vector<1x64x1024xf32> to vector<64x1024xf32>
    %mul3A_66 = vector.broadcast %slice3A_60 : vector<1x1024xf32> to vector<64x1024xf32>
    %mul3A_67 = arith.mulf %mul3A_66, %get3A_65 : vector<64x1024xf32>
    %add3A_68 = arith.addf %add3A_59, %mul3A_67 : vector<64x1024xf32>
    %slice3A_69 = vector.extract_strided_slice %mul3A_8 {offsets = [7, 0], sizes = [1, 1024], strides = [1, 1]} : vector<32x1024xf32> to vector<1x1024xf32>
    %get3A_70 = arith.constant 7 : index
    %get3A_71 = arith.constant 0 : index
    %get3A_72 = arith.constant 0 : index
    %get3A_73 = vector.load %arg2[%get3A_70, %get3A_71, %get3A_72] : memref<26x64x1024xf32, #tpu.memory_space<vmem>>, vector<1x64x1024xf32>
    %get3A_74 = vector.shape_cast %get3A_73 : vector<1x64x1024xf32> to vector<64x1024xf32>
    %mul3A_75 = vector.broadcast %slice3A_69 : vector<1x1024xf32> to vector<64x1024xf32>
    %mul3A_76 = arith.mulf %mul3A_75, %get3A_74 : vector<64x1024xf32>
    %add3A_77 = arith.addf %add3A_68, %mul3A_76 : vector<64x1024xf32>
    %slice3A_78 = vector.extract_strided_slice %mul3A_8 {offsets = [8, 0], sizes = [1, 1024], strides = [1, 1]} : vector<32x1024xf32> to vector<1x1024xf32>
    %get3A_79 = arith.constant 8 : index
    %get3A_80 = arith.constant 0 : index
    %get3A_81 = arith.constant 0 : index
    %get3A_82 = vector.load %arg2[%get3A_79, %get3A_80, %get3A_81] : memref<26x64x1024xf32, #tpu.memory_space<vmem>>, vector<1x64x1024xf32>
    %get3A_83 = vector.shape_cast %get3A_82 : vector<1x64x1024xf32> to vector<64x1024xf32>
    %mul3A_84 = vector.broadcast %slice3A_78 : vector<1x1024xf32> to vector<64x1024xf32>
    %mul3A_85 = arith.mulf %mul3A_84, %get3A_83 : vector<64x1024xf32>
    %add3A_86 = arith.addf %add3A_77, %mul3A_85 : vector<64x1024xf32>
    %slice3A_87 = vector.extract_strided_slice %mul3A_8 {offsets = [9, 0], sizes = [1, 1024], strides = [1, 1]} : vector<32x1024xf32> to vector<1x1024xf32>
    %get3A_88 = arith.constant 9 : index
    %get3A_89 = arith.constant 0 : index
    %get3A_90 = arith.constant 0 : index
    %get3A_91 = vector.load %arg2[%get3A_88, %get3A_89, %get3A_90] : memref<26x64x1024xf32, #tpu.memory_space<vmem>>, vector<1x64x1024xf32>
    %get3A_92 = vector.shape_cast %get3A_91 : vector<1x64x1024xf32> to vector<64x1024xf32>
    %mul3A_93 = vector.broadcast %slice3A_87 : vector<1x1024xf32> to vector<64x1024xf32>
    %mul3A_94 = arith.mulf %mul3A_93, %get3A_92 : vector<64x1024xf32>
    %add3A_95 = arith.addf %add3A_86, %mul3A_94 : vector<64x1024xf32>
    %slice3A_96 = vector.extract_strided_slice %mul3A_8 {offsets = [10, 0], sizes = [1, 1024], strides = [1, 1]} : vector<32x1024xf32> to vector<1x1024xf32>
    %get3A_97 = arith.constant 10 : index
    %get3A_98 = arith.constant 0 : index
    %get3A_99 = arith.constant 0 : index
    %get3A_100 = vector.load %arg2[%get3A_97, %get3A_98, %get3A_99] : memref<26x64x1024xf32, #tpu.memory_space<vmem>>, vector<1x64x1024xf32>
    %get3A_101 = vector.shape_cast %get3A_100 : vector<1x64x1024xf32> to vector<64x1024xf32>
    %mul3A_102 = vector.broadcast %slice3A_96 : vector<1x1024xf32> to vector<64x1024xf32>
    %mul3A_103 = arith.mulf %mul3A_102, %get3A_101 : vector<64x1024xf32>
    %add3A_104 = arith.addf %add3A_95, %mul3A_103 : vector<64x1024xf32>
    %slice3A_105 = vector.extract_strided_slice %mul3A_8 {offsets = [11, 0], sizes = [1, 1024], strides = [1, 1]} : vector<32x1024xf32> to vector<1x1024xf32>
    %get3A_106 = arith.constant 11 : index
    %get3A_107 = arith.constant 0 : index
    %get3A_108 = arith.constant 0 : index
    %get3A_109 = vector.load %arg2[%get3A_106, %get3A_107, %get3A_108] : memref<26x64x1024xf32, #tpu.memory_space<vmem>>, vector<1x64x1024xf32>
    %get3A_110 = vector.shape_cast %get3A_109 : vector<1x64x1024xf32> to vector<64x1024xf32>
    %mul3A_111 = vector.broadcast %slice3A_105 : vector<1x1024xf32> to vector<64x1024xf32>
    %mul3A_112 = arith.mulf %mul3A_111, %get3A_110 : vector<64x1024xf32>
    %add3A_113 = arith.addf %add3A_104, %mul3A_112 : vector<64x1024xf32>
    %slice3A_114 = vector.extract_strided_slice %mul3A_8 {offsets = [12, 0], sizes = [1, 1024], strides = [1, 1]} : vector<32x1024xf32> to vector<1x1024xf32>
    %get3A_115 = arith.constant 12 : index
    %get3A_116 = arith.constant 0 : index
    %get3A_117 = arith.constant 0 : index
    %get3A_118 = vector.load %arg2[%get3A_115, %get3A_116, %get3A_117] : memref<26x64x1024xf32, #tpu.memory_space<vmem>>, vector<1x64x1024xf32>
    %get3A_119 = vector.shape_cast %get3A_118 : vector<1x64x1024xf32> to vector<64x1024xf32>
    %mul3A_120 = vector.broadcast %slice3A_114 : vector<1x1024xf32> to vector<64x1024xf32>
    %mul3A_121 = arith.mulf %mul3A_120, %get3A_119 : vector<64x1024xf32>
    %add3A_122 = arith.addf %add3A_113, %mul3A_121 : vector<64x1024xf32>
    %slice3A_123 = vector.extract_strided_slice %mul3A_8 {offsets = [13, 0], sizes = [1, 1024], strides = [1, 1]} : vector<32x1024xf32> to vector<1x1024xf32>
    %get3A_124 = arith.constant 13 : index
    %get3A_125 = arith.constant 0 : index
    %get3A_126 = arith.constant 0 : index
    %get3A_127 = vector.load %arg2[%get3A_124, %get3A_125, %get3A_126] : memref<26x64x1024xf32, #tpu.memory_space<vmem>>, vector<1x64x1024xf32>
    %get3A_128 = vector.shape_cast %get3A_127 : vector<1x64x1024xf32> to vector<64x1024xf32>
    %mul3A_129 = vector.broadcast %slice3A_123 : vector<1x1024xf32> to vector<64x1024xf32>
    %mul3A_130 = arith.mulf %mul3A_129, %get3A_128 : vector<64x1024xf32>
    %add3A_131 = arith.addf %add3A_122, %mul3A_130 : vector<64x1024xf32>
    %slice3A_132 = vector.extract_strided_slice %mul3A_8 {offsets = [14, 0], sizes = [1, 1024], strides = [1, 1]} : vector<32x1024xf32> to vector<1x1024xf32>
    %get3A_133 = arith.constant 14 : index
    %get3A_134 = arith.constant 0 : index
    %get3A_135 = arith.constant 0 : index
    %get3A_136 = vector.load %arg2[%get3A_133, %get3A_134, %get3A_135] : memref<26x64x1024xf32, #tpu.memory_space<vmem>>, vector<1x64x1024xf32>
    %get3A_137 = vector.shape_cast %get3A_136 : vector<1x64x1024xf32> to vector<64x1024xf32>
    %mul3A_138 = vector.broadcast %slice3A_132 : vector<1x1024xf32> to vector<64x1024xf32>
    %mul3A_139 = arith.mulf %mul3A_138, %get3A_137 : vector<64x1024xf32>
    %add3A_140 = arith.addf %add3A_131, %mul3A_139 : vector<64x1024xf32>
    %slice3A_141 = vector.extract_strided_slice %mul3A_8 {offsets = [15, 0], sizes = [1, 1024], strides = [1, 1]} : vector<32x1024xf32> to vector<1x1024xf32>
    %get3A_142 = arith.constant 15 : index
    %get3A_143 = arith.constant 0 : index
    %get3A_144 = arith.constant 0 : index
    %get3A_145 = vector.load %arg2[%get3A_142, %get3A_143, %get3A_144] : memref<26x64x1024xf32, #tpu.memory_space<vmem>>, vector<1x64x1024xf32>
    %get3A_146 = vector.shape_cast %get3A_145 : vector<1x64x1024xf32> to vector<64x1024xf32>
    %mul3A_147 = vector.broadcast %slice3A_141 : vector<1x1024xf32> to vector<64x1024xf32>
    %mul3A_148 = arith.mulf %mul3A_147, %get3A_146 : vector<64x1024xf32>
    %add3A_149 = arith.addf %add3A_140, %mul3A_148 : vector<64x1024xf32>
    %slice3A_150 = vector.extract_strided_slice %mul3A_8 {offsets = [16, 0], sizes = [1, 1024], strides = [1, 1]} : vector<32x1024xf32> to vector<1x1024xf32>
    %get3A_151 = arith.constant 16 : index
    %get3A_152 = arith.constant 0 : index
    %get3A_153 = arith.constant 0 : index
    %get3A_154 = vector.load %arg2[%get3A_151, %get3A_152, %get3A_153] : memref<26x64x1024xf32, #tpu.memory_space<vmem>>, vector<1x64x1024xf32>
    %get3A_155 = vector.shape_cast %get3A_154 : vector<1x64x1024xf32> to vector<64x1024xf32>
    %mul3A_156 = vector.broadcast %slice3A_150 : vector<1x1024xf32> to vector<64x1024xf32>
    %mul3A_157 = arith.mulf %mul3A_156, %get3A_155 : vector<64x1024xf32>
    %add3A_158 = arith.addf %add3A_149, %mul3A_157 : vector<64x1024xf32>
    %slice3A_159 = vector.extract_strided_slice %mul3A_8 {offsets = [17, 0], sizes = [1, 1024], strides = [1, 1]} : vector<32x1024xf32> to vector<1x1024xf32>
    %get3A_160 = arith.constant 17 : index
    %get3A_161 = arith.constant 0 : index
    %get3A_162 = arith.constant 0 : index
    %get3A_163 = vector.load %arg2[%get3A_160, %get3A_161, %get3A_162] : memref<26x64x1024xf32, #tpu.memory_space<vmem>>, vector<1x64x1024xf32>
    %get3A_164 = vector.shape_cast %get3A_163 : vector<1x64x1024xf32> to vector<64x1024xf32>
    %mul3A_165 = vector.broadcast %slice3A_159 : vector<1x1024xf32> to vector<64x1024xf32>
    %mul3A_166 = arith.mulf %mul3A_165, %get3A_164 : vector<64x1024xf32>
    %add3A_167 = arith.addf %add3A_158, %mul3A_166 : vector<64x1024xf32>
    %slice3A_168 = vector.extract_strided_slice %mul3A_8 {offsets = [18, 0], sizes = [1, 1024], strides = [1, 1]} : vector<32x1024xf32> to vector<1x1024xf32>
    %get3A_169 = arith.constant 18 : index
    %get3A_170 = arith.constant 0 : index
    %get3A_171 = arith.constant 0 : index
    %get3A_172 = vector.load %arg2[%get3A_169, %get3A_170, %get3A_171] : memref<26x64x1024xf32, #tpu.memory_space<vmem>>, vector<1x64x1024xf32>
    %get3A_173 = vector.shape_cast %get3A_172 : vector<1x64x1024xf32> to vector<64x1024xf32>
    %mul3A_174 = vector.broadcast %slice3A_168 : vector<1x1024xf32> to vector<64x1024xf32>
    %mul3A_175 = arith.mulf %mul3A_174, %get3A_173 : vector<64x1024xf32>
    %add3A_176 = arith.addf %add3A_167, %mul3A_175 : vector<64x1024xf32>
    %slice3A_177 = vector.extract_strided_slice %mul3A_8 {offsets = [19, 0], sizes = [1, 1024], strides = [1, 1]} : vector<32x1024xf32> to vector<1x1024xf32>
    %get3A_178 = arith.constant 19 : index
    %get3A_179 = arith.constant 0 : index
    %get3A_180 = arith.constant 0 : index
    %get3A_181 = vector.load %arg2[%get3A_178, %get3A_179, %get3A_180] : memref<26x64x1024xf32, #tpu.memory_space<vmem>>, vector<1x64x1024xf32>
    %get3A_182 = vector.shape_cast %get3A_181 : vector<1x64x1024xf32> to vector<64x1024xf32>
    %mul3A_183 = vector.broadcast %slice3A_177 : vector<1x1024xf32> to vector<64x1024xf32>
    %mul3A_184 = arith.mulf %mul3A_183, %get3A_182 : vector<64x1024xf32>
    %add3A_185 = arith.addf %add3A_176, %mul3A_184 : vector<64x1024xf32>
    %slice3A_186 = vector.extract_strided_slice %mul3A_8 {offsets = [20, 0], sizes = [1, 1024], strides = [1, 1]} : vector<32x1024xf32> to vector<1x1024xf32>
    %get3A_187 = arith.constant 20 : index
    %get3A_188 = arith.constant 0 : index
    %get3A_189 = arith.constant 0 : index
    %get3A_190 = vector.load %arg2[%get3A_187, %get3A_188, %get3A_189] : memref<26x64x1024xf32, #tpu.memory_space<vmem>>, vector<1x64x1024xf32>
    %get3A_191 = vector.shape_cast %get3A_190 : vector<1x64x1024xf32> to vector<64x1024xf32>
    %mul3A_192 = vector.broadcast %slice3A_186 : vector<1x1024xf32> to vector<64x1024xf32>
    %mul3A_193 = arith.mulf %mul3A_192, %get3A_191 : vector<64x1024xf32>
    %add3A_194 = arith.addf %add3A_185, %mul3A_193 : vector<64x1024xf32>
    %slice3A_195 = vector.extract_strided_slice %mul3A_8 {offsets = [21, 0], sizes = [1, 1024], strides = [1, 1]} : vector<32x1024xf32> to vector<1x1024xf32>
    %get3A_196 = arith.constant 21 : index
    %get3A_197 = arith.constant 0 : index
    %get3A_198 = arith.constant 0 : index
    %get3A_199 = vector.load %arg2[%get3A_196, %get3A_197, %get3A_198] : memref<26x64x1024xf32, #tpu.memory_space<vmem>>, vector<1x64x1024xf32>
    %get3A_200 = vector.shape_cast %get3A_199 : vector<1x64x1024xf32> to vector<64x1024xf32>
    %mul3A_201 = vector.broadcast %slice3A_195 : vector<1x1024xf32> to vector<64x1024xf32>
    %mul3A_202 = arith.mulf %mul3A_201, %get3A_200 : vector<64x1024xf32>
    %add3A_203 = arith.addf %add3A_194, %mul3A_202 : vector<64x1024xf32>
    %slice3A_204 = vector.extract_strided_slice %mul3A_8 {offsets = [22, 0], sizes = [1, 1024], strides = [1, 1]} : vector<32x1024xf32> to vector<1x1024xf32>
    %get3A_205 = arith.constant 22 : index
    %get3A_206 = arith.constant 0 : index
    %get3A_207 = arith.constant 0 : index
    %get3A_208 = vector.load %arg2[%get3A_205, %get3A_206, %get3A_207] : memref<26x64x1024xf32, #tpu.memory_space<vmem>>, vector<1x64x1024xf32>
    %get3A_209 = vector.shape_cast %get3A_208 : vector<1x64x1024xf32> to vector<64x1024xf32>
    %mul3A_210 = vector.broadcast %slice3A_204 : vector<1x1024xf32> to vector<64x1024xf32>
    %mul3A_211 = arith.mulf %mul3A_210, %get3A_209 : vector<64x1024xf32>
    %add3A_212 = arith.addf %add3A_203, %mul3A_211 : vector<64x1024xf32>
    %slice3A_213 = vector.extract_strided_slice %mul3A_8 {offsets = [23, 0], sizes = [1, 1024], strides = [1, 1]} : vector<32x1024xf32> to vector<1x1024xf32>
    %get3A_214 = arith.constant 23 : index
    %get3A_215 = arith.constant 0 : index
    %get3A_216 = arith.constant 0 : index
    %get3A_217 = vector.load %arg2[%get3A_214, %get3A_215, %get3A_216] : memref<26x64x1024xf32, #tpu.memory_space<vmem>>, vector<1x64x1024xf32>
    %get3A_218 = vector.shape_cast %get3A_217 : vector<1x64x1024xf32> to vector<64x1024xf32>
    %mul3A_219 = vector.broadcast %slice3A_213 : vector<1x1024xf32> to vector<64x1024xf32>
    %mul3A_220 = arith.mulf %mul3A_219, %get3A_218 : vector<64x1024xf32>
    %add3A_221 = arith.addf %add3A_212, %mul3A_220 : vector<64x1024xf32>
    %slice3A_222 = vector.extract_strided_slice %mul3A_8 {offsets = [24, 0], sizes = [1, 1024], strides = [1, 1]} : vector<32x1024xf32> to vector<1x1024xf32>
    %get3A_223 = arith.constant 24 : index
    %get3A_224 = arith.constant 0 : index
    %get3A_225 = arith.constant 0 : index
    %get3A_226 = vector.load %arg2[%get3A_223, %get3A_224, %get3A_225] : memref<26x64x1024xf32, #tpu.memory_space<vmem>>, vector<1x64x1024xf32>
    %get3A_227 = vector.shape_cast %get3A_226 : vector<1x64x1024xf32> to vector<64x1024xf32>
    %mul3A_228 = vector.broadcast %slice3A_222 : vector<1x1024xf32> to vector<64x1024xf32>
    %mul3A_229 = arith.mulf %mul3A_228, %get3A_227 : vector<64x1024xf32>
    %add3A_230 = arith.addf %add3A_221, %mul3A_229 : vector<64x1024xf32>
    %slice3A_231 = vector.extract_strided_slice %mul3A_8 {offsets = [25, 0], sizes = [1, 1024], strides = [1, 1]} : vector<32x1024xf32> to vector<1x1024xf32>
    %get3A_232 = arith.constant 25 : index
    %get3A_233 = arith.constant 0 : index
    %get3A_234 = arith.constant 0 : index
    %get3A_235 = vector.load %arg2[%get3A_232, %get3A_233, %get3A_234] : memref<26x64x1024xf32, #tpu.memory_space<vmem>>, vector<1x64x1024xf32>
    %get3A_236 = vector.shape_cast %get3A_235 : vector<1x64x1024xf32> to vector<64x1024xf32>
    %mul3A_237 = vector.broadcast %slice3A_231 : vector<1x1024xf32> to vector<64x1024xf32>
    %mul3A_238 = arith.mulf %mul3A_237, %get3A_236 : vector<64x1024xf32>
    %add3A_239 = arith.addf %add3A_230, %mul3A_238 : vector<64x1024xf32>
    %swap3A = arith.constant 0 : index
    %swap3A_240 = arith.constant 0 : index
    %swap3A_241 = vector.load %arg3[%swap3A, %swap3A_240] : memref<64x1024xf32, #tpu.memory_space<vmem>>, vector<64x1024xf32>
    tpu.vector_store %arg3[%swap3A, %swap3A_240], %add3A_239 {strides = array<i32>} : memref<64x1024xf32, #tpu.memory_space<vmem>>, vector<64x1024xf32>,
    return
  }
  func.func @transform_0(%arg0: i32) -> (i32, i32) {
    %c0_i32 = arith.constant 0 : i32
    %c0_i32_0 = arith.constant 0 : i32
    return %c0_i32, %arg0 : i32, i32
  }
  func.func @transform_1(%arg0: i32) -> (i32, i32, i32) {
    %add3A = arith.constant 0 : i32
    %add3A_0 = arith.addi %arg0, %add3A : i32
    %c0_i32 = arith.constant 0 : i32
    %c0_i32_1 = arith.constant 0 : i32
    %c0_i32_2 = arith.constant 0 : i32
    return %c0_i32, %c0_i32_1, %add3A_0 : i32, i32, i32
  }
  func.func @transform_2(%arg0: i32) -> (i32, i32) {
    %c0_i32 = arith.constant 0 : i32
    %c0_i32_0 = arith.constant 0 : i32
    return %c0_i32, %arg0 : i32, i32
  }
}

</mosaic_0001>

<sc_bundles>
// kernel: kernel.4.cloned.1.call-start
scs
__scs_entry_jumppad:
0x0: {  	(pc) =	sbr.rel $0x88, $3  }
0x1: {  	(tag) =	ssettag $0x0;
	lr =	simm.s32 $0x1  }
0x2: {  	[smem:$0x3F9E] =	sst lr;
	_ =	strace $0xD0000000  }
0x3: {  	_ = 	snop  }
0x4: {  	_ = 	snop  }
0x5: {  	_ = 	snop  }
0x6: {  	_ = 	snop  }
0x7: {  	_ = 	snop  }
__scs_overlays_trampoline_lowered:
0x8: {  	[smem:$0x3FAD] =	sst s0  }
0x9: {  	[smem:$0x3FAE] =	sst s1  }
0xa: {  	[smem:$0x3FAF] =	sst s2  }
0xb: {  	[smem:$0x3FB0] =	sst s3  }
0xc: {  	[smem:$0x3FB1] =	sst s4  }
0xd: {  	[smem:$0x3FB2] =	sst s5  }
0xe: {  	[smem:$0x3FB3] =	sst s6  }
0xf: {  	[smem:$0x3FB4] =	sst s7  }
0x10: {  	[smem:$0x3FB5] =	sst s8  }
0x11: {  	[smem:$0x3FB6] =	sst s9;
	s0 =	simm.s32 @!p0 $0x0  }
0x12: {  	s1 =	sld [smem:$0x3F9C];
	s0 =	simm.s32 @p0 $0x1  }
0x13: {  	[smem:$0x3FB7] =	sst s0;
	s0 =	simm.s32 @!p1 $0x0  }
0x14: {  	s2 =	sld [smem:$0x3F9B];
	s0 =	simm.s32 @p1 $0x1  }
0x15: {  	[smem:$0x3FB8] =	sst s0;
	s0 =	simm.s32 @!p2 $0x0  }
0x16: {  	s3 =	sld [smem:$0x3FDB];
	s0 =	simm.s32 @p2 $0x1  }
0x17: {  	s4 =	simm.s32 $0x1BF5;
	[smem:$0x3FBA] =	sst s0  }
0x18: {  	s0 =	sld [smem:$0x3F9D];
	_ =	swait.ge [sflag:s4], $0x0  }
0x19: {  	s7 =	sld [smem:$0x3F9E]  }
0x1a: {  	s8 =	sadd.s32 $0xFFFFE003, lr  }
0x1b: {  	s9 =	sadd.s32 $0xFFFFFEF7, lr;
	s5 =	simm.s32 $0xFFFFFFFF;
	p2 =	slt.u32 s8, $0xFFFFF086  }
0x1c: {  	p1 =	slt.u32 s9, $0xF7A;
	s5 =	simm.s32 @!p2 $0x0  }
0x1d: {  	s5 =	simm.s32 @p1 $0x1;
	p0 =	seq.s32 s7, s2  }
0x1e: {  	s7 =	smul.u32 @!p0 $0xF7A, s2;
	p2 =	seq.s32 @!p0 s5, $0x0  }
0x1f: {  	s9 =	smul.u32 $0xF7A, s1;
	s8 =	simm.s32 @!p0 $0x1BF5;
	p2 =	por !p2, p0  }
0x20: {  	[sflag:s8] =	ssyncset.s32 @!p0 $0xFFFFF086;
	s6 =	sadd.s32 @!p0 s3, s7;
	s7 =	simm.s32 @!p0 $0x108  }
0x21: {  	s3 =	sadd.s32 s3, s9;
	s6 =	sadd.s32 @!p0 $0x88, s6;
	s7 =	simm.s32 @p2 $0x1082  }
0x22: {  	[simem:s7], [sflag:s8] =	dma.local @!p0 [hbm:s6], $0xF7A  }
0x23: {  	s9 =	sor.u32 $0xD0000000, s2;
	s6 =	simm.s32 $0x108;
	_ =	swait.ge @!p0 [sflag:s8], $0x0  }
0x24: {  	s3 =	sadd.s32 $0x88, s3;
	s6 =	simm.s32 @!p1 $0x1082;
	[sflag:s4] =	ssyncset.s32 $0xFFFFF086  }
0x25: {  	[simem:s6], [sflag:s4] =	dma.local [hbm:s3], $0xF7A  }
0x26: {  	[smem:$0x3F9E] =	sst s1;
	(tag) =	ssettag s2;
	_ =	strace s9  }
0x27: {  	s1 =	sld [smem:$0x3FAE]  }
0x28: {  	s2 =	sld [smem:$0x3FAF]  }
0x29: {  	s4 =	sld [smem:$0x3FB1]  }
0x2a: {  	p0 =	seq.s32 s5, $0x0;
	s5 =	sld [smem:$0x3FB2]  }
0x2b: {  	s6 =	sld [smem:$0x3FB3]  }
0x2c: {  	s7 =	sld [smem:$0x3FB4]  }
0x2d: {  	s3 =	simm.s32 $0x108;
	s8 =	sld [smem:$0x3FB5]  }
0x2e: {  	s3 =	simm.s32 @!p0 $0x1082;
	s9 =	sld [smem:$0x3FB6]  }
0x2f: {  	lr =	sadd.s32 s0, s3;
	s0 =	sld [smem:$0x3FAD]  }
0x30: {  	s3 =	sld [smem:$0x3FB0]  }
0x31: {  	[smem:$0x3FB9] =	sst s10  }
0x32: {  	s10 =	sld [smem:$0x3FB7];
	_ =	sdelay $0x3  }
0x33: {  	p0 =	seq.s32 s10, $0x1;
	s10 =	sld [smem:$0x3FB9];
	_ =	sdelay $0x3  }
0x34: {  	[smem:$0x3FB9] =	sst s10  }
0x35: {  	s10 =	sld [smem:$0x3FB8];
	_ =	sdelay $0x3  }
0x36: {  	p1 =	seq.s32 s10, $0x1;
	s10 =	sld [smem:$0x3FB9];
	_ =	sdelay $0x3  }
0x37: {  	[smem:$0x3FB9] =	sst s10  }
0x38: {  	s10 =	sld [smem:$0x3FBA]  }
0x39: {  	_ = 	snop;
	(pc) =	sbr.ind lr, $3  }
0x3a: {  	_ = 	snop  }
0x3b: {  	_ = 	snop  }
0x3c: {  	p2 =	seq.s32 s10, $0x1;
	s10 =	sld [smem:$0x3FB9]  }
0x3d: {  	_ =	shalt  }
0x3e: {  	_ =	shalt  }
0x3f: {  	_ =	shalt  }
0x40: {  	_ =	shalt  }
0x41: {  	_ =	shalt  }
0x42: {  	_ =	shalt  }
0x43: {  	_ =	shalt  }
0x44: {  	_ =	shalt  }
0x45: {  	_ =	shalt  }
0x46: {  	_ =	shalt  }
0x47: {  	_ =	shalt  }
0x48: {  	_ =	shalt  }
0x49: {  	_ =	shalt  }
0x4a: {  	_ =	shalt  }
0x4b: {  	_ =	shalt  }
0x4c: {  	_ =	shalt  }
0x4d: {  	_ =	shalt  }
0x4e: {  	_ =	shalt  }
0x4f: {  	_ =	shalt  }
0x50: {  	_ =	shalt  }
0x51: {  	_ =	shalt  }
0x52: {  	_ =	shalt  }
0x53: {  	_ =	shalt  }
0x54: {  	_ =	shalt  }
0x55: {  	_ =	shalt  }
0x56: {  	_ =	shalt  }
0x57: {  	_ =	shalt  }
0x58: {  	_ =	shalt  }
0x59: {  	_ =	shalt  }
0x5a: {  	_ =	shalt  }
0x5b: {  	_ =	shalt  }
0x5c: {  	_ =	shalt  }
0x5d: {  	_ =	shalt  }
0x5e: {  	_ =	shalt  }
0x5f: {  	_ =	shalt  }
0x60: {  	_ =	shalt  }
0x61: {  	_ =	shalt  }
0x62: {  	_ =	shalt  }
0x63: {  	_ =	shalt  }
0x64: {  	_ =	shalt  }
0x65: {  	_ =	shalt  }
0x66: {  	_ =	shalt  }
0x67: {  	_ =	shalt  }
0x68: {  	_ =	shalt  }
0x69: {  	_ =	shalt  }
0x6a: {  	_ =	shalt  }
0x6b: {  	_ =	shalt  }
0x6c: {  	_ =	shalt  }
0x6d: {  	_ =	shalt  }
0x6e: {  	_ =	shalt  }
0x6f: {  	_ =	shalt  }
0x70: {  	_ =	shalt  }
0x71: {  	_ =	shalt  }
0x72: {  	_ =	shalt  }
0x73: {  	_ =	shalt  }
0x74: {  	_ =	shalt  }
0x75: {  	_ =	shalt  }
0x76: {  	_ =	shalt  }
0x77: {  	_ =	shalt  }
0x78: {  	_ =	shalt  }
0x79: {  	_ =	shalt  }
0x7a: {  	_ =	shalt  }
0x7b: {  	_ =	shalt  }
0x7c: {  	_ =	shalt  }
0x7d: {  	_ =	shalt  }
0x7e: {  	_ =	shalt  }
0x7f: {  	_ =	shalt  }
0x80: {  	_ =	shalt  }
0x81: {  	_ =	shalt  }
0x82: {  	_ =	shalt  }
0x83: {  	_ =	shalt  }
0x84: {  	_ =	shalt  }
0x85: {  	_ =	shalt  }
0x86: {  	_ =	shalt  }
0x87: {  	_ =	shalt  }
.Lfunc_end0:
.L_simem_size_0:
called_computation_lowered:
.L_overlay_start_0:
0x88: {  	s2 =	sld [smem:$0x3FD9]  }
0x89: {  	s3 =	sld [smem:$0x3FFE];
	_ =	sdelay $0x1  }
0x8a: {  	s1 =	srdreg.scid  }
0x8b: {  	s0 =	sand.u32 $0x1, s1  }
0x8c: {  	s18 =	sshll.u32 s0, $0xA;
	s2 =	sadd.s32 s3, s2  }
0x8d: {  	s2 =	sadd.s32 s2, s18  }
0x8e: {  	[smem:$0x3FC5] =	sst s2  }
0x8f: {  	_ = 	snop  }
0x90: {  	s2 =	sld [smem:$0x3FC9]  }
0x91: {  	s19 =	sld [smem:$0x3FC7]  }
0x92: {  	s4 =	sld [smem:$0x3FD0];
	(tm) =	ssettm $0x1  }
0x93: {  	s5 =	sld [smem:$0x3FFB];
	_ =	sdelay $0x3  }
0x94: {  	_ =	strace s5  }
0x95: {  	s5 =	sld [smem:$0x3FFC];
	_ =	sdelay $0x3  }
0x96: {  	_ =	strace s5  }
0x97: {  	s5 =	sld [smem:$0x3FFD];
	_ =	sdelay $0x3  }
0x98: {  	_ =	strace s5  }
0x99: {  	_ =	strace $0x8FFFFFFF  }
0x9a: {  	s20 =	sld [smem:$0x3FDB];
	_ =	sdelay $0x1  }
0x9b: {  	s6 =	simm.s32 $_scs_section_size  }
0x9c: {  	s7 =	simm.s32 $_size__tile_overlayer_lowered;
	s8 =	simm.s32 $_tile_overlayer_lowered  }
0x9d: {  	s23 =	simm.s32 $0x1BFF;
	s22 =	sshll.u32 s8, $0x1;
	s5 =	sadd.s32 s6, s20  }
0x9e: {  	s9 =	simm.s32 $0x0;
	s21 =	sshll.u32 s7, $0x1;
	s7 =	sadd.s32 s22, s5  }
0x9f: {  	[timem:s9], [sflag:s23] =	dma.local [hbm:s7], s21  }
0xa0: {  	_ =	swait.ge [sflag:s23], s21  }
0xa1: {  	s6 =	ssub.s32 $0x0, s21;
	[sflag:s23] =	ssyncset.done $0x0  }
0xa2: {  	[sflag:s23] =	ssyncadd.s32 s6;
	_ =	sdelay $0x1  }
0xa3: {  	s24 =	simm.s32 $0x1B8B  }
0xa4: {  	_ =	swait.ge [sflag:s24], $0x1  }
0xa5: {  	[sflag:s24] =	ssyncset.done $0x0  }
0xa6: {  	s25 =	simm.s32 $0x1B8E;
	[sflag:s24] =	ssyncadd.s32 $0xFFFFFFFF  }
0xa7: {  	s26 =	simm.s32 $execute0_lowered;
	[smem:$0x3FD2] =	sst s25  }
0xa8: {  	s6 =	sshll.u32 s26, $0x1;
	_ =	strace $0x80000046;
	[dreg:$0x1] =	wrdreg $0xFFFFFFFF  }
0xa9: {  	s28 =	simm.s32 $_size_execute0_lowered;
	s5 =	sadd.s32 s5, s6;
	[dreg:$0x0] =	wrdreg $0x0  }
0xaa: {  	s6 =	sshll.u32 s28, $0x1;
	[dreg:$0x2] =	wrdreg s5  }
0xab: {  	[dreg:$0x3] =	wrdreg s6  }
0xac: {  	[dreg:$0x4] =	wrdreg $0xC0  }
0xad: {  	_ =	task [dreg:s9], $0x5FFFF  }
0xae: {  	[dreg:$0x1] =	wrdreg $0xFFFFFFFF  }
0xaf: {  	[dreg:$0x0] =	wrdreg $0x60  }
0xb0: {  	[dreg:$0x2] =	wrdreg s19  }
0xb1: {  	[dreg:$0x3] =	wrdreg s2  }
0xb2: {  	[dreg:$0x4] =	wrdreg s4  }
0xb3: {  	[dreg:$0x5] =	wrdreg $0x9  }
0xb4: {  	_ =	task.clear_ibuf [dreg:s9], $0x6FFFF;
	_ =	strace $0x90000046  }
0xb5: {  	s29 =	simm.s32 $0x9;
	_ =	strace $0x80000048  }
0xb6: {  	_ =	swait.ge [sflag:s29], $0x1  }
0xb7: {  	[sflag:s29] =	ssyncadd.s32 $0xFFFFFFFF  }
0xb8: {  	_ =	strace $0x90000048  }
0xb9: {  	_ =	sfence  }
0xba: {  	s30 =	sld [smem:$0x0];
	_ =	sdelay $0x2  }
0xbb: {  	s31 =	sshll.u32 s1, $0xD;
	s1 =	sshrl.u32 s1, $0x2  }
0xbc: {  	s3 =	sand.u32 $0x4000, s31;
	s1 =	sadd.s32 s1, s30  }
0xbd: {  	s0 =	sor.u32 s3, s0;
	s1 =	sshll.u32 s1, $0x11  }
0xbe: {  	s0 =	sor.u32 s1, s0  }
0xbf: {  	s0 =	sadd.s32 $0x8F2B, s0  }
0xc0: {  	[sflag:s0] =	ssyncadd.remote.s32 $0x1  }
0xc1: {  	_ =	sfence.sel $0xFFFF  }
0xc2: {  	[dreg:$0x0] =	wrdreg $0xFFFFFFFF;
	(pc) =	sbr.abs _section_cstart, $3  }
0xc3: {  	[dreg:$0x1] =	wrdreg $0xFFFFFFFF  }
0xc4: {  	_ =	task.clear_ibuf [dreg:s9], $0x2FFFF;
	_ =	strace $0x9FFFFFFF  }
0xc5: {  	(tm) =	ssettm $0x7FFFFFFF  }
tec
execute0_lowered:
.L_overlay_start_1:
0x0: {  	(tag) =	ssettag $0x1  }
0x1: {  	s2 =	rddreg [dreg:$0x0]  }
0x2: {  	s0 =	rddreg [dreg:$0x1];
	s1 =	srdreg.scid  }
0x3: {  	s4 =	rddreg [dreg:$0x2];
	s3 =	stileid.u32  }
0x4: {  	s28 =	simm.s32 $0x3;
	s8 =	simm.s32 $0x400;
	s9 =	simm.s32 $0x7A1400  }
0x5: {  	s10 =	simm.s32 $0x200;
	s16 =	simm.s32 $0xD200;
	s30 =	simm.s32 $0xDE00  }
0x6: {  	s11 =	simm.s32 $0x16000;
	s12 =	simm.s32 $0x16100;
	s13 =	simm.s32 $0x16D00  }
0x7: {  	v0 =	vlaneseq.u32;
	s14 =	simm.s32 $0x16E00;
	s15 =	simm.s32 $0x17A00;
	s17 =	simm.s32 $0x17B00  }
0x8: {  	s18 =	simm.s32 $0x18700;
	s19 =	simm.s32 $0x18800;
	s20 =	simm.s32 $0x19400;
	v1 =	vmul.u32 $0xD00, v0  }
0x9: {  	s21 =	simm.s32 $0x19500;
	s22 =	simm.s32 $0x1A100;
	s23 =	simm.s32 $0x1  }
0xa: {  	s24 =	simm.s32 $0x1A200;
	s29 =	simm.s32 $0x0;
	s1 =	sand.u32 $0x1, s1;
	v2 =	vor.u32 $0x80, v1  }
0xb: {  	s5 =	sshll.u32 s3, $0xA;
	s3 =	simm.s32 $0x0;
	s6 =	sshll.u32 s1, $0x9;
	v3 =	vadd.s32 $0x100, v1;
	v4 =	vadd.s32 $0x180, v1;
	v5 =	vadd.s32 $0x200, v1  }
0xc: {  	s1 =	ssub.s32 $0x2, s1;
	[smem:$0x7FF] =	sst s3;
	s5 =	sor.u32 s6, s5;
	v6 =	vadd.s32 $0x280, v1;
	v7 =	vadd.s32 $0x300, v1;
	v8 =	vadd.s32 $0x380, v1  }
0xd: {  	s25 =	sshrl.u32 s1, $0x1;
	_ =	strace $0x80000047;
	s6 =	simm.s32 $0x15300;
	v9 =	vadd.s32 $0x400, v1;
	v10 =	vadd.s32 $0x480, v1;
	v11 =	vadd.s32 $0x500, v1  }
.Ltmp0:
0xe: {  	v12 =	vadd.s32 $0x580, v1;
	v13 =	vadd.s32 $0x600, v1;
	v14 =	vadd.s32 $0x680, v1;
	s7 =	sshrl.u32 s5, $0x3;
	s1 =	ssub.s32 s1, s25;
	(pc) =	sbr.rel .LBB2_1-.Ltmp0, $4  }
0xf: {  	v15 =	vadd.s32 $0x700, v1;
	v16 =	vadd.s32 $0x780, v1;
	v17 =	vadd.s32 $0x800, v1;
	s26 =	sadd.s32 s4, s5;
	s4 =	simm.s32 $0x14600;
	s5 =	simm.s32 $0x14700  }
0x10: {  	v18 =	vadd.s32 $0x880, v1;
	v19 =	vadd.s32 $0x900, v1;
	v20 =	vadd.s32 $0x980, v1;
	s25 =	simm.s32 $0x2;
	s0 =	sadd.s32 s0, s7;
	[dreg:$0x5] =	wrdreg s26  }
0x11: {  	v21 =	vadd.s32 $0xA00, v1;
	v22 =	vadd.s32 $0xA80, v1;
	v23 =	vadd.s32 $0xB00, v1;
	s31 =	smax.u32 s1, $0x1;
	s1 =	simm.s32 $0x13A00;
	[dreg:$0x4] =	wrdreg s0  }
0x12: {  	v24 =	vadd.s32 $0xB80, v1;
	v25 =	vadd.s32 $0xC00, v1;
	v26 =	vadd.s32 $0xC80, v1;
	s7 =	simm.s32 $0x15400;
	[dreg:$0x6] =	wrdreg s31;
	s0 =	simm.s32 $0x13900  }
.LBB2_5:
0x13: {  	s26 =	rddreg [dreg:$0x5];
	s28 =	simm.s32 $0x1000;
	s29 =	simm.s32 $0x20000  }
0x14: {  	[hbm4b:s26+s28] =	stream.strided.scatter [tilespmem:s24], [sflag:$0x3], $0x4000, s29, s28, $0x38;
	[tilespmem:$0x1E200] =	vst v63  }
0x15: {  	s28 =	simm.s32 $0x3  }
0x16: {  	_ =	swait.ge [sflag:s28], $0x4000  }
0x17: {  	s29 =	rddreg [dreg:$0x7]  }
0x18: {  	s31 =	rddreg [dreg:$0x6];
	s29 =	sadd.s32 $0x1, s29  }
0x19: {  	p0 =	sne.s32 s29, s31  }
.Ltmp1:
0x1a: {  	_ = 	snop;
	(pc) =	sbr.rel @!p0 .LBB2_6-.Ltmp1, $3  }
0x1b: {  	_ =	sdelay $0x1  }
0x1c: {  	[sflag:s28] =	ssyncset.done $0x0  }
0x1d: {  	[sflag:s28] =	ssyncadd.s32 $0xFFFFC000  }
.LBB2_1:
0x1e: {  	[dreg:$0x7] =	wrdreg s29  }
0x1f: {  	s26 =	rddreg [dreg:$0x4]  }
0x20: {  	[tilespmem:s3], [sflag:$0x3] =	stream.linear.gather [hbm4b:s26+s3], $0x200, $0x38;
	[tilespmem:$0x1E200] =	vst v63  }
0x21: {  	_ =	swait.ge [sflag:s28], $0x200  }
0x22: {  	[sflag:s28] =	ssyncset.done $0x0  }
0x23: {  	[sflag:s28] =	ssyncadd.s32 $0xFFFFFE00  }
0x24: {  	v27 =	vld [tilespmem:$0x0];
	_ =	sdelay $0x4  }
0x25: {  	vm0 =	vlt.s32 v27, $0xF41C0  }
0x26: {  	v27 =	vnsel vm0, $0xF41C0, v27  }
0x27: {  	(v2sf) =	vpush v27, $0x0;
	_ =	sdelay $0x3  }
0x28: {  	(v2sf) =	vpush v27, $0x1;
	_ =	sdelay $0x4  }
0x29: {  	(v2sf) =	vpush v27, $0x2;
	_ =	sdelay $0x5  }
0x2a: {  	s29 =	spop (v2sf)  }
0x2b: {  	(v2sf) =	vpush v27, $0x3;
	s26 =	sand.u32 $0xFFFFF80, s29  }
0x2c: {  	s26 =	sadd.s32 s2, s26  }
0x2d: {  	[tilespmem:s10], [sflag:$0x1] =	stream.strided.gather [hbm4b:s26+s8], $0xC00, s9, s8, $0x38;
	[tilespmem:$0x1E200] =	vst v63  }
0x2e: {  	s28 =	simm.s32 $0xE00;
	s31 =	spop (v2sf);
	s26 =	sadd.s32 $0x2DC780, s26  }
0x2f: {  	(v2sf) =	vpush v27, $0x4;
	[tilespmem:s28], [sflag:$0x1] =	stream.linear.gather [hbm4b:s26+s3], $0x100, $0x38;
	[tilespmem:$0x1E200] =	vst v63  }
0x30: {  	s26 =	sand.u32 $0xFFFFF80, s31  }
0x31: {  	s28 =	simm.s32 $0xF00;
	s26 =	sadd.s32 s2, s26  }
0x32: {  	[tilespmem:s28], [sflag:$0x1] =	stream.strided.gather [hbm4b:s26+s8], $0xC00, s9, s8, $0x38;
	[tilespmem:$0x1E200] =	vst v63  }
0x33: {  	s29 =	spop (v2sf);
	s26 =	sadd.s32 $0x2DC780, s26;
	s28 =	simm.s32 $0x1B00  }
0x34: {  	(v2sf) =	vpush v27, $0x5;
	[tilespmem:s28], [sflag:$0x1] =	stream.linear.gather [hbm4b:s26+s3], $0x100, $0x38;
	[tilespmem:$0x1E200] =	vst v63  }
0x35: {  	s26 =	sand.u32 $0xFFFFF80, s29  }
0x36: {  	s28 =	simm.s32 $0x1C00;
	s26 =	sadd.s32 s2, s26  }
0x37: {  	[tilespmem:s28], [sflag:$0x1] =	stream.strided.gather [hbm4b:s26+s8], $0xC00, s9, s8, $0x38;
	[tilespmem:$0x1E200] =	vst v63  }
0x38: {  	s26 =	sadd.s32 $0x2DC780, s26;
	s28 =	simm.s32 $0x2800  }
0x39: {  	[tilespmem:s28], [sflag:$0x1] =	stream.linear.gather [hbm4b:s26+s3], $0x100, $0x38;
	[tilespmem:$0x1E200] =	vst v63  }
0x3a: {  	s31 =	spop (v2sf)  }
0x3b: {  	(v2sf) =	vpush v27, $0x6;
	s26 =	sand.u32 $0xFFFFF80, s31  }
0x3c: {  	s28 =	simm.s32 $0x2900;
	s26 =	sadd.s32 s2, s26  }
0x3d: {  	[tilespmem:s28], [sflag:$0x1] =	stream.strided.gather [hbm4b:s26+s8], $0xC00, s9, s8, $0x38;
	[tilespmem:$0x1E200] =	vst v63  }
0x3e: {  	s29 =	spop (v2sf);
	s26 =	sadd.s32 $0x2DC780, s26;
	s28 =	simm.s32 $0x3500  }
0x3f: {  	(v2sf) =	vpush v27, $0x7;
	[tilespmem:s28], [sflag:$0x1] =	stream.linear.gather [hbm4b:s26+s3], $0x100, $0x38;
	[tilespmem:$0x1E200] =	vst v63  }
0x40: {  	s26 =	sand.u32 $0xFFFFF80, s29  }
0x41: {  	s28 =	simm.s32 $0x3600;
	s26 =	sadd.s32 s2, s26  }
0x42: {  	[tilespmem:s28], [sflag:$0x1] =	stream.strided.gather [hbm4b:s26+s8], $0xC00, s9, s8, $0x38;
	[tilespmem:$0x1E200] =	vst v63  }
0x43: {  	s31 =	spop (v2sf);
	s26 =	sadd.s32 $0x2DC780, s26;
	s28 =	simm.s32 $0x4200  }
0x44: {  	(v2sf) =	vpush v27, $0x8;
	[tilespmem:s28], [sflag:$0x1] =	stream.linear.gather [hbm4b:s26+s3], $0x100, $0x38;
	[tilespmem:$0x1E200] =	vst v63  }
0x45: {  	s26 =	sand.u32 $0xFFFFF80, s31  }
0x46: {  	s28 =	simm.s32 $0x4300;
	s26 =	sadd.s32 s2, s26  }
0x47: {  	[tilespmem:s28], [sflag:$0x1] =	stream.strided.gather [hbm4b:s26+s8], $0xC00, s9, s8, $0x38;
	[tilespmem:$0x1E200] =	vst v63  }
0x48: {  	s26 =	sadd.s32 $0x2DC780, s26;
	s28 =	simm.s32 $0x4F00  }
0x49: {  	[tilespmem:s28], [sflag:$0x1] =	stream.linear.gather [hbm4b:s26+s3], $0x100, $0x38;
	[tilespmem:$0x1E200] =	vst v63  }
0x4a: {  	s29 =	spop (v2sf)  }
0x4b: {  	(v2sf) =	vpush v27, $0x9;
	s26 =	sand.u32 $0xFFFFF80, s29  }
0x4c: {  	s28 =	simm.s32 $0x5000;
	s26 =	sadd.s32 s2, s26  }
0x4d: {  	[tilespmem:s28], [sflag:$0x1] =	stream.strided.gather [hbm4b:s26+s8], $0xC00, s9, s8, $0x38;
	[tilespmem:$0x1E200] =	vst v63  }
0x4e: {  	s31 =	spop (v2sf);
	s26 =	sadd.s32 $0x2DC780, s26;
	s28 =	simm.s32 $0x5C00  }
0x4f: {  	(v2sf) =	vpush v27, $0xA;
	[tilespmem:s28], [sflag:$0x1] =	stream.linear.gather [hbm4b:s26+s3], $0x100, $0x38;
	[tilespmem:$0x1E200] =	vst v63  }
0x50: {  	s26 =	sand.u32 $0xFFFFF80, s31  }
0x51: {  	s28 =	simm.s32 $0x5D00;
	s26 =	sadd.s32 s2, s26  }
0x52: {  	[tilespmem:s28], [sflag:$0x1] =	stream.strided.gather [hbm4b:s26+s8], $0xC00, s9, s8, $0x38;
	[tilespmem:$0x1E200] =	vst v63  }
0x53: {  	s29 =	spop (v2sf);
	s26 =	sadd.s32 $0x2DC780, s26;
	s28 =	simm.s32 $0x6900  }
0x54: {  	(v2sf) =	vpush v27, $0xB;
	[tilespmem:s28], [sflag:$0x1] =	stream.linear.gather [hbm4b:s26+s3], $0x100, $0x38;
	[tilespmem:$0x1E200] =	vst v63  }
0x55: {  	s26 =	sand.u32 $0xFFFFF80, s29  }
0x56: {  	s28 =	simm.s32 $0x6A00;
	s26 =	sadd.s32 s2, s26  }
0x57: {  	[tilespmem:s28], [sflag:$0x1] =	stream.strided.gather [hbm4b:s26+s8], $0xC00, s9, s8, $0x38;
	[tilespmem:$0x1E200] =	vst v63  }
0x58: {  	s26 =	sadd.s32 $0x2DC780, s26;
	s28 =	simm.s32 $0x7600  }
0x59: {  	[tilespmem:s28], [sflag:$0x1] =	stream.linear.gather [hbm4b:s26+s3], $0x100, $0x38;
	[tilespmem:$0x1E200] =	vst v63  }
0x5a: {  	s31 =	spop (v2sf)  }
0x5b: {  	(v2sf) =	vpush v27, $0xC;
	s26 =	sand.u32 $0xFFFFF80, s31  }
0x5c: {  	s28 =	simm.s32 $0x7700;
	s26 =	sadd.s32 s2, s26  }
0x5d: {  	[tilespmem:s28], [sflag:$0x1] =	stream.strided.gather [hbm4b:s26+s8], $0xC00, s9, s8, $0x38;
	[tilespmem:$0x1E200] =	vst v63  }
0x5e: {  	s29 =	spop (v2sf);
	s26 =	sadd.s32 $0x2DC780, s26;
	s28 =	simm.s32 $0x8300  }
0x5f: {  	(v2sf) =	vpush v27, $0xD;
	[tilespmem:s28], [sflag:$0x1] =	stream.linear.gather [hbm4b:s26+s3], $0x100, $0x38;
	[tilespmem:$0x1E200] =	vst v63  }
0x60: {  	s26 =	sand.u32 $0xFFFFF80, s29  }
0x61: {  	s28 =	simm.s32 $0x8400;
	s26 =	sadd.s32 s2, s26  }
0x62: {  	[tilespmem:s28], [sflag:$0x1] =	stream.strided.gather [hbm4b:s26+s8], $0xC00, s9, s8, $0x38;
	[tilespmem:$0x1E200] =	vst v63  }
0x63: {  	s31 =	spop (v2sf);
	s26 =	sadd.s32 $0x2DC780, s26;
	s28 =	simm.s32 $0x9000  }
0x64: {  	(v2sf) =	vpush v27, $0xE;
	[tilespmem:s28], [sflag:$0x1] =	stream.linear.gather [hbm4b:s26+s3], $0x100, $0x38;
	[tilespmem:$0x1E200] =	vst v63  }
0x65: {  	s26 =	sand.u32 $0xFFFFF80, s31  }
0x66: {  	s28 =	simm.s32 $0x9100;
	s26 =	sadd.s32 s2, s26  }
0x67: {  	[tilespmem:s28], [sflag:$0x1] =	stream.strided.gather [hbm4b:s26+s8], $0xC00, s9, s8, $0x38;
	[tilespmem:$0x1E200] =	vst v63  }
0x68: {  	s26 =	sadd.s32 $0x2DC780, s26;
	s28 =	simm.s32 $0x9D00  }
0x69: {  	[tilespmem:s28], [sflag:$0x1] =	stream.linear.gather [hbm4b:s26+s3], $0x100, $0x38;
	[tilespmem:$0x1E200] =	vst v63  }
0x6a: {  	s29 =	spop (v2sf)  }
0x6b: {  	(v2sf) =	vpush v27, $0xF;
	s26 =	sand.u32 $0xFFFFF80, s29  }
0x6c: {  	s28 =	simm.s32 $0x9E00;
	s26 =	sadd.s32 s2, s26  }
0x6d: {  	[tilespmem:s28], [sflag:$0x1] =	stream.strided.gather [hbm4b:s26+s8], $0xC00, s9, s8, $0x38;
	[tilespmem:$0x1E200] =	vst v63  }
0x6e: {  	s31 =	simm.s32 $0xAA00;
	s28 =	spop (v2sf)  }
0x6f: {  	s26 =	sadd.s32 $0x2DC780, s26;
	s29 =	sand.u32 $0xFFFFF80, s28  }
0x70: {  	[tilespmem:s31], [sflag:$0x1] =	stream.linear.gather [hbm4b:s26+s3], $0x100, $0x38;
	[tilespmem:$0x1E200] =	vst v63  }
0x71: {  	s28 =	simm.s32 $0xAB00;
	s26 =	sadd.s32 s2, s29  }
0x72: {  	[tilespmem:s28], [sflag:$0x1] =	stream.strided.gather [hbm4b:s26+s8], $0xC00, s9, s8, $0x38;
	[tilespmem:$0x1E200] =	vst v63  }
0x73: {  	s31 =	simm.s32 $0xB700;
	s28 =	spop (v2sf)  }
0x74: {  	s26 =	sadd.s32 $0x2DC780, s26;
	s29 =	sand.u32 $0xFFFFF80, s28  }
0x75: {  	[tilespmem:s31], [sflag:$0x1] =	stream.linear.gather [hbm4b:s26+s3], $0x100, $0x38;
	[tilespmem:$0x1E200] =	vst v63  }
0x76: {  	s28 =	simm.s32 $0xB800;
	s26 =	sadd.s32 s2, s29  }
0x77: {  	[tilespmem:s28], [sflag:$0x1] =	stream.strided.gather [hbm4b:s26+s8], $0xC00, s9, s8, $0x38;
	[tilespmem:$0x1E200] =	vst v63  }
0x78: {  	s26 =	sadd.s32 $0x2DC780, s26;
	s28 =	simm.s32 $0xC400  }
0x79: {  	[tilespmem:s28], [sflag:$0x1] =	stream.linear.gather [hbm4b:s26+s3], $0x100, $0x38;
	[tilespmem:$0x1E200] =	vst v63  }
0x7a: {  	s31 =	spop (v2sf)  }
0x7b: {  	s26 =	sand.u32 $0xFFFFF80, s31  }
.Ltmp2:
0x7c: {  	s28 =	simm.s32 $0xC500;
	s26 =	sadd.s32 s2, s26;
	(pc) =	sbr.rel .LBB2_2-.Ltmp2, $4  }
0x7d: {  	[tilespmem:s28], [sflag:$0x1] =	stream.strided.gather [hbm4b:s26+s8], $0xC00, s9, s8, $0x38;
	[tilespmem:$0x1E200] =	vst v63  }
0x7e: {  	s26 =	sadd.s32 $0x2DC780, s26;
	s28 =	simm.s32 $0xD100  }
0x7f: {  	[tilespmem:s28], [sflag:$0x1] =	stream.linear.gather [hbm4b:s26+s3], $0x100, $0x38;
	[tilespmem:$0x1E200] =	vst v63  }
0x80: {  	s26 =	simm.s32 $0x10;
	s28 =	simm.s32 $0x0  }
.LBB2_4:
0x81: {  	_ =	swait.ge [sflag:s25], $0xD00  }
0x82: {  	[sflag:s25] =	ssyncset.done $0x0  }
0x83: {  	[sflag:s25] =	ssyncadd.s32 $0xFFFFF300  }
0x84: {  	_ =	swait.ge [sflag:s25], $0xD00  }
0x85: {  	[sflag:s25] =	ssyncset.done $0x0  }
0x86: {  	[sflag:s25] =	ssyncadd.s32 $0xFFFFF300  }
0x87: {  	_ =	swait.ge [sflag:s25], $0xD00  }
0x88: {  	[sflag:s25] =	ssyncset.done $0x0  }
0x89: {  	[sflag:s25] =	ssyncadd.s32 $0xFFFFF300  }
0x8a: {  	_ =	swait.ge [sflag:s25], $0xD00  }
0x8b: {  	[sflag:s25] =	ssyncset.done $0x0  }
0x8c: {  	[sflag:s25] =	ssyncadd.s32 $0xFFFFF300  }
0x8d: {  	_ =	swait.ge [sflag:s25], $0xD00  }
0x8e: {  	[sflag:s25] =	ssyncset.done $0x0  }
0x8f: {  	[sflag:s25] =	ssyncadd.s32 $0xFFFFF300  }
0x90: {  	_ =	swait.ge [sflag:s25], $0xD00  }
0x91: {  	[sflag:s25] =	ssyncset.done $0x0  }
0x92: {  	[sflag:s25] =	ssyncadd.s32 $0xFFFFF300  }
0x93: {  	_ =	swait.ge [sflag:s25], $0xD00  }
0x94: {  	[sflag:s25] =	ssyncset.done $0x0  }
0x95: {  	[sflag:s25] =	ssyncadd.s32 $0xFFFFF300  }
0x96: {  	_ =	swait.ge [sflag:s25], $0xD00  }
0x97: {  	[sflag:s25] =	ssyncset.done $0x0  }
0x98: {  	[sflag:s25] =	ssyncadd.s32 $0xFFFFF300  }
0x99: {  	_ =	swait.ge [sflag:s25], $0xD00  }
0x9a: {  	[sflag:s25] =	ssyncset.done $0x0  }
0x9b: {  	[sflag:s25] =	ssyncadd.s32 $0xFFFFF300  }
0x9c: {  	_ =	swait.ge [sflag:s25], $0xD00  }
0x9d: {  	[sflag:s25] =	ssyncset.done $0x0  }
0x9e: {  	[sflag:s25] =	ssyncadd.s32 $0xFFFFF300  }
0x9f: {  	_ =	swait.ge [sflag:s25], $0xD00  }
0xa0: {  	[sflag:s25] =	ssyncset.done $0x0  }
0xa1: {  	[sflag:s25] =	ssyncadd.s32 $0xFFFFF300  }
0xa2: {  	_ =	swait.ge [sflag:s25], $0xD00  }
0xa3: {  	[sflag:s25] =	ssyncset.done $0x0  }
0xa4: {  	[sflag:s25] =	ssyncadd.s32 $0xFFFFF300  }
0xa5: {  	_ =	swait.ge [sflag:s25], $0xD00  }
0xa6: {  	[sflag:s25] =	ssyncset.done $0x0  }
0xa7: {  	[sflag:s25] =	ssyncadd.s32 $0xFFFFF300  }
0xa8: {  	_ =	swait.ge [sflag:s25], $0xD00  }
0xa9: {  	[sflag:s25] =	ssyncset.done $0x0  }
0xaa: {  	[sflag:s25] =	ssyncadd.s32 $0xFFFFF300  }
0xab: {  	_ =	swait.ge [sflag:s25], $0xD00  }
0xac: {  	[sflag:s25] =	ssyncset.done $0x0  }
0xad: {  	[sflag:s25] =	ssyncadd.s32 $0xFFFFF300  }
0xae: {  	_ =	swait.ge [sflag:s25], $0xD00  }
0xaf: {  	[sflag:s25] =	ssyncset.done $0x0  }
0xb0: {  	[sflag:s25] =	ssyncadd.s32 $0xFFFFF300  }
0xb1: {  	v27 =	vld [tilespmem:s26+$0x0];
	_ =	sdelay $0x4  }
0xb2: {  	v28 =	vand.u32 $0xFFFFFF80, v27  }
0xb3: {  	vm0 =	vlt.s32 v28, $0xF41C0  }
0xb4: {  	v28 =	vnsel vm0, $0xF41C0, v28  }
0xb5: {  	v27 =	vsub.s32 v27, v28  }
0xb6: {  	v28 =	vadd.s32 v1, v27  }
0xb7: {  	s29 =	sadd.s32 $0x10, s28  }
0xb8: {  	v29 =	vmov s29  }
0xb9: {  	v30 =	vor.u32 s29, v0;
	v29 =	vshll.u32 v29, $0x3  }
0xba: {  	v30 =	vand.u32 $0x7F, v30;
	v31 =	vand.u32 $0xC00, v29  }
0xbb: {  	v31 =	vor.u32 v30, v31;
	v28 =	vld.idx.msk [tilespmem:v28+s16+$0x0], $0xffff  }
0xbc: {  	v32 =	vadd.s32 v2, v27;
	_ =	sdelay $0x3  }
0xbd: {  	[tilespmem:v31+s24+$0x0] =	vst.idx.msk $0xffff, v28  }
0xbe: {  	v47 =	vor.u32 $0x80, v31;
	v28 =	vld.idx.msk [tilespmem:v32+s16+$0x0], $0xffff  }
0xbf: {  	v33 =	vadd.s32 v3, v27;
	_ =	sdelay $0x3  }
0xc0: {  	[tilespmem:v47+s24+$0x0] =	vst.idx.msk $0xffff, v28  }
0xc1: {  	v48 =	vor.u32 $0x100, v31;
	v28 =	vld.idx.msk [tilespmem:v33+s16+$0x0], $0xffff  }
0xc2: {  	v49 =	vadd.s32 v4, v27;
	_ =	sdelay $0x3  }
0xc3: {  	[tilespmem:v48+s24+$0x0] =	vst.idx.msk $0xffff, v28  }
0xc4: {  	v50 =	vor.u32 $0x180, v31;
	v28 =	vld.idx.msk [tilespmem:v49+s16+$0x0], $0xffff  }
0xc5: {  	v51 =	vadd.s32 v5, v27;
	_ =	sdelay $0x3  }
0xc6: {  	[tilespmem:v50+s24+$0x0] =	vst.idx.msk $0xffff, v28  }
0xc7: {  	v52 =	vor.u32 $0x200, v31;
	v28 =	vld.idx.msk [tilespmem:v51+s16+$0x0], $0xffff  }
0xc8: {  	v53 =	vadd.s32 v6, v27;
	_ =	sdelay $0x3  }
0xc9: {  	[tilespmem:v52+s24+$0x0] =	vst.idx.msk $0xffff, v28  }
0xca: {  	v54 =	vor.u32 $0x280, v31;
	v28 =	vld.idx.msk [tilespmem:v53+s16+$0x0], $0xffff  }
0xcb: {  	v55 =	vadd.s32 v7, v27;
	_ =	sdelay $0x3  }
0xcc: {  	[tilespmem:v54+s24+$0x0] =	vst.idx.msk $0xffff, v28  }
0xcd: {  	v56 =	vor.u32 $0x300, v31;
	v28 =	vld.idx.msk [tilespmem:v55+s16+$0x0], $0xffff  }
0xce: {  	v57 =	vadd.s32 v8, v27;
	_ =	sdelay $0x3  }
0xcf: {  	v58 =	vor.u32 v30, v29;
	[tilespmem:v56+s24+$0x0] =	vst.idx.msk $0xffff, v28  }
0xd0: {  	v28 =	vor.u32 $0x380, v58;
	v59 =	vld.idx.msk [tilespmem:v57+s16+$0x0], $0xffff  }
0xd1: {  	v60 =	vadd.s32 v9, v27;
	_ =	sdelay $0x3  }
0xd2: {  	[tilespmem:v28+s24+$0x0] =	vst.idx.msk $0xffff, v59  }
0xd3: {  	v61 =	vor.u32 $0x1000, v31;
	v28 =	vld.idx.msk [tilespmem:v60+s16+$0x0], $0xffff  }
0xd4: {  	v62 =	vadd.s32 v10, v27;
	_ =	sdelay $0x3  }
0xd5: {  	[tilespmem:v61+s24+$0x0] =	vst.idx.msk $0xffff, v28  }
0xd6: {  	v63 =	vor.u32 $0x1080, v31;
	v28 =	vld.idx.msk [tilespmem:v62+s16+$0x0], $0xffff  }
0xd7: {  	v33 =	vadd.s32 v11, v27;
	_ =	sdelay $0x3  }
0xd8: {  	[tilespmem:v63+s24+$0x0] =	vst.idx.msk $0xffff, v28  }
0xd9: {  	v34 =	vor.u32 $0x1100, v31;
	v28 =	vld.idx.msk [tilespmem:v33+s16+$0x0], $0xffff  }
0xda: {  	v35 =	vadd.s32 v12, v27;
	_ =	sdelay $0x3  }
0xdb: {  	[tilespmem:v34+s24+$0x0] =	vst.idx.msk $0xffff, v28  }
0xdc: {  	v36 =	vor.u32 $0x1180, v31;
	v28 =	vld.idx.msk [tilespmem:v35+s16+$0x0], $0xffff  }
0xdd: {  	v37 =	vadd.s32 v13, v27;
	_ =	sdelay $0x3  }
0xde: {  	[tilespmem:v36+s24+$0x0] =	vst.idx.msk $0xffff, v28  }
0xdf: {  	v38 =	vor.u32 $0x1200, v31;
	v28 =	vld.idx.msk [tilespmem:v37+s16+$0x0], $0xffff  }
0xe0: {  	v39 =	vadd.s32 v14, v27;
	_ =	sdelay $0x3  }
0xe1: {  	[tilespmem:v38+s24+$0x0] =	vst.idx.msk $0xffff, v28  }
0xe2: {  	v40 =	vor.u32 $0x1280, v31;
	v28 =	vld.idx.msk [tilespmem:v39+s16+$0x0], $0xffff  }
0xe3: {  	v41 =	vadd.s32 v15, v27;
	_ =	sdelay $0x3  }
0xe4: {  	[tilespmem:v40+s24+$0x0] =	vst.idx.msk $0xffff, v28  }
0xe5: {  	v42 =	vor.u32 $0x1300, v31;
	v28 =	vld.idx.msk [tilespmem:v41+s16+$0x0], $0xffff  }
0xe6: {  	v43 =	vadd.s32 v16, v27;
	_ =	sdelay $0x3  }
0xe7: {  	[tilespmem:v42+s24+$0x0] =	vst.idx.msk $0xffff, v28  }
0xe8: {  	v44 =	vor.u32 $0x1380, v31;
	v28 =	vld.idx.msk [tilespmem:v43+s16+$0x0], $0xffff  }
0xe9: {  	v45 =	vadd.s32 v17, v27;
	_ =	sdelay $0x3  }
0xea: {  	[tilespmem:v44+s24+$0x0] =	vst.idx.msk $0xffff, v28  }
0xeb: {  	v46 =	vor.u32 $0x2000, v31;
	v28 =	vld.idx.msk [tilespmem:v45+s16+$0x0], $0xffff  }
0xec: {  	v47 =	vadd.s32 v18, v27;
	_ =	sdelay $0x3  }
0xed: {  	[tilespmem:v46+s24+$0x0] =	vst.idx.msk $0xffff, v28  }
0xee: {  	v48 =	vor.u32 $0x2080, v31;
	v28 =	vld.idx.msk [tilespmem:v47+s16+$0x0], $0xffff  }
0xef: {  	v49 =	vadd.s32 v19, v27;
	_ =	sdelay $0x3  }
0xf0: {  	[tilespmem:v48+s24+$0x0] =	vst.idx.msk $0xffff, v28  }
0xf1: {  	v50 =	vor.u32 $0x2100, v31;
	v28 =	vld.idx.msk [tilespmem:v49+s16+$0x0], $0xffff  }
0xf2: {  	v51 =	vadd.s32 v20, v27;
	_ =	sdelay $0x3  }
0xf3: {  	[tilespmem:v50+s24+$0x0] =	vst.idx.msk $0xffff, v28  }
0xf4: {  	v52 =	vor.u32 $0x2180, v31;
	v28 =	vld.idx.msk [tilespmem:v51+s16+$0x0], $0xffff  }
0xf5: {  	v53 =	vadd.s32 v21, v27;
	_ =	sdelay $0x3  }
0xf6: {  	[tilespmem:v52+s24+$0x0] =	vst.idx.msk $0xffff, v28  }
0xf7: {  	v54 =	vor.u32 $0x2200, v31;
	v28 =	vld.idx.msk [tilespmem:v53+s16+$0x0], $0xffff  }
0xf8: {  	v55 =	vadd.s32 v22, v27;
	_ =	sdelay $0x3  }
0xf9: {  	[tilespmem:v54+s24+$0x0] =	vst.idx.msk $0xffff, v28  }
0xfa: {  	v56 =	vor.u32 $0x2280, v31;
	v28 =	vld.idx.msk [tilespmem:v55+s16+$0x0], $0xffff  }
0xfb: {  	v57 =	vadd.s32 v23, v27;
	_ =	sdelay $0x3  }
0xfc: {  	[tilespmem:v56+s24+$0x0] =	vst.idx.msk $0xffff, v28  }
0xfd: {  	v58 =	vor.u32 $0x2300, v31;
	v28 =	vld.idx.msk [tilespmem:v57+s16+$0x0], $0xffff  }
0xfe: {  	v59 =	vadd.s32 v24, v27;
	_ =	sdelay $0x3  }
0xff: {  	[tilespmem:v58+s24+$0x0] =	vst.idx.msk $0xffff, v28  }
0x100: {  	v60 =	vor.u32 $0x2380, v31;
	v28 =	vld.idx.msk [tilespmem:v59+s16+$0x0], $0xffff  }
0x101: {  	v61 =	vadd.s32 v25, v27;
	_ =	sdelay $0x3  }
0x102: {  	[tilespmem:v60+s24+$0x0] =	vst.idx.msk $0xffff, v28  }
0x103: {  	v62 =	vor.u32 $0x3000, v31;
	v28 =	vld.idx.msk [tilespmem:v61+s16+$0x0], $0xffff  }
0x104: {  	v27 =	vadd.s32 v26, v27;
	_ =	sdelay $0x3  }
0x105: {  	s28 =	sadd.s32 $0x20, s28;
	[tilespmem:v62+s24+$0x0] =	vst.idx.msk $0xffff, v28  }
0x106: {  	p0 =	sne.s32 s28, $0x200;
	v63 =	vor.u32 $0x3080, v31;
	v27 =	vld.idx.msk [tilespmem:v27+s16+$0x0], $0xffff  }
.Ltmp3:
0x107: {  	_ = 	snop;
	(pc) =	sbr.rel @!p0 .LBB2_5-.Ltmp3, $2  }
0x108: {  	_ =	sdelay $0x2  }
0x109: {  	s26 =	sadd.s32 $0x20, s26;
	[tilespmem:v63+s24+$0x0] =	vst.idx.msk $0xffff, v27  }
.LBB2_2:
0x10a: {  	v27 =	vld [tilespmem:s26+$0x0];
	_ =	sdelay $0x4  }
0x10b: {  	vm0 =	vlt.s32 v27, $0xF41C0  }
0x10c: {  	v27 =	vnsel vm0, $0xF41C0, v27  }
0x10d: {  	(v2sf) =	vpush v27, $0x0;
	_ =	sdelay $0x3  }
0x10e: {  	(v2sf) =	vpush v27, $0x1;
	_ =	sdelay $0x6  }
0x10f: {  	(v2sf) =	vpush v27, $0x2;
	_ =	sdelay $0x3  }
0x110: {  	s29 =	spop (v2sf)  }
0x111: {  	s29 =	sand.u32 $0xFFFFF80, s29  }
0x112: {  	(v2sf) =	vpush v27, $0x3;
	s29 =	sadd.s32 s2, s29  }
0x113: {  	[tilespmem:s16], [sflag:$0x2] =	stream.strided.gather [hbm4b:s29+s8], $0xC00, s9, s8, $0x38;
	[tilespmem:$0x1E200] =	vst v63  }
0x114: {  	s31 =	spop (v2sf);
	s29 =	sadd.s32 $0x2DC780, s29  }
0x115: {  	[tilespmem:s30], [sflag:$0x2] =	stream.linear.gather [hbm4b:s29+s3], $0x100, $0x38;
	[tilespmem:$0x1E200] =	vst v63  }
0x116: {  	s29 =	sand.u32 $0xFFFFF80, s31  }
0x117: {  	s31 =	simm.s32 $0xDF00;
	s29 =	sadd.s32 s2, s29  }
0x118: {  	(v2sf) =	vpush v27, $0x4;
	[tilespmem:s31], [sflag:$0x2] =	stream.strided.gather [hbm4b:s29+s8], $0xC00, s9, s8, $0x38;
	[tilespmem:$0x1E200] =	vst v63  }
0x119: {  	s29 =	sadd.s32 $0x2DC780, s29;
	s31 =	simm.s32 $0xEB00  }
0x11a: {  	[tilespmem:s31], [sflag:$0x2] =	stream.linear.gather [hbm4b:s29+s3], $0x100, $0x38;
	[tilespmem:$0x1E200] =	vst v63  }
0x11b: {  	s31 =	spop (v2sf)  }
0x11c: {  	s29 =	sand.u32 $0xFFFFF80, s31  }
0x11d: {  	s31 =	simm.s32 $0xEC00;
	s29 =	sadd.s32 s2, s29  }
0x11e: {  	(v2sf) =	vpush v27, $0x5;
	[tilespmem:s31], [sflag:$0x2] =	stream.strided.gather [hbm4b:s29+s8], $0xC00, s9, s8, $0x38;
	[tilespmem:$0x1E200] =	vst v63  }
0x11f: {  	s29 =	sadd.s32 $0x2DC780, s29;
	s31 =	simm.s32 $0xF800  }
0x120: {  	[tilespmem:s31], [sflag:$0x2] =	stream.linear.gather [hbm4b:s29+s3], $0x100, $0x38;
	[tilespmem:$0x1E200] =	vst v63  }
0x121: {  	s31 =	spop (v2sf)  }
0x122: {  	s29 =	sand.u32 $0xFFFFF80, s31  }
0x123: {  	s31 =	simm.s32 $0xF900;
	s29 =	sadd.s32 s2, s29  }
0x124: {  	(v2sf) =	vpush v27, $0x6;
	[tilespmem:s31], [sflag:$0x2] =	stream.strided.gather [hbm4b:s29+s8], $0xC00, s9, s8, $0x38;
	[tilespmem:$0x1E200] =	vst v63  }
0x125: {  	s29 =	sadd.s32 $0x2DC780, s29;
	s31 =	simm.s32 $0x10500  }
0x126: {  	[tilespmem:s31], [sflag:$0x2] =	stream.linear.gather [hbm4b:s29+s3], $0x100, $0x38;
	[tilespmem:$0x1E200] =	vst v63  }
0x127: {  	s31 =	spop (v2sf)  }
0x128: {  	s29 =	sand.u32 $0xFFFFF80, s31  }
0x129: {  	s31 =	simm.s32 $0x10600;
	s29 =	sadd.s32 s2, s29  }
0x12a: {  	(v2sf) =	vpush v27, $0x7;
	[tilespmem:s31], [sflag:$0x2] =	stream.strided.gather [hbm4b:s29+s8], $0xC00, s9, s8, $0x38;
	[tilespmem:$0x1E200] =	vst v63  }
0x12b: {  	s29 =	sadd.s32 $0x2DC780, s29;
	s31 =	simm.s32 $0x11200  }
0x12c: {  	[tilespmem:s31], [sflag:$0x2] =	stream.linear.gather [hbm4b:s29+s3], $0x100, $0x38;
	[tilespmem:$0x1E200] =	vst v63  }
0x12d: {  	s31 =	spop (v2sf)  }
0x12e: {  	s29 =	sand.u32 $0xFFFFF80, s31  }
0x12f: {  	s31 =	simm.s32 $0x11300;
	s29 =	sadd.s32 s2, s29  }
0x130: {  	(v2sf) =	vpush v27, $0x8;
	[tilespmem:s31], [sflag:$0x2] =	stream.strided.gather [hbm4b:s29+s8], $0xC00, s9, s8, $0x38;
	[tilespmem:$0x1E200] =	vst v63  }
0x131: {  	s29 =	sadd.s32 $0x2DC780, s29;
	s31 =	simm.s32 $0x11F00  }
0x132: {  	[tilespmem:s31], [sflag:$0x2] =	stream.linear.gather [hbm4b:s29+s3], $0x100, $0x38;
	[tilespmem:$0x1E200] =	vst v63  }
0x133: {  	s31 =	spop (v2sf)  }
0x134: {  	s29 =	sand.u32 $0xFFFFF80, s31  }
0x135: {  	s31 =	simm.s32 $0x12000;
	s29 =	sadd.s32 s2, s29  }
0x136: {  	(v2sf) =	vpush v27, $0x9;
	[tilespmem:s31], [sflag:$0x2] =	stream.strided.gather [hbm4b:s29+s8], $0xC00, s9, s8, $0x38;
	[tilespmem:$0x1E200] =	vst v63  }
0x137: {  	s29 =	sadd.s32 $0x2DC780, s29;
	s31 =	simm.s32 $0x12C00  }
0x138: {  	[tilespmem:s31], [sflag:$0x2] =	stream.linear.gather [hbm4b:s29+s3], $0x100, $0x38;
	[tilespmem:$0x1E200] =	vst v63  }
0x139: {  	s31 =	spop (v2sf)  }
0x13a: {  	s29 =	sand.u32 $0xFFFFF80, s31  }
0x13b: {  	s31 =	simm.s32 $0x12D00;
	s29 =	sadd.s32 s2, s29  }
0x13c: {  	(v2sf) =	vpush v27, $0xA;
	[tilespmem:s31], [sflag:$0x2] =	stream.strided.gather [hbm4b:s29+s8], $0xC00, s9, s8, $0x38;
	[tilespmem:$0x1E200] =	vst v63  }
0x13d: {  	s29 =	sadd.s32 $0x2DC780, s29  }
0x13e: {  	[tilespmem:s0], [sflag:$0x2] =	stream.linear.gather [hbm4b:s29+s3], $0x100, $0x38;
	[tilespmem:$0x1E200] =	vst v63  }
0x13f: {  	s31 =	spop (v2sf)  }
0x140: {  	s29 =	sand.u32 $0xFFFFF80, s31  }
0x141: {  	s29 =	sadd.s32 s2, s29  }
0x142: {  	(v2sf) =	vpush v27, $0xB;
	[tilespmem:s1], [sflag:$0x2] =	stream.strided.gather [hbm4b:s29+s8], $0xC00, s9, s8, $0x38;
	[tilespmem:$0x1E200] =	vst v63  }
0x143: {  	s29 =	sadd.s32 $0x2DC780, s29  }
0x144: {  	[tilespmem:s4], [sflag:$0x2] =	stream.linear.gather [hbm4b:s29+s3], $0x100, $0x38;
	[tilespmem:$0x1E200] =	vst v63  }
0x145: {  	s31 =	spop (v2sf)  }
0x146: {  	s29 =	sand.u32 $0xFFFFF80, s31  }
0x147: {  	s29 =	sadd.s32 s2, s29  }
0x148: {  	(v2sf) =	vpush v27, $0xC;
	[tilespmem:s5], [sflag:$0x2] =	stream.strided.gather [hbm4b:s29+s8], $0xC00, s9, s8, $0x38;
	[tilespmem:$0x1E200] =	vst v63  }
0x149: {  	s29 =	sadd.s32 $0x2DC780, s29  }
0x14a: {  	[tilespmem:s6], [sflag:$0x2] =	stream.linear.gather [hbm4b:s29+s3], $0x100, $0x38;
	[tilespmem:$0x1E200] =	vst v63  }
0x14b: {  	s31 =	spop (v2sf)  }
0x14c: {  	s29 =	sand.u32 $0xFFFFF80, s31  }
0x14d: {  	s29 =	sadd.s32 s2, s29  }
0x14e: {  	(v2sf) =	vpush v27, $0xD;
	[tilespmem:s7], [sflag:$0x2] =	stream.strided.gather [hbm4b:s29+s8], $0xC00, s9, s8, $0x38;
	[tilespmem:$0x1E200] =	vst v63  }
0x14f: {  	s29 =	sadd.s32 $0x2DC780, s29  }
0x150: {  	[tilespmem:s11], [sflag:$0x2] =	stream.linear.gather [hbm4b:s29+s3], $0x100, $0x38;
	[tilespmem:$0x1E200] =	vst v63  }
0x151: {  	s31 =	spop (v2sf)  }
0x152: {  	s29 =	sand.u32 $0xFFFFF80, s31  }
0x153: {  	s29 =	sadd.s32 s2, s29  }
0x154: {  	(v2sf) =	vpush v27, $0xE;
	[tilespmem:s12], [sflag:$0x2] =	stream.strided.gather [hbm4b:s29+s8], $0xC00, s9, s8, $0x38;
	[tilespmem:$0x1E200] =	vst v63  }
0x155: {  	s29 =	sadd.s32 $0x2DC780, s29  }
0x156: {  	[tilespmem:s13], [sflag:$0x2] =	stream.linear.gather [hbm4b:s29+s3], $0x100, $0x38;
	[tilespmem:$0x1E200] =	vst v63  }
0x157: {  	s31 =	spop (v2sf)  }
0x158: {  	s29 =	sand.u32 $0xFFFFF80, s31  }
0x159: {  	s29 =	sadd.s32 s2, s29  }
0x15a: {  	(v2sf) =	vpush v27, $0xF;
	[tilespmem:s14], [sflag:$0x2] =	stream.strided.gather [hbm4b:s29+s8], $0xC00, s9, s8, $0x38;
	[tilespmem:$0x1E200] =	vst v63  }
0x15b: {  	s29 =	sadd.s32 $0x2DC780, s29  }
0x15c: {  	[tilespmem:s15], [sflag:$0x2] =	stream.linear.gather [hbm4b:s29+s3], $0x100, $0x38;
	[tilespmem:$0x1E200] =	vst v63  }
0x15d: {  	s31 =	spop (v2sf)  }
0x15e: {  	s29 =	sand.u32 $0xFFFFF80, s31  }
0x15f: {  	s29 =	sadd.s32 s2, s29  }
0x160: {  	[tilespmem:s17], [sflag:$0x2] =	stream.strided.gather [hbm4b:s29+s8], $0xC00, s9, s8, $0x38;
	[tilespmem:$0x1E200] =	vst v63  }
0x161: {  	s29 =	sadd.s32 $0x2DC780, s29  }
0x162: {  	[tilespmem:s18], [sflag:$0x2] =	stream.linear.gather [hbm4b:s29+s3], $0x100, $0x38;
	[tilespmem:$0x1E200] =	vst v63  }
0x163: {  	s31 =	spop (v2sf)  }
0x164: {  	s29 =	sand.u32 $0xFFFFF80, s31  }
0x165: {  	s29 =	sadd.s32 s2, s29  }
0x166: {  	[tilespmem:s19], [sflag:$0x2] =	stream.strided.gather [hbm4b:s29+s8], $0xC00, s9, s8, $0x38;
	[tilespmem:$0x1E200] =	vst v63  }
0x167: {  	s29 =	sadd.s32 $0x2DC780, s29  }
0x168: {  	[tilespmem:s20], [sflag:$0x2] =	stream.linear.gather [hbm4b:s29+s3], $0x100, $0x38;
	[tilespmem:$0x1E200] =	vst v63  }
0x169: {  	s31 =	spop (v2sf)  }
0x16a: {  	s29 =	sand.u32 $0xFFFFF80, s31  }
0x16b: {  	s29 =	sadd.s32 s2, s29  }
0x16c: {  	[tilespmem:s21], [sflag:$0x2] =	stream.strided.gather [hbm4b:s29+s8], $0xC00, s9, s8, $0x38;
	[tilespmem:$0x1E200] =	vst v63  }
0x16d: {  	s29 =	sadd.s32 $0x2DC780, s29  }
0x16e: {  	[tilespmem:s22], [sflag:$0x2] =	stream.linear.gather [hbm4b:s29+s3], $0x100, $0x38;
	[tilespmem:$0x1E200] =	vst v63  }
0x16f: {  	_ =	swait.ge [sflag:s23], $0xD00  }
0x170: {  	[sflag:s23] =	ssyncset.done $0x0  }
0x171: {  	[sflag:s23] =	ssyncadd.s32 $0xFFFFF300  }
0x172: {  	_ =	swait.ge [sflag:s23], $0xD00  }
0x173: {  	[sflag:s23] =	ssyncset.done $0x0  }
0x174: {  	[sflag:s23] =	ssyncadd.s32 $0xFFFFF300  }
0x175: {  	_ =	swait.ge [sflag:s23], $0xD00  }
0x176: {  	[sflag:s23] =	ssyncset.done $0x0  }
0x177: {  	[sflag:s23] =	ssyncadd.s32 $0xFFFFF300  }
0x178: {  	_ =	swait.ge [sflag:s23], $0xD00  }
0x179: {  	[sflag:s23] =	ssyncset.done $0x0  }
0x17a: {  	[sflag:s23] =	ssyncadd.s32 $0xFFFFF300  }
0x17b: {  	_ =	swait.ge [sflag:s23], $0xD00  }
0x17c: {  	[sflag:s23] =	ssyncset.done $0x0  }
0x17d: {  	[sflag:s23] =	ssyncadd.s32 $0xFFFFF300  }
0x17e: {  	_ =	swait.ge [sflag:s23], $0xD00  }
0x17f: {  	[sflag:s23] =	ssyncset.done $0x0  }
0x180: {  	[sflag:s23] =	ssyncadd.s32 $0xFFFFF300  }
0x181: {  	_ =	swait.ge [sflag:s23], $0xD00  }
0x182: {  	[sflag:s23] =	ssyncset.done $0x0  }
0x183: {  	[sflag:s23] =	ssyncadd.s32 $0xFFFFF300  }
0x184: {  	_ =	swait.ge [sflag:s23], $0xD00  }
0x185: {  	[sflag:s23] =	ssyncset.done $0x0  }
0x186: {  	[sflag:s23] =	ssyncadd.s32 $0xFFFFF300  }
0x187: {  	_ =	swait.ge [sflag:s23], $0xD00  }
0x188: {  	[sflag:s23] =	ssyncset.done $0x0  }
0x189: {  	[sflag:s23] =	ssyncadd.s32 $0xFFFFF300  }
0x18a: {  	_ =	swait.ge [sflag:s23], $0xD00  }
0x18b: {  	[sflag:s23] =	ssyncset.done $0x0  }
0x18c: {  	[sflag:s23] =	ssyncadd.s32 $0xFFFFF300  }
0x18d: {  	_ =	swait.ge [sflag:s23], $0xD00  }
0x18e: {  	[sflag:s23] =	ssyncset.done $0x0  }
0x18f: {  	[sflag:s23] =	ssyncadd.s32 $0xFFFFF300  }
0x190: {  	_ =	swait.ge [sflag:s23], $0xD00  }
0x191: {  	[sflag:s23] =	ssyncset.done $0x0  }
0x192: {  	[sflag:s23] =	ssyncadd.s32 $0xFFFFF300  }
0x193: {  	_ =	swait.ge [sflag:s23], $0xD00  }
0x194: {  	[sflag:s23] =	ssyncset.done $0x0  }
0x195: {  	[sflag:s23] =	ssyncadd.s32 $0xFFFFF300  }
0x196: {  	_ =	swait.ge [sflag:s23], $0xD00  }
0x197: {  	[sflag:s23] =	ssyncset.done $0x0  }
0x198: {  	[sflag:s23] =	ssyncadd.s32 $0xFFFFF300  }
0x199: {  	_ =	swait.ge [sflag:s23], $0xD00  }
0x19a: {  	[sflag:s23] =	ssyncset.done $0x0  }
0x19b: {  	[sflag:s23] =	ssyncadd.s32 $0xFFFFF300  }
0x19c: {  	_ =	swait.ge [sflag:s23], $0xD00  }
0x19d: {  	[sflag:s23] =	ssyncset.done $0x0  }
0x19e: {  	[sflag:s23] =	ssyncadd.s32 $0xFFFFF300  }
0x19f: {  	v27 =	vld [tilespmem:s26+$0xFFFFFFF0];
	_ =	sdelay $0x4  }
0x1a0: {  	v28 =	vand.u32 $0xFFFFFF80, v27  }
0x1a1: {  	vm15 =	vlt.s32 v28, $0xF41C0  }
0x1a2: {  	v28 =	vnsel vm15, $0xF41C0, v28  }
0x1a3: {  	v27 =	vsub.s32 v27, v28  }
0x1a4: {  	v28 =	vadd.s32 v1, v27;
	_ =	sdelay $0x1  }
0x1a5: {  	v29 =	vmov s28  }
0x1a6: {  	v30 =	vor.u32 s28, v0;
	v29 =	vshll.u32 v29, $0x3  }
0x1a7: {  	v30 =	vand.u32 $0x6F, v30;
	v31 =	vand.u32 $0xC00, v29  }
0x1a8: {  	v31 =	vor.u32 v30, v31;
	v28 =	vld.idx.msk [tilespmem:v28+s10+$0x0], $0xffff  }
0x1a9: {  	v32 =	vadd.s32 v2, v27;
	_ =	sdelay $0x3  }
0x1aa: {  	[tilespmem:v31+s24+$0x0] =	vst.idx.msk $0xffff, v28  }
0x1ab: {  	v46 =	vor.u32 $0x80, v31;
	v28 =	vld.idx.msk [tilespmem:v32+s10+$0x0], $0xffff  }
0x1ac: {  	v33 =	vadd.s32 v3, v27;
	_ =	sdelay $0x3  }
0x1ad: {  	[tilespmem:v46+s24+$0x0] =	vst.idx.msk $0xffff, v28  }
0x1ae: {  	v47 =	vor.u32 $0x100, v31;
	v28 =	vld.idx.msk [tilespmem:v33+s10+$0x0], $0xffff  }
0x1af: {  	v48 =	vadd.s32 v4, v27;
	_ =	sdelay $0x3  }
0x1b0: {  	[tilespmem:v47+s24+$0x0] =	vst.idx.msk $0xffff, v28  }
0x1b1: {  	v49 =	vor.u32 $0x180, v31;
	v28 =	vld.idx.msk [tilespmem:v48+s10+$0x0], $0xffff  }
0x1b2: {  	v50 =	vadd.s32 v5, v27;
	_ =	sdelay $0x3  }
0x1b3: {  	[tilespmem:v49+s24+$0x0] =	vst.idx.msk $0xffff, v28  }
0x1b4: {  	v51 =	vor.u32 $0x200, v31;
	v28 =	vld.idx.msk [tilespmem:v50+s10+$0x0], $0xffff  }
0x1b5: {  	v52 =	vadd.s32 v6, v27;
	_ =	sdelay $0x3  }
0x1b6: {  	[tilespmem:v51+s24+$0x0] =	vst.idx.msk $0xffff, v28  }
0x1b7: {  	v53 =	vor.u32 $0x280, v31;
	v28 =	vld.idx.msk [tilespmem:v52+s10+$0x0], $0xffff  }
0x1b8: {  	v54 =	vadd.s32 v7, v27;
	_ =	sdelay $0x3  }
0x1b9: {  	[tilespmem:v53+s24+$0x0] =	vst.idx.msk $0xffff, v28;
	v28 =	vor.u32 v29, v30  }
0x1ba: {  	v55 =	vld.idx.msk [tilespmem:v54+s10+$0x0], $0xffff;
	v30 =	vor.u32 $0x300, v28  }
0x1bb: {  	v56 =	vadd.s32 v8, v27;
	_ =	sdelay $0x3  }
0x1bc: {  	[tilespmem:v30+s24+$0x0] =	vst.idx.msk $0xffff, v55  }
0x1bd: {  	v57 =	vor.u32 $0x380, v28;
	v29 =	vld.idx.msk [tilespmem:v56+s10+$0x0], $0xffff  }
0x1be: {  	v58 =	vadd.s32 v9, v27;
	_ =	sdelay $0x3  }
0x1bf: {  	[tilespmem:v57+s24+$0x0] =	vst.idx.msk $0xffff, v29  }
0x1c0: {  	v59 =	vor.u32 $0x1000, v31;
	v29 =	vld.idx.msk [tilespmem:v58+s10+$0x0], $0xffff  }
0x1c1: {  	v60 =	vadd.s32 v10, v27;
	_ =	sdelay $0x3  }
0x1c2: {  	[tilespmem:v59+s24+$0x0] =	vst.idx.msk $0xffff, v29  }
0x1c3: {  	v61 =	vor.u32 $0x1080, v31;
	v29 =	vld.idx.msk [tilespmem:v60+s10+$0x0], $0xffff  }
0x1c4: {  	v62 =	vadd.s32 v11, v27;
	_ =	sdelay $0x3  }
0x1c5: {  	[tilespmem:v61+s24+$0x0] =	vst.idx.msk $0xffff, v29  }
0x1c6: {  	v63 =	vor.u32 $0x1100, v31;
	v29 =	vld.idx.msk [tilespmem:v62+s10+$0x0], $0xffff  }
0x1c7: {  	v36 =	vadd.s32 v12, v27;
	_ =	sdelay $0x3  }
0x1c8: {  	[tilespmem:v63+s24+$0x0] =	vst.idx.msk $0xffff, v29  }
0x1c9: {  	v37 =	vor.u32 $0x1180, v31;
	v29 =	vld.idx.msk [tilespmem:v36+s10+$0x0], $0xffff  }
0x1ca: {  	v38 =	vadd.s32 v13, v27;
	_ =	sdelay $0x3  }
0x1cb: {  	[tilespmem:v37+s24+$0x0] =	vst.idx.msk $0xffff, v29  }
0x1cc: {  	v39 =	vor.u32 $0x1200, v31;
	v29 =	vld.idx.msk [tilespmem:v38+s10+$0x0], $0xffff  }
0x1cd: {  	v40 =	vadd.s32 v14, v27;
	_ =	sdelay $0x3  }
0x1ce: {  	[tilespmem:v39+s24+$0x0] =	vst.idx.msk $0xffff, v29  }
0x1cf: {  	v41 =	vor.u32 $0x1280, v31;
	v29 =	vld.idx.msk [tilespmem:v40+s10+$0x0], $0xffff  }
0x1d0: {  	v42 =	vadd.s32 v15, v27;
	_ =	sdelay $0x3  }
0x1d1: {  	[tilespmem:v41+s24+$0x0] =	vst.idx.msk $0xffff, v29  }
0x1d2: {  	v43 =	vor.u32 $0x1300, v28;
	v29 =	vld.idx.msk [tilespmem:v42+s10+$0x0], $0xffff  }
0x1d3: {  	v44 =	vadd.s32 v16, v27;
	_ =	sdelay $0x3  }
0x1d4: {  	[tilespmem:v43+s24+$0x0] =	vst.idx.msk $0xffff, v29  }
0x1d5: {  	v45 =	vor.u32 $0x1380, v28;
	v29 =	vld.idx.msk [tilespmem:v44+s10+$0x0], $0xffff  }
0x1d6: {  	v46 =	vadd.s32 v17, v27;
	_ =	sdelay $0x3  }
0x1d7: {  	[tilespmem:v45+s24+$0x0] =	vst.idx.msk $0xffff, v29  }
0x1d8: {  	v47 =	vor.u32 $0x2000, v31;
	v29 =	vld.idx.msk [tilespmem:v46+s10+$0x0], $0xffff  }
0x1d9: {  	v48 =	vadd.s32 v18, v27;
	_ =	sdelay $0x3  }
0x1da: {  	[tilespmem:v47+s24+$0x0] =	vst.idx.msk $0xffff, v29  }
0x1db: {  	v49 =	vor.u32 $0x2080, v31;
	v29 =	vld.idx.msk [tilespmem:v48+s10+$0x0], $0xffff  }
0x1dc: {  	v50 =	vadd.s32 v19, v27;
	_ =	sdelay $0x3  }
0x1dd: {  	[tilespmem:v49+s24+$0x0] =	vst.idx.msk $0xffff, v29  }
0x1de: {  	v51 =	vor.u32 $0x2100, v31;
	v29 =	vld.idx.msk [tilespmem:v50+s10+$0x0], $0xffff  }
0x1df: {  	v52 =	vadd.s32 v20, v27;
	_ =	sdelay $0x3  }
0x1e0: {  	[tilespmem:v51+s24+$0x0] =	vst.idx.msk $0xffff, v29  }
0x1e1: {  	v53 =	vor.u32 $0x2180, v31;
	v29 =	vld.idx.msk [tilespmem:v52+s10+$0x0], $0xffff  }
0x1e2: {  	v54 =	vadd.s32 v21, v27;
	_ =	sdelay $0x3  }
0x1e3: {  	[tilespmem:v53+s24+$0x0] =	vst.idx.msk $0xffff, v29  }
0x1e4: {  	v55 =	vor.u32 $0x2200, v31;
	v29 =	vld.idx.msk [tilespmem:v54+s10+$0x0], $0xffff  }
0x1e5: {  	v56 =	vadd.s32 v22, v27;
	_ =	sdelay $0x3  }
0x1e6: {  	[tilespmem:v55+s24+$0x0] =	vst.idx.msk $0xffff, v29  }
0x1e7: {  	v57 =	vor.u32 $0x2280, v31;
	v29 =	vld.idx.msk [tilespmem:v56+s10+$0x0], $0xffff  }
0x1e8: {  	v58 =	vadd.s32 v23, v27;
	_ =	sdelay $0x3  }
0x1e9: {  	[tilespmem:v57+s24+$0x0] =	vst.idx.msk $0xffff, v29  }
0x1ea: {  	v59 =	vor.u32 $0x2300, v28;
	v29 =	vld.idx.msk [tilespmem:v58+s10+$0x0], $0xffff  }
0x1eb: {  	v60 =	vadd.s32 v24, v27;
	_ =	sdelay $0x3  }
0x1ec: {  	[tilespmem:v59+s24+$0x0] =	vst.idx.msk $0xffff, v29  }
0x1ed: {  	v28 =	vor.u32 $0x2380, v28;
	v29 =	vld.idx.msk [tilespmem:v60+s10+$0x0], $0xffff  }
0x1ee: {  	v61 =	vadd.s32 v25, v27;
	_ =	sdelay $0x3  }
0x1ef: {  	[tilespmem:v28+s24+$0x0] =	vst.idx.msk $0xffff, v29  }
0x1f0: {  	v62 =	vor.u32 $0x3000, v31;
	v28 =	vld.idx.msk [tilespmem:v61+s10+$0x0], $0xffff  }
0x1f1: {  	v27 =	vadd.s32 v26, v27;
	_ =	sdelay $0x3  }
0x1f2: {  	[tilespmem:v62+s24+$0x0] =	vst.idx.msk $0xffff, v28  }
0x1f3: {  	p0 =	seq.s32 s28, $0x1E0;
	v63 =	vor.u32 $0x3080, v31;
	v27 =	vld.idx.msk [tilespmem:v27+s10+$0x0], $0xffff  }
.Ltmp4:
0x1f4: {  	_ = 	snop;
	(pc) =	sbr.rel @p0 .LBB2_4-.Ltmp4, $2  }
0x1f5: {  	_ =	sdelay $0x2  }
0x1f6: {  	[tilespmem:v63+s24+$0x0] =	vst.idx.msk $0xffff, v27  }
0x1f7: {  	v27 =	vld [tilespmem:s26+$0x10];
	_ =	sdelay $0x4  }
0x1f8: {  	vm0 =	vlt.s32 v27, $0xF41C0  }
0x1f9: {  	v27 =	vnsel vm0, $0xF41C0, v27  }
0x1fa: {  	(v2sf) =	vpush v27, $0x0;
	_ =	sdelay $0x3  }
0x1fb: {  	(v2sf) =	vpush v27, $0x1;
	_ =	sdelay $0x4  }
0x1fc: {  	(v2sf) =	vpush v27, $0x2;
	_ =	sdelay $0x5  }
0x1fd: {  	s29 =	spop (v2sf)  }
0x1fe: {  	(v2sf) =	vpush v27, $0x3;
	s29 =	sand.u32 $0xFFFFF80, s29  }
0x1ff: {  	s29 =	sadd.s32 s2, s29  }
0x200: {  	[tilespmem:s10], [sflag:$0x1] =	stream.strided.gather [hbm4b:s29+s8], $0xC00, s9, s8, $0x38;
	[tilespmem:$0x1E200] =	vst v63  }
0x201: {  	s30 =	simm.s32 $0xE00;
	s31 =	spop (v2sf);
	s29 =	sadd.s32 $0x2DC780, s29  }
0x202: {  	(v2sf) =	vpush v27, $0x4;
	[tilespmem:s30], [sflag:$0x1] =	stream.linear.gather [hbm4b:s29+s3], $0x100, $0x38;
	[tilespmem:$0x1E200] =	vst v63  }
0x203: {  	s29 =	sand.u32 $0xFFFFF80, s31  }
0x204: {  	s30 =	simm.s32 $0xF00;
	s29 =	sadd.s32 s2, s29  }
0x205: {  	[tilespmem:s30], [sflag:$0x1] =	stream.strided.gather [hbm4b:s29+s8], $0xC00, s9, s8, $0x38;
	[tilespmem:$0x1E200] =	vst v63  }
0x206: {  	s31 =	spop (v2sf);
	s29 =	sadd.s32 $0x2DC780, s29;
	s30 =	simm.s32 $0x1B00  }
0x207: {  	(v2sf) =	vpush v27, $0x5;
	[tilespmem:s30], [sflag:$0x1] =	stream.linear.gather [hbm4b:s29+s3], $0x100, $0x38;
	[tilespmem:$0x1E200] =	vst v63  }
0x208: {  	s29 =	sand.u32 $0xFFFFF80, s31  }
0x209: {  	s30 =	simm.s32 $0x1C00;
	s29 =	sadd.s32 s2, s29  }
0x20a: {  	[tilespmem:s30], [sflag:$0x1] =	stream.strided.gather [hbm4b:s29+s8], $0xC00, s9, s8, $0x38;
	[tilespmem:$0x1E200] =	vst v63  }
0x20b: {  	s29 =	sadd.s32 $0x2DC780, s29;
	s30 =	simm.s32 $0x2800  }
0x20c: {  	[tilespmem:s30], [sflag:$0x1] =	stream.linear.gather [hbm4b:s29+s3], $0x100, $0x38;
	[tilespmem:$0x1E200] =	vst v63  }
0x20d: {  	s31 =	spop (v2sf)  }
0x20e: {  	(v2sf) =	vpush v27, $0x6;
	s29 =	sand.u32 $0xFFFFF80, s31  }
0x20f: {  	s30 =	simm.s32 $0x2900;
	s29 =	sadd.s32 s2, s29  }
0x210: {  	[tilespmem:s30], [sflag:$0x1] =	stream.strided.gather [hbm4b:s29+s8], $0xC00, s9, s8, $0x38;
	[tilespmem:$0x1E200] =	vst v63  }
0x211: {  	s31 =	spop (v2sf);
	s29 =	sadd.s32 $0x2DC780, s29;
	s30 =	simm.s32 $0x3500  }
0x212: {  	(v2sf) =	vpush v27, $0x7;
	[tilespmem:s30], [sflag:$0x1] =	stream.linear.gather [hbm4b:s29+s3], $0x100, $0x38;
	[tilespmem:$0x1E200] =	vst v63  }
0x213: {  	s29 =	sand.u32 $0xFFFFF80, s31  }
0x214: {  	s30 =	simm.s32 $0x3600;
	s29 =	sadd.s32 s2, s29  }
0x215: {  	[tilespmem:s30], [sflag:$0x1] =	stream.strided.gather [hbm4b:s29+s8], $0xC00, s9, s8, $0x38;
	[tilespmem:$0x1E200] =	vst v63  }
0x216: {  	s31 =	spop (v2sf);
	s29 =	sadd.s32 $0x2DC780, s29;
	s30 =	simm.s32 $0x4200  }
0x217: {  	(v2sf) =	vpush v27, $0x8;
	[tilespmem:s30], [sflag:$0x1] =	stream.linear.gather [hbm4b:s29+s3], $0x100, $0x38;
	[tilespmem:$0x1E200] =	vst v63  }
0x218: {  	s29 =	sand.u32 $0xFFFFF80, s31  }
0x219: {  	s30 =	simm.s32 $0x4300;
	s29 =	sadd.s32 s2, s29  }
0x21a: {  	[tilespmem:s30], [sflag:$0x1] =	stream.strided.gather [hbm4b:s29+s8], $0xC00, s9, s8, $0x38;
	[tilespmem:$0x1E200] =	vst v63  }
0x21b: {  	s29 =	sadd.s32 $0x2DC780, s29;
	s30 =	simm.s32 $0x4F00  }
0x21c: {  	[tilespmem:s30], [sflag:$0x1] =	stream.linear.gather [hbm4b:s29+s3], $0x100, $0x38;
	[tilespmem:$0x1E200] =	vst v63  }
0x21d: {  	s31 =	spop (v2sf)  }
0x21e: {  	(v2sf) =	vpush v27, $0x9;
	s29 =	sand.u32 $0xFFFFF80, s31  }
0x21f: {  	s30 =	simm.s32 $0x5000;
	s29 =	sadd.s32 s2, s29  }
0x220: {  	[tilespmem:s30], [sflag:$0x1] =	stream.strided.gather [hbm4b:s29+s8], $0xC00, s9, s8, $0x38;
	[tilespmem:$0x1E200] =	vst v63  }
0x221: {  	s31 =	spop (v2sf);
	s29 =	sadd.s32 $0x2DC780, s29;
	s30 =	simm.s32 $0x5C00  }
0x222: {  	(v2sf) =	vpush v27, $0xA;
	[tilespmem:s30], [sflag:$0x1] =	stream.linear.gather [hbm4b:s29+s3], $0x100, $0x38;
	[tilespmem:$0x1E200] =	vst v63  }
0x223: {  	s29 =	sand.u32 $0xFFFFF80, s31  }
0x224: {  	s30 =	simm.s32 $0x5D00;
	s29 =	sadd.s32 s2, s29  }
0x225: {  	[tilespmem:s30], [sflag:$0x1] =	stream.strided.gather [hbm4b:s29+s8], $0xC00, s9, s8, $0x38;
	[tilespmem:$0x1E200] =	vst v63  }
0x226: {  	s31 =	spop (v2sf);
	s29 =	sadd.s32 $0x2DC780, s29;
	s30 =	simm.s32 $0x6900  }
0x227: {  	(v2sf) =	vpush v27, $0xB;
	[tilespmem:s30], [sflag:$0x1] =	stream.linear.gather [hbm4b:s29+s3], $0x100, $0x38;
	[tilespmem:$0x1E200] =	vst v63  }
0x228: {  	s29 =	sand.u32 $0xFFFFF80, s31  }
0x229: {  	s30 =	simm.s32 $0x6A00;
	s29 =	sadd.s32 s2, s29  }
0x22a: {  	[tilespmem:s30], [sflag:$0x1] =	stream.strided.gather [hbm4b:s29+s8], $0xC00, s9, s8, $0x38;
	[tilespmem:$0x1E200] =	vst v63  }
0x22b: {  	s29 =	sadd.s32 $0x2DC780, s29;
	s30 =	simm.s32 $0x7600  }
0x22c: {  	[tilespmem:s30], [sflag:$0x1] =	stream.linear.gather [hbm4b:s29+s3], $0x100, $0x38;
	[tilespmem:$0x1E200] =	vst v63  }
0x22d: {  	s31 =	spop (v2sf)  }
0x22e: {  	(v2sf) =	vpush v27, $0xC;
	s29 =	sand.u32 $0xFFFFF80, s31  }
0x22f: {  	s30 =	simm.s32 $0x7700;
	s29 =	sadd.s32 s2, s29  }
0x230: {  	[tilespmem:s30], [sflag:$0x1] =	stream.strided.gather [hbm4b:s29+s8], $0xC00, s9, s8, $0x38;
	[tilespmem:$0x1E200] =	vst v63  }
0x231: {  	s31 =	spop (v2sf);
	s29 =	sadd.s32 $0x2DC780, s29;
	s30 =	simm.s32 $0x8300  }
0x232: {  	(v2sf) =	vpush v27, $0xD;
	[tilespmem:s30], [sflag:$0x1] =	stream.linear.gather [hbm4b:s29+s3], $0x100, $0x38;
	[tilespmem:$0x1E200] =	vst v63  }
0x233: {  	s29 =	sand.u32 $0xFFFFF80, s31  }
0x234: {  	s30 =	simm.s32 $0x8400;
	s29 =	sadd.s32 s2, s29  }
0x235: {  	[tilespmem:s30], [sflag:$0x1] =	stream.strided.gather [hbm4b:s29+s8], $0xC00, s9, s8, $0x38;
	[tilespmem:$0x1E200] =	vst v63  }
0x236: {  	s31 =	spop (v2sf);
	s29 =	sadd.s32 $0x2DC780, s29;
	s30 =	simm.s32 $0x9000  }
0x237: {  	(v2sf) =	vpush v27, $0xE;
	[tilespmem:s30], [sflag:$0x1] =	stream.linear.gather [hbm4b:s29+s3], $0x100, $0x38;
	[tilespmem:$0x1E200] =	vst v63  }
0x238: {  	s29 =	sand.u32 $0xFFFFF80, s31  }
0x239: {  	s30 =	simm.s32 $0x9100;
	s29 =	sadd.s32 s2, s29  }
0x23a: {  	[tilespmem:s30], [sflag:$0x1] =	stream.strided.gather [hbm4b:s29+s8], $0xC00, s9, s8, $0x38;
	[tilespmem:$0x1E200] =	vst v63  }
0x23b: {  	s29 =	sadd.s32 $0x2DC780, s29;
	s30 =	simm.s32 $0x9D00  }
0x23c: {  	[tilespmem:s30], [sflag:$0x1] =	stream.linear.gather [hbm4b:s29+s3], $0x100, $0x38;
	[tilespmem:$0x1E200] =	vst v63  }
0x23d: {  	s31 =	spop (v2sf)  }
0x23e: {  	(v2sf) =	vpush v27, $0xF;
	s29 =	sand.u32 $0xFFFFF80, s31  }
0x23f: {  	s30 =	simm.s32 $0x9E00;
	s29 =	sadd.s32 s2, s29  }
0x240: {  	[tilespmem:s30], [sflag:$0x1] =	stream.strided.gather [hbm4b:s29+s8], $0xC00, s9, s8, $0x38;
	[tilespmem:$0x1E200] =	vst v63  }
0x241: {  	s31 =	spop (v2sf);
	s29 =	sadd.s32 $0x2DC780, s29;
	s30 =	simm.s32 $0xAA00  }
0x242: {  	[tilespmem:s30], [sflag:$0x1] =	stream.linear.gather [hbm4b:s29+s3], $0x100, $0x38;
	[tilespmem:$0x1E200] =	vst v63  }
0x243: {  	s29 =	sand.u32 $0xFFFFF80, s31  }
0x244: {  	s30 =	simm.s32 $0xAB00;
	s29 =	sadd.s32 s2, s29  }
0x245: {  	[tilespmem:s30], [sflag:$0x1] =	stream.strided.gather [hbm4b:s29+s8], $0xC00, s9, s8, $0x38;
	[tilespmem:$0x1E200] =	vst v63  }
0x246: {  	s31 =	spop (v2sf);
	s29 =	sadd.s32 $0x2DC780, s29;
	s30 =	simm.s32 $0xB700  }
0x247: {  	[tilespmem:s30], [sflag:$0x1] =	stream.linear.gather [hbm4b:s29+s3], $0x100, $0x38;
	[tilespmem:$0x1E200] =	vst v63  }
0x248: {  	s29 =	sand.u32 $0xFFFFF80, s31  }
0x249: {  	s30 =	simm.s32 $0xB800;
	s29 =	sadd.s32 s2, s29  }
0x24a: {  	[tilespmem:s30], [sflag:$0x1] =	stream.strided.gather [hbm4b:s29+s8], $0xC00, s9, s8, $0x38;
	[tilespmem:$0x1E200] =	vst v63  }
0x24b: {  	s29 =	sadd.s32 $0x2DC780, s29;
	s30 =	simm.s32 $0xC400  }
0x24c: {  	[tilespmem:s30], [sflag:$0x1] =	stream.linear.gather [hbm4b:s29+s3], $0x100, $0x38;
	[tilespmem:$0x1E200] =	vst v63  }
0x24d: {  	s31 =	spop (v2sf)  }
0x24e: {  	s29 =	sand.u32 $0xFFFFF80, s31  }
.Ltmp5:
0x24f: {  	s30 =	simm.s32 $0xC500;
	s29 =	sadd.s32 s2, s29;
	(pc) =	sbr.rel .LBB2_4-.Ltmp5, $4  }
0x250: {  	[tilespmem:s30], [sflag:$0x1] =	stream.strided.gather [hbm4b:s29+s8], $0xC00, s9, s8, $0x38;
	[tilespmem:$0x1E200] =	vst v63  }
0x251: {  	s29 =	sadd.s32 $0x2DC780, s29;
	s30 =	simm.s32 $0xD100  }
0x252: {  	[tilespmem:s30], [sflag:$0x1] =	stream.linear.gather [hbm4b:s29+s3], $0x100, $0x38;
	[tilespmem:$0x1E200] =	vst v63  }
0x253: {  	s30 =	simm.s32 $0xDE00  }
.LBB2_6:
0x254: {  	_ =	sfence.sel $0x180000  }
0x255: {  	[bflag:$0x0] =	sbarrier.arrive $0xFFFF  }
0x256: {  	_ =	strace $0x90000047  }
0x257: {  	s0 =	stileid.u32;
	[bflag:$0x2] =	sbarrier.arrive $0xFFFF  }
0x258: {  	p0 =	sne.s32 s0, $0x0;
	s0 =	rddreg [dreg:$0x3]  }
0x259: {  	s0 =	sadd.s32 @!p0 $0x100000, s0  }
0x25a: {  	[sflag:s0] =	ssyncadd.tile.s32 @!p0 $0x1;
	_ =	shalt  }
.Lfunc_end2:
_tile_overlayer_lowered:
.L_overlay_start_2:
0x25b: {  	(tag) =	ssettag $0x2  }
0x25c: {  	s0 =	rddreg [dreg:$0x0];
	s2 =	stileid.u32  }
0x25d: {  	s1 =	rddreg [dreg:$0x1];
	p0 =	sne.s32 s2, $0x0  }
0x25e: {  	s3 =	rddreg [dreg:$0x2];
	[bflag:$0x3] =	sbarrier.arrive $0xFFFF;
	s2 =	simm.s32 @!p0 $0x1C03  }
0x25f: {  	[timem:s3], [sflag:s2] =	dma.local @!p0 [hbm:s0], s1  }
0x260: {  	s0 =	simm.s32 @!p0 $0x3  }
0x261: {  	_ =	swait.ge @!p0 [sflag:s0], s1  }
0x262: {  	s1 =	ssub.s32 @!p0 $0x0, s1;
	[sflag:s0] =	ssyncset.done @!p0 $0x0  }
0x263: {  	[sflag:s0] =	ssyncadd.s32 @!p0 s1  }
0x264: {  	[bflag:$0x3] =	sbarrier.arrive $0xFFFF  }
0x265: {  	_ =	shalt  }

</sc_bundles>
